<compile_context>
chip_gen: v7x
topology: tpu7x:2x2x1
jax: 0.10.2.dev20260603
libtpu: 0.0.44.dev20260713+nightly
codegen_flags: <defaults>
</compile_context>

<pallas_src>
import functools

import jax
import jax.numpy as jnp
from jax import lax
from jax.experimental import pallas as pl
from jax.experimental.pallas import tpu as pltpu
from jax.experimental.pallas import tpu_sc as plsc
from jax.experimental.layout import Layout, with_layout_constraint

_N_HEADS = 8
_TABLE_SIZE = 100000
_D_EMBED = 32

_info = plsc.get_sparse_core_info()
_NC, _NS, _L = _info.num_cores, _info.num_subcores, _info.num_lanes
_NW = _NC * _NS

_CHUNK = 1024


def _transpose_table(wt):
    n, bl = wt.shape[1], 3200

    def body(x_ref, o_ref):
        t3 = x_ref[...].T.reshape(bl // 4, 4, _D_EMBED)
        for c in range(4):
            o_ref[:, 32 * c:32 * (c + 1)] = t3[:, c, :]

    return pl.pallas_call(
        body,
        grid=(n // bl,),
        in_specs=[pl.BlockSpec((_D_EMBED, bl), lambda i: (0, i))],
        out_specs=pl.BlockSpec((bl // 4, 128), lambda i: (i, 0)),
        out_shape=jax.ShapeDtypeStruct((n // 4, 128), jnp.float32),
    )(wt)


def _sc_gather(T, n_blk_b):
    mesh = plsc.VectorSubcoreMesh(core_axis_name="c", subcore_axis_name="s")
    B = n_blk_b * 128

    @functools.partial(
        pl.kernel,
        mesh=mesh,
        compiler_params=pltpu.CompilerParams(use_tc_tiling_on_sc=False),
        out_type=jax.ShapeDtypeStruct((T, _N_HEADS, B, _D_EMBED), jnp.float32),
        scratch_types=[
            pltpu.VMEM((_CHUNK,), jnp.int32),
            pltpu.VMEM((_CHUNK,), jnp.int32),
            pltpu.VMEM((_CHUNK, _D_EMBED), jnp.float32),
            pltpu.VMEM((_CHUNK, _D_EMBED), jnp.float32),
            pltpu.SemaphoreType.DMA,
            pltpu.SemaphoreType.DMA,
            pltpu.SemaphoreType.DMA,
            pltpu.SemaphoreType.DMA,
            pltpu.SemaphoreType.DMA,
            pltpu.SemaphoreType.DMA,
        ],
    )
    def k(idx_hbm, w_hbm, out_hbm, idx_a, idx_b, rows_a, rows_b,
          si_a, si_b, sg_a, sg_b, ss_a, ss_b):
        wid = lax.axis_index("s") * _NC + lax.axis_index("c")

        def add_offsets(idx_v):
            for h in range(_N_HEADS):
                off = jnp.full((_L,), h * _TABLE_SIZE, jnp.int32)
                for u in range(128 // _L):
                    s = pl.ds(h * 128 + u * _L, _L)
                    idx_v[s] = idx_v[s] + off

        def start_idx(t, idx_v, sem):
            pltpu.async_copy(idx_hbm.at[t, wid], idx_v, sem)

        def wait_idx(idx_v, sem):
            pltpu.make_async_copy(idx_hbm.at[0, 0], idx_v, sem).wait()

        def start_gather(idx_v, rows_v, sem):
            pltpu.async_copy(w_hbm.at[idx_v], rows_v, sem)

        def wait_gather(rows_v, sem):
            pltpu.make_async_copy(w_hbm.at[pl.ds(0, _CHUNK)], rows_v,
                                  sem).wait()

        def start_store(t, rows_v, sem):
            for h in range(_N_HEADS):
                pltpu.async_copy(
                    rows_v.at[pl.ds(h * 128, 128)],
                    out_hbm.at[t, h, pl.ds(wid * 128, 128)], sem)

        def wait_store(rows_v, sem):
            pltpu.make_async_copy(rows_v, out_hbm.at[0, 0, pl.ds(0, _CHUNK)],
                                  sem).wait()

        start_idx(0, idx_a, si_a)
        wait_idx(idx_a, si_a)
        add_offsets(idx_a)
        start_gather(idx_a, rows_a, sg_a)
        start_idx(1, idx_b, si_b)

        def pair_body(i, carry):
            t = i * 2

            wait_idx(idx_b, si_b)
            add_offsets(idx_b)

            @pl.when(t > 0)
            def _():
                wait_store(rows_b, ss_b)
            wait_gather(rows_a, sg_a)
            start_store(t, rows_a, ss_a)
            start_gather(idx_b, rows_b, sg_b)

            @pl.when(t + 2 < T)
            def _():
                start_idx(t + 2, idx_a, si_a)

            @pl.when(t + 2 < T)
            def _():
                wait_idx(idx_a, si_a)
                add_offsets(idx_a)
            wait_store(rows_a, ss_a)
            wait_gather(rows_b, sg_b)
            start_store(t + 1, rows_b, ss_b)

            @pl.when(t + 2 < T)
            def _():
                start_gather(idx_a, rows_a, sg_a)

            @pl.when(t + 3 < T)
            def _():
                start_idx(t + 3, idx_b, si_b)
            return carry

        lax.fori_loop(0, T // 2, pair_body, 0)
        wait_store(rows_b, ss_b)

    return k


def kernel(indices, weight):
    B, T, H = indices.shape
    n_blk_b = B // 128
    w_rm = _transpose_table(weight.T).reshape(weight.shape[0], _D_EMBED)
    idx3 = (indices.transpose(1, 2, 0)
            .reshape(T, H, n_blk_b, 128)
            .transpose(0, 2, 1, 3)
            .reshape(T, n_blk_b, H * 128)
            .astype(jnp.int32))
    outz = _sc_gather(T, n_blk_b)(idx3, w_rm)
    out = outz.transpose(2, 0, 1, 3)
    return with_layout_constraint(
        out, Layout(major_to_minor=(1, 2, 0, 3)))

# --- scband reference (transcript-rebuilt; emitter-appended) ---
"""Pipeline reference for scband-multi-head-embedding-37142877176503 (READ-ONLY COPY).

The authoritative reference and input builder live on the scoring server;
editing this copy changes nothing except your own understanding.
"""

import jax, jax.numpy as jnp
import numpy as np

N_HEADS = 8
TABLE_SIZE = 100000
D_EMBED = 32

def setup_inputs(seed: int = 0) -> dict:
    key = jax.random.key(seed)
    k1, k2 = jax.random.split(key)
    indices = jax.random.randint(k1, (4096, 50, N_HEADS), 0, TABLE_SIZE, dtype=jnp.int64 if jax.config.jax_enable_x64 else jnp.int32)
    weight = jax.random.normal(k2, (N_HEADS * TABLE_SIZE, D_EMBED), dtype=jnp.float32) * 0.02
    return {"indices": indices, "weight": weight}

def reference(indices, weight):
    B, T, H = indices.shape
    offsets = jnp.arange(H, dtype=indices.dtype) * TABLE_SIZE
    flat_indices = (indices + offsets).reshape(-1)
    embs = jnp.take(weight, flat_indices, axis=0).reshape(B, T, H, D_EMBED)
    return embs

if __name__ == "__main__":
    import jax
    _d = setup_inputs()
    print(jax.jit(kernel)(*tuple(_d.values())))

</pallas_src>

<mosaic_0001>
#map = affine_map<(d0, d1) -> (0, 0, 0)>
#map1 = affine_map<(d0, d1) -> (0, 0)>
#map2 = affine_map<(d0, d1) -> (0, 0, 0, 0)>
module attributes {stable_mosaic.version = 14 : i64} {
  func.func @k(%arg0: i32, %arg1: i32, %arg2: memref<50x32x1024xi32, #tpu.memory_space<hbm>>, %arg3: memref<800000x32xf32, #tpu.memory_space<hbm>>, %arg4: memref<50x8x4096x32xf32, #tpu.memory_space<hbm>>, %arg5: memref<1024xi32, #tpu.memory_space<vmem>>, %arg6: memref<1024xi32, #tpu.memory_space<vmem>>, %arg7: memref<1024x32xf32, #tpu.memory_space<vmem>>, %arg8: memref<1024x32xf32, #tpu.memory_space<vmem>>, %arg9: memref<!tpu.dma_semaphore, #tpu.memory_space<semaphore_mem>>, %arg10: memref<!tpu.dma_semaphore, #tpu.memory_space<semaphore_mem>>, %arg11: memref<!tpu.dma_semaphore, #tpu.memory_space<semaphore_mem>>, %arg12: memref<!tpu.dma_semaphore, #tpu.memory_space<semaphore_mem>>, %arg13: memref<!tpu.dma_semaphore, #tpu.memory_space<semaphore_mem>>, %arg14: memref<!tpu.dma_semaphore, #tpu.memory_space<semaphore_mem>>) attributes {dimension_semantics = [#tpu.dimension_semantics<core_parallel>, #tpu.dimension_semantics<subcore_parallel>], iteration_bounds = array<i64: 2, 16>, scalar_prefetch = 0 : i64, scratch_operands = 10 : i64, tpu.core_type = #tpu.core_type<sc_vector_subcore>, window_params = [{transform_indices = #map}, {transform_indices = #map1}, {transform_indices = #map2}]} {
    %mul3A = arith.constant 2 : i32
    %mul3A_0 = arith.muli %arg1, %mul3A : i32
    %add3A = arith.addi %mul3A_0, %arg0 : i32
    %dma_start3A = arith.constant 0 : i32
    %dma_start3A_1 = arith.constant 0 : i32
    %dma_start3A_2 = tpu.memref_slice %arg2[%dma_start3A, %add3A, %dma_start3A_1] : memref<50x32x1024xi32, #tpu.memory_space<hbm>> -> memref<1x1x1024xi32, #tpu.memory_space<hbm>>
    %dma_start3A_3 = tpu.memref_squeeze %dma_start3A_2 : memref<1x1x1024xi32, #tpu.memory_space<hbm>> -> memref<1024xi32, #tpu.memory_space<hbm>>
    %dma_start3A_4 = arith.constant 0 : i32
    %dma_start3A_5 = tpu.memref_slice %arg2[%dma_start3A, %add3A, %dma_start3A_4] : memref<50x32x1024xi32, #tpu.memory_space<hbm>> -> memref<1x1x1024xi32, #tpu.memory_space<hbm>>
    %dma_start3A_6 = tpu.memref_squeeze %dma_start3A_5 : memref<1x1x1024xi32, #tpu.memory_space<hbm>> -> memref<1024xi32, #tpu.memory_space<hbm>>
    tpu.enqueue_dma source(%dma_start3A_6 : memref<1024xi32, #tpu.memory_space<hbm>>) target(%arg5 : memref<1024xi32, #tpu.memory_space<vmem>>) target_semaphore(%arg9 : memref<!tpu.dma_semaphore, #tpu.memory_space<semaphore_mem>>)
    %dma_wait3A = arith.constant 0 : i32
    %dma_wait3A_7 = arith.constant 0 : i32
    %dma_wait3A_8 = arith.constant 0 : i32
    %dma_wait3A_9 = tpu.memref_slice %arg2[%dma_wait3A, %dma_wait3A_7, %dma_wait3A_8] : memref<50x32x1024xi32, #tpu.memory_space<hbm>> -> memref<1x1x1024xi32, #tpu.memory_space<hbm>>
    %dma_wait3A_10 = tpu.memref_squeeze %dma_wait3A_9 : memref<1x1x1024xi32, #tpu.memory_space<hbm>> -> memref<1024xi32, #tpu.memory_space<hbm>>
    %dma_wait3A_11 = arith.constant 0 : i32
    %dma_wait3A_12 = tpu.memref_slice %arg2[%dma_wait3A, %dma_wait3A_7, %dma_wait3A_11] : memref<50x32x1024xi32, #tpu.memory_space<hbm>> -> memref<1x1x1024xi32, #tpu.memory_space<hbm>>
    %dma_wait3A_13 = tpu.memref_squeeze %dma_wait3A_12 : memref<1x1x1024xi32, #tpu.memory_space<hbm>> -> memref<1024xi32, #tpu.memory_space<hbm>>
    tpu.wait_dma2 semaphore(%arg9 : memref<!tpu.dma_semaphore, #tpu.memory_space<semaphore_mem>>) src(%dma_wait3A_13 : memref<1024xi32, #tpu.memory_space<hbm>>) dst(%arg5 : memref<1024xi32, #tpu.memory_space<vmem>>)
    %broadcast_in_dim3A = arith.constant 0 : i32
    %broadcast_in_dim3A_14 = vector.broadcast %broadcast_in_dim3A : i32 to vector<16xi32>
    %get3A = arith.constant 0 : index
    %get3A_15 = tpu.vector_load %arg5[%get3A] {strides = array<i32>} : memref<1024xi32, #tpu.memory_space<vmem>>, vector<16xi32>,
    %get3A_16 = vector.shape_cast %get3A_15 : vector<16xi32> to vector<16xi32>
    %add3A_17 = arith.addi %get3A_16, %broadcast_in_dim3A_14 : vector<16xi32>
    %swap3A = arith.constant 0 : index
    %swap3A_18 = tpu.vector_load %arg5[%swap3A] {strides = array<i32>} : memref<1024xi32, #tpu.memory_space<vmem>>, vector<16xi32>,
    %swap3A_19 = vector.shape_cast %swap3A_18 : vector<16xi32> to vector<16xi32>
    %swap3A_20 = vector.shape_cast %add3A_17 : vector<16xi32> to vector<16xi32>
    tpu.vector_store %arg5[%swap3A], %swap3A_20 {strides = array<i32>} : memref<1024xi32, #tpu.memory_space<vmem>>, vector<16xi32>,
    %get3A_21 = arith.constant 16 : index
    %get3A_22 = tpu.vector_load %arg5[%get3A_21] {strides = array<i32>} : memref<1024xi32, #tpu.memory_space<vmem>>, vector<16xi32>,
    %get3A_23 = vector.shape_cast %get3A_22 : vector<16xi32> to vector<16xi32>
    %add3A_24 = arith.addi %get3A_23, %broadcast_in_dim3A_14 : vector<16xi32>
    %swap3A_25 = arith.constant 16 : index
    %swap3A_26 = tpu.vector_load %arg5[%swap3A_25] {strides = array<i32>} : memref<1024xi32, #tpu.memory_space<vmem>>, vector<16xi32>,
    %swap3A_27 = vector.shape_cast %swap3A_26 : vector<16xi32> to vector<16xi32>
    %swap3A_28 = vector.shape_cast %add3A_24 : vector<16xi32> to vector<16xi32>
    tpu.vector_store %arg5[%swap3A_25], %swap3A_28 {strides = array<i32>} : memref<1024xi32, #tpu.memory_space<vmem>>, vector<16xi32>,
    %get3A_29 = arith.constant 32 : index
    %get3A_30 = tpu.vector_load %arg5[%get3A_29] {strides = array<i32>} : memref<1024xi32, #tpu.memory_space<vmem>>, vector<16xi32>,
    %get3A_31 = vector.shape_cast %get3A_30 : vector<16xi32> to vector<16xi32>
    %add3A_32 = arith.addi %get3A_31, %broadcast_in_dim3A_14 : vector<16xi32>
    %swap3A_33 = arith.constant 32 : index
    %swap3A_34 = tpu.vector_load %arg5[%swap3A_33] {strides = array<i32>} : memref<1024xi32, #tpu.memory_space<vmem>>, vector<16xi32>,
    %swap3A_35 = vector.shape_cast %swap3A_34 : vector<16xi32> to vector<16xi32>
    %swap3A_36 = vector.shape_cast %add3A_32 : vector<16xi32> to vector<16xi32>
    tpu.vector_store %arg5[%swap3A_33], %swap3A_36 {strides = array<i32>} : memref<1024xi32, #tpu.memory_space<vmem>>, vector<16xi32>,
    %get3A_37 = arith.constant 48 : index
    %get3A_38 = tpu.vector_load %arg5[%get3A_37] {strides = array<i32>} : memref<1024xi32, #tpu.memory_space<vmem>>, vector<16xi32>,
    %get3A_39 = vector.shape_cast %get3A_38 : vector<16xi32> to vector<16xi32>
    %add3A_40 = arith.addi %get3A_39, %broadcast_in_dim3A_14 : vector<16xi32>
    %swap3A_41 = arith.constant 48 : index
    %swap3A_42 = tpu.vector_load %arg5[%swap3A_41] {strides = array<i32>} : memref<1024xi32, #tpu.memory_space<vmem>>, vector<16xi32>,
    %swap3A_43 = vector.shape_cast %swap3A_42 : vector<16xi32> to vector<16xi32>
    %swap3A_44 = vector.shape_cast %add3A_40 : vector<16xi32> to vector<16xi32>
    tpu.vector_store %arg5[%swap3A_41], %swap3A_44 {strides = array<i32>} : memref<1024xi32, #tpu.memory_space<vmem>>, vector<16xi32>,
    %get3A_45 = arith.constant 64 : index
    %get3A_46 = tpu.vector_load %arg5[%get3A_45] {strides = array<i32>} : memref<1024xi32, #tpu.memory_space<vmem>>, vector<16xi32>,
    %get3A_47 = vector.shape_cast %get3A_46 : vector<16xi32> to vector<16xi32>
    %add3A_48 = arith.addi %get3A_47, %broadcast_in_dim3A_14 : vector<16xi32>
    %swap3A_49 = arith.constant 64 : index
    %swap3A_50 = tpu.vector_load %arg5[%swap3A_49] {strides = array<i32>} : memref<1024xi32, #tpu.memory_space<vmem>>, vector<16xi32>,
    %swap3A_51 = vector.shape_cast %swap3A_50 : vector<16xi32> to vector<16xi32>
    %swap3A_52 = vector.shape_cast %add3A_48 : vector<16xi32> to vector<16xi32>
    tpu.vector_store %arg5[%swap3A_49], %swap3A_52 {strides = array<i32>} : memref<1024xi32, #tpu.memory_space<vmem>>, vector<16xi32>,
    %get3A_53 = arith.constant 80 : index
    %get3A_54 = tpu.vector_load %arg5[%get3A_53] {strides = array<i32>} : memref<1024xi32, #tpu.memory_space<vmem>>, vector<16xi32>,
    %get3A_55 = vector.shape_cast %get3A_54 : vector<16xi32> to vector<16xi32>
    %add3A_56 = arith.addi %get3A_55, %broadcast_in_dim3A_14 : vector<16xi32>
    %swap3A_57 = arith.constant 80 : index
    %swap3A_58 = tpu.vector_load %arg5[%swap3A_57] {strides = array<i32>} : memref<1024xi32, #tpu.memory_space<vmem>>, vector<16xi32>,
    %swap3A_59 = vector.shape_cast %swap3A_58 : vector<16xi32> to vector<16xi32>
    %swap3A_60 = vector.shape_cast %add3A_56 : vector<16xi32> to vector<16xi32>
    tpu.vector_store %arg5[%swap3A_57], %swap3A_60 {strides = array<i32>} : memref<1024xi32, #tpu.memory_space<vmem>>, vector<16xi32>,
    %get3A_61 = arith.constant 96 : index
    %get3A_62 = tpu.vector_load %arg5[%get3A_61] {strides = array<i32>} : memref<1024xi32, #tpu.memory_space<vmem>>, vector<16xi32>,
    %get3A_63 = vector.shape_cast %get3A_62 : vector<16xi32> to vector<16xi32>
    %add3A_64 = arith.addi %get3A_63, %broadcast_in_dim3A_14 : vector<16xi32>
    %swap3A_65 = arith.constant 96 : index
    %swap3A_66 = tpu.vector_load %arg5[%swap3A_65] {strides = array<i32>} : memref<1024xi32, #tpu.memory_space<vmem>>, vector<16xi32>,
    %swap3A_67 = vector.shape_cast %swap3A_66 : vector<16xi32> to vector<16xi32>
    %swap3A_68 = vector.shape_cast %add3A_64 : vector<16xi32> to vector<16xi32>
    tpu.vector_store %arg5[%swap3A_65], %swap3A_68 {strides = array<i32>} : memref<1024xi32, #tpu.memory_space<vmem>>, vector<16xi32>,
    %get3A_69 = arith.constant 112 : index
    %get3A_70 = tpu.vector_load %arg5[%get3A_69] {strides = array<i32>} : memref<1024xi32, #tpu.memory_space<vmem>>, vector<16xi32>,
    %get3A_71 = vector.shape_cast %get3A_70 : vector<16xi32> to vector<16xi32>
    %add3A_72 = arith.addi %get3A_71, %broadcast_in_dim3A_14 : vector<16xi32>
    %swap3A_73 = arith.constant 112 : index
    %swap3A_74 = tpu.vector_load %arg5[%swap3A_73] {strides = array<i32>} : memref<1024xi32, #tpu.memory_space<vmem>>, vector<16xi32>,
    %swap3A_75 = vector.shape_cast %swap3A_74 : vector<16xi32> to vector<16xi32>
    %swap3A_76 = vector.shape_cast %add3A_72 : vector<16xi32> to vector<16xi32>
    tpu.vector_store %arg5[%swap3A_73], %swap3A_76 {strides = array<i32>} : memref<1024xi32, #tpu.memory_space<vmem>>, vector<16xi32>,
    %broadcast_in_dim3A_77 = arith.constant 100000 : i32
    %broadcast_in_dim3A_78 = vector.broadcast %broadcast_in_dim3A_77 : i32 to vector<16xi32>
    %get3A_79 = arith.constant 128 : index
    %get3A_80 = tpu.vector_load %arg5[%get3A_79] {strides = array<i32>} : memref<1024xi32, #tpu.memory_space<vmem>>, vector<16xi32>,
    %get3A_81 = vector.shape_cast %get3A_80 : vector<16xi32> to vector<16xi32>
    %add3A_82 = arith.addi %get3A_81, %broadcast_in_dim3A_78 : vector<16xi32>
    %swap3A_83 = arith.constant 128 : index
    %swap3A_84 = tpu.vector_load %arg5[%swap3A_83] {strides = array<i32>} : memref<1024xi32, #tpu.memory_space<vmem>>, vector<16xi32>,
    %swap3A_85 = vector.shape_cast %swap3A_84 : vector<16xi32> to vector<16xi32>
    %swap3A_86 = vector.shape_cast %add3A_82 : vector<16xi32> to vector<16xi32>
    tpu.vector_store %arg5[%swap3A_83], %swap3A_86 {strides = array<i32>} : memref<1024xi32, #tpu.memory_space<vmem>>, vector<16xi32>,
    %get3A_87 = arith.constant 144 : index
    %get3A_88 = tpu.vector_load %arg5[%get3A_87] {strides = array<i32>} : memref<1024xi32, #tpu.memory_space<vmem>>, vector<16xi32>,
    %get3A_89 = vector.shape_cast %get3A_88 : vector<16xi32> to vector<16xi32>
    %add3A_90 = arith.addi %get3A_89, %broadcast_in_dim3A_78 : vector<16xi32>
    %swap3A_91 = arith.constant 144 : index
    %swap3A_92 = tpu.vector_load %arg5[%swap3A_91] {strides = array<i32>} : memref<1024xi32, #tpu.memory_space<vmem>>, vector<16xi32>,
    %swap3A_93 = vector.shape_cast %swap3A_92 : vector<16xi32> to vector<16xi32>
    %swap3A_94 = vector.shape_cast %add3A_90 : vector<16xi32> to vector<16xi32>
    tpu.vector_store %arg5[%swap3A_91], %swap3A_94 {strides = array<i32>} : memref<1024xi32, #tpu.memory_space<vmem>>, vector<16xi32>,
    %get3A_95 = arith.constant 160 : index
    %get3A_96 = tpu.vector_load %arg5[%get3A_95] {strides = array<i32>} : memref<1024xi32, #tpu.memory_space<vmem>>, vector<16xi32>,
    %get3A_97 = vector.shape_cast %get3A_96 : vector<16xi32> to vector<16xi32>
    %add3A_98 = arith.addi %get3A_97, %broadcast_in_dim3A_78 : vector<16xi32>
    %swap3A_99 = arith.constant 160 : index
    %swap3A_100 = tpu.vector_load %arg5[%swap3A_99] {strides = array<i32>} : memref<1024xi32, #tpu.memory_space<vmem>>, vector<16xi32>,
    %swap3A_101 = vector.shape_cast %swap3A_100 : vector<16xi32> to vector<16xi32>
    %swap3A_102 = vector.shape_cast %add3A_98 : vector<16xi32> to vector<16xi32>
    tpu.vector_store %arg5[%swap3A_99], %swap3A_102 {strides = array<i32>} : memref<1024xi32, #tpu.memory_space<vmem>>, vector<16xi32>,
    %get3A_103 = arith.constant 176 : index
    %get3A_104 = tpu.vector_load %arg5[%get3A_103] {strides = array<i32>} : memref<1024xi32, #tpu.memory_space<vmem>>, vector<16xi32>,
    %get3A_105 = vector.shape_cast %get3A_104 : vector<16xi32> to vector<16xi32>
    %add3A_106 = arith.addi %get3A_105, %broadcast_in_dim3A_78 : vector<16xi32>
    %swap3A_107 = arith.constant 176 : index
    %swap3A_108 = tpu.vector_load %arg5[%swap3A_107] {strides = array<i32>} : memref<1024xi32, #tpu.memory_space<vmem>>, vector<16xi32>,
    %swap3A_109 = vector.shape_cast %swap3A_108 : vector<16xi32> to vector<16xi32>
    %swap3A_110 = vector.shape_cast %add3A_106 : vector<16xi32> to vector<16xi32>
    tpu.vector_store %arg5[%swap3A_107], %swap3A_110 {strides = array<i32>} : memref<1024xi32, #tpu.memory_space<vmem>>, vector<16xi32>,
    %get3A_111 = arith.constant 192 : index
    %get3A_112 = tpu.vector_load %arg5[%get3A_111] {strides = array<i32>} : memref<1024xi32, #tpu.memory_space<vmem>>, vector<16xi32>,
    %get3A_113 = vector.shape_cast %get3A_112 : vector<16xi32> to vector<16xi32>
    %add3A_114 = arith.addi %get3A_113, %broadcast_in_dim3A_78 : vector<16xi32>
    %swap3A_115 = arith.constant 192 : index
    %swap3A_116 = tpu.vector_load %arg5[%swap3A_115] {strides = array<i32>} : memref<1024xi32, #tpu.memory_space<vmem>>, vector<16xi32>,
    %swap3A_117 = vector.shape_cast %swap3A_116 : vector<16xi32> to vector<16xi32>
    %swap3A_118 = vector.shape_cast %add3A_114 : vector<16xi32> to vector<16xi32>
    tpu.vector_store %arg5[%swap3A_115], %swap3A_118 {strides = array<i32>} : memref<1024xi32, #tpu.memory_space<vmem>>, vector<16xi32>,
    %get3A_119 = arith.constant 208 : index
    %get3A_120 = tpu.vector_load %arg5[%get3A_119] {strides = array<i32>} : memref<1024xi32, #tpu.memory_space<vmem>>, vector<16xi32>,
    %get3A_121 = vector.shape_cast %get3A_120 : vector<16xi32> to vector<16xi32>
    %add3A_122 = arith.addi %get3A_121, %broadcast_in_dim3A_78 : vector<16xi32>
    %swap3A_123 = arith.constant 208 : index
    %swap3A_124 = tpu.vector_load %arg5[%swap3A_123] {strides = array<i32>} : memref<1024xi32, #tpu.memory_space<vmem>>, vector<16xi32>,
    %swap3A_125 = vector.shape_cast %swap3A_124 : vector<16xi32> to vector<16xi32>
    %swap3A_126 = vector.shape_cast %add3A_122 : vector<16xi32> to vector<16xi32>
    tpu.vector_store %arg5[%swap3A_123], %swap3A_126 {strides = array<i32>} : memref<1024xi32, #tpu.memory_space<vmem>>, vector<16xi32>,
    %get3A_127 = arith.constant 224 : index
    %get3A_128 = tpu.vector_load %arg5[%get3A_127] {strides = array<i32>} : memref<1024xi32, #tpu.memory_space<vmem>>, vector<16xi32>,
    %get3A_129 = vector.shape_cast %get3A_128 : vector<16xi32> to vector<16xi32>
    %add3A_130 = arith.addi %get3A_129, %broadcast_in_dim3A_78 : vector<16xi32>
    %swap3A_131 = arith.constant 224 : index
    %swap3A_132 = tpu.vector_load %arg5[%swap3A_131] {strides = array<i32>} : memref<1024xi32, #tpu.memory_space<vmem>>, vector<16xi32>,
    %swap3A_133 = vector.shape_cast %swap3A_132 : vector<16xi32> to vector<16xi32>
    %swap3A_134 = vector.shape_cast %add3A_130 : vector<16xi32> to vector<16xi32>
    tpu.vector_store %arg5[%swap3A_131], %swap3A_134 {strides = array<i32>} : memref<1024xi32, #tpu.memory_space<vmem>>, vector<16xi32>,
    %get3A_135 = arith.constant 240 : index
    %get3A_136 = tpu.vector_load %arg5[%get3A_135] {strides = array<i32>} : memref<1024xi32, #tpu.memory_space<vmem>>, vector<16xi32>,
    %get3A_137 = vector.shape_cast %get3A_136 : vector<16xi32> to vector<16xi32>
    %add3A_138 = arith.addi %get3A_137, %broadcast_in_dim3A_78 : vector<16xi32>
    %swap3A_139 = arith.constant 240 : index
    %swap3A_140 = tpu.vector_load %arg5[%swap3A_139] {strides = array<i32>} : memref<1024xi32, #tpu.memory_space<vmem>>, vector<16xi32>,
    %swap3A_141 = vector.shape_cast %swap3A_140 : vector<16xi32> to vector<16xi32>
    %swap3A_142 = vector.shape_cast %add3A_138 : vector<16xi32> to vector<16xi32>
    tpu.vector_store %arg5[%swap3A_139], %swap3A_142 {strides = array<i32>} : memref<1024xi32, #tpu.memory_space<vmem>>, vector<16xi32>,
    %broadcast_in_dim3A_143 = arith.constant 200000 : i32
    %broadcast_in_dim3A_144 = vector.broadcast %broadcast_in_dim3A_143 : i32 to vector<16xi32>
    %get3A_145 = arith.constant 256 : index
    %get3A_146 = tpu.vector_load %arg5[%get3A_145] {strides = array<i32>} : memref<1024xi32, #tpu.memory_space<vmem>>, vector<16xi32>,
    %get3A_147 = vector.shape_cast %get3A_146 : vector<16xi32> to vector<16xi32>
    %add3A_148 = arith.addi %get3A_147, %broadcast_in_dim3A_144 : vector<16xi32>
    %swap3A_149 = arith.constant 256 : index
    %swap3A_150 = tpu.vector_load %arg5[%swap3A_149] {strides = array<i32>} : memref<1024xi32, #tpu.memory_space<vmem>>, vector<16xi32>,
    %swap3A_151 = vector.shape_cast %swap3A_150 : vector<16xi32> to vector<16xi32>
    %swap3A_152 = vector.shape_cast %add3A_148 : vector<16xi32> to vector<16xi32>
    tpu.vector_store %arg5[%swap3A_149], %swap3A_152 {strides = array<i32>} : memref<1024xi32, #tpu.memory_space<vmem>>, vector<16xi32>,
    %get3A_153 = arith.constant 272 : index
    %get3A_154 = tpu.vector_load %arg5[%get3A_153] {strides = array<i32>} : memref<1024xi32, #tpu.memory_space<vmem>>, vector<16xi32>,
    %get3A_155 = vector.shape_cast %get3A_154 : vector<16xi32> to vector<16xi32>
    %add3A_156 = arith.addi %get3A_155, %broadcast_in_dim3A_144 : vector<16xi32>
    %swap3A_157 = arith.constant 272 : index
    %swap3A_158 = tpu.vector_load %arg5[%swap3A_157] {strides = array<i32>} : memref<1024xi32, #tpu.memory_space<vmem>>, vector<16xi32>,
    %swap3A_159 = vector.shape_cast %swap3A_158 : vector<16xi32> to vector<16xi32>
    %swap3A_160 = vector.shape_cast %add3A_156 : vector<16xi32> to vector<16xi32>
    tpu.vector_store %arg5[%swap3A_157], %swap3A_160 {strides = array<i32>} : memref<1024xi32, #tpu.memory_space<vmem>>, vector<16xi32>,
    %get3A_161 = arith.constant 288 : index
    %get3A_162 = tpu.vector_load %arg5[%get3A_161] {strides = array<i32>} : memref<1024xi32, #tpu.memory_space<vmem>>, vector<16xi32>,
    %get3A_163 = vector.shape_cast %get3A_162 : vector<16xi32> to vector<16xi32>
    %add3A_164 = arith.addi %get3A_163, %broadcast_in_dim3A_144 : vector<16xi32>
    %swap3A_165 = arith.constant 288 : index
    %swap3A_166 = tpu.vector_load %arg5[%swap3A_165] {strides = array<i32>} : memref<1024xi32, #tpu.memory_space<vmem>>, vector<16xi32>,
    %swap3A_167 = vector.shape_cast %swap3A_166 : vector<16xi32> to vector<16xi32>
    %swap3A_168 = vector.shape_cast %add3A_164 : vector<16xi32> to vector<16xi32>
    tpu.vector_store %arg5[%swap3A_165], %swap3A_168 {strides = array<i32>} : memref<1024xi32, #tpu.memory_space<vmem>>, vector<16xi32>,
    %get3A_169 = arith.constant 304 : index
    %get3A_170 = tpu.vector_load %arg5[%get3A_169] {strides = array<i32>} : memref<1024xi32, #tpu.memory_space<vmem>>, vector<16xi32>,
    %get3A_171 = vector.shape_cast %get3A_170 : vector<16xi32> to vector<16xi32>
    %add3A_172 = arith.addi %get3A_171, %broadcast_in_dim3A_144 : vector<16xi32>
    %swap3A_173 = arith.constant 304 : index
    %swap3A_174 = tpu.vector_load %arg5[%swap3A_173] {strides = array<i32>} : memref<1024xi32, #tpu.memory_space<vmem>>, vector<16xi32>,
    %swap3A_175 = vector.shape_cast %swap3A_174 : vector<16xi32> to vector<16xi32>
    %swap3A_176 = vector.shape_cast %add3A_172 : vector<16xi32> to vector<16xi32>
    tpu.vector_store %arg5[%swap3A_173], %swap3A_176 {strides = array<i32>} : memref<1024xi32, #tpu.memory_space<vmem>>, vector<16xi32>,
    %get3A_177 = arith.constant 320 : index
    %get3A_178 = tpu.vector_load %arg5[%get3A_177] {strides = array<i32>} : memref<1024xi32, #tpu.memory_space<vmem>>, vector<16xi32>,
    %get3A_179 = vector.shape_cast %get3A_178 : vector<16xi32> to vector<16xi32>
    %add3A_180 = arith.addi %get3A_179, %broadcast_in_dim3A_144 : vector<16xi32>
    %swap3A_181 = arith.constant 320 : index
    %swap3A_182 = tpu.vector_load %arg5[%swap3A_181] {strides = array<i32>} : memref<1024xi32, #tpu.memory_space<vmem>>, vector<16xi32>,
    %swap3A_183 = vector.shape_cast %swap3A_182 : vector<16xi32> to vector<16xi32>
    %swap3A_184 = vector.shape_cast %add3A_180 : vector<16xi32> to vector<16xi32>
    tpu.vector_store %arg5[%swap3A_181], %swap3A_184 {strides = array<i32>} : memref<1024xi32, #tpu.memory_space<vmem>>, vector<16xi32>,
    %get3A_185 = arith.constant 336 : index
    %get3A_186 = tpu.vector_load %arg5[%get3A_185] {strides = array<i32>} : memref<1024xi32, #tpu.memory_space<vmem>>, vector<16xi32>,
    %get3A_187 = vector.shape_cast %get3A_186 : vector<16xi32> to vector<16xi32>
    %add3A_188 = arith.addi %get3A_187, %broadcast_in_dim3A_144 : vector<16xi32>
    %swap3A_189 = arith.constant 336 : index
    %swap3A_190 = tpu.vector_load %arg5[%swap3A_189] {strides = array<i32>} : memref<1024xi32, #tpu.memory_space<vmem>>, vector<16xi32>,
    %swap3A_191 = vector.shape_cast %swap3A_190 : vector<16xi32> to vector<16xi32>
    %swap3A_192 = vector.shape_cast %add3A_188 : vector<16xi32> to vector<16xi32>
    tpu.vector_store %arg5[%swap3A_189], %swap3A_192 {strides = array<i32>} : memref<1024xi32, #tpu.memory_space<vmem>>, vector<16xi32>,
    %get3A_193 = arith.constant 352 : index
    %get3A_194 = tpu.vector_load %arg5[%get3A_193] {strides = array<i32>} : memref<1024xi32, #tpu.memory_space<vmem>>, vector<16xi32>,
    %get3A_195 = vector.shape_cast %get3A_194 : vector<16xi32> to vector<16xi32>
    %add3A_196 = arith.addi %get3A_195, %broadcast_in_dim3A_144 : vector<16xi32>
    %swap3A_197 = arith.constant 352 : index
    %swap3A_198 = tpu.vector_load %arg5[%swap3A_197] {strides = array<i32>} : memref<1024xi32, #tpu.memory_space<vmem>>, vector<16xi32>,
    %swap3A_199 = vector.shape_cast %swap3A_198 : vector<16xi32> to vector<16xi32>
    %swap3A_200 = vector.shape_cast %add3A_196 : vector<16xi32> to vector<16xi32>
    tpu.vector_store %arg5[%swap3A_197], %swap3A_200 {strides = array<i32>} : memref<1024xi32, #tpu.memory_space<vmem>>, vector<16xi32>,
    %get3A_201 = arith.constant 368 : index
    %get3A_202 = tpu.vector_load %arg5[%get3A_201] {strides = array<i32>} : memref<1024xi32, #tpu.memory_space<vmem>>, vector<16xi32>,
    %get3A_203 = vector.shape_cast %get3A_202 : vector<16xi32> to vector<16xi32>
    %add3A_204 = arith.addi %get3A_203, %broadcast_in_dim3A_144 : vector<16xi32>
    %swap3A_205 = arith.constant 368 : index
    %swap3A_206 = tpu.vector_load %arg5[%swap3A_205] {strides = array<i32>} : memref<1024xi32, #tpu.memory_space<vmem>>, vector<16xi32>,
    %swap3A_207 = vector.shape_cast %swap3A_206 : vector<16xi32> to vector<16xi32>
    %swap3A_208 = vector.shape_cast %add3A_204 : vector<16xi32> to vector<16xi32>
    tpu.vector_store %arg5[%swap3A_205], %swap3A_208 {strides = array<i32>} : memref<1024xi32, #tpu.memory_space<vmem>>, vector<16xi32>,
    %broadcast_in_dim3A_209 = arith.constant 300000 : i32
    %broadcast_in_dim3A_210 = vector.broadcast %broadcast_in_dim3A_209 : i32 to vector<16xi32>
    %get3A_211 = arith.constant 384 : index
    %get3A_212 = tpu.vector_load %arg5[%get3A_211] {strides = array<i32>} : memref<1024xi32, #tpu.memory_space<vmem>>, vector<16xi32>,
    %get3A_213 = vector.shape_cast %get3A_212 : vector<16xi32> to vector<16xi32>
    %add3A_214 = arith.addi %get3A_213, %broadcast_in_dim3A_210 : vector<16xi32>
    %swap3A_215 = arith.constant 384 : index
    %swap3A_216 = tpu.vector_load %arg5[%swap3A_215] {strides = array<i32>} : memref<1024xi32, #tpu.memory_space<vmem>>, vector<16xi32>,
    %swap3A_217 = vector.shape_cast %swap3A_216 : vector<16xi32> to vector<16xi32>
    %swap3A_218 = vector.shape_cast %add3A_214 : vector<16xi32> to vector<16xi32>
    tpu.vector_store %arg5[%swap3A_215], %swap3A_218 {strides = array<i32>} : memref<1024xi32, #tpu.memory_space<vmem>>, vector<16xi32>,
    %get3A_219 = arith.constant 400 : index
    %get3A_220 = tpu.vector_load %arg5[%get3A_219] {strides = array<i32>} : memref<1024xi32, #tpu.memory_space<vmem>>, vector<16xi32>,
    %get3A_221 = vector.shape_cast %get3A_220 : vector<16xi32> to vector<16xi32>
    %add3A_222 = arith.addi %get3A_221, %broadcast_in_dim3A_210 : vector<16xi32>
    %swap3A_223 = arith.constant 400 : index
    %swap3A_224 = tpu.vector_load %arg5[%swap3A_223] {strides = array<i32>} : memref<1024xi32, #tpu.memory_space<vmem>>, vector<16xi32>,
    %swap3A_225 = vector.shape_cast %swap3A_224 : vector<16xi32> to vector<16xi32>
    %swap3A_226 = vector.shape_cast %add3A_222 : vector<16xi32> to vector<16xi32>
    tpu.vector_store %arg5[%swap3A_223], %swap3A_226 {strides = array<i32>} : memref<1024xi32, #tpu.memory_space<vmem>>, vector<16xi32>,
    %get3A_227 = arith.constant 416 : index
    %get3A_228 = tpu.vector_load %arg5[%get3A_227] {strides = array<i32>} : memref<1024xi32, #tpu.memory_space<vmem>>, vector<16xi32>,
    %get3A_229 = vector.shape_cast %get3A_228 : vector<16xi32> to vector<16xi32>
    %add3A_230 = arith.addi %get3A_229, %broadcast_in_dim3A_210 : vector<16xi32>
    %swap3A_231 = arith.constant 416 : index
    %swap3A_232 = tpu.vector_load %arg5[%swap3A_231] {strides = array<i32>} : memref<1024xi32, #tpu.memory_space<vmem>>, vector<16xi32>,
    %swap3A_233 = vector.shape_cast %swap3A_232 : vector<16xi32> to vector<16xi32>
    %swap3A_234 = vector.shape_cast %add3A_230 : vector<16xi32> to vector<16xi32>
    tpu.vector_store %arg5[%swap3A_231], %swap3A_234 {strides = array<i32>} : memref<1024xi32, #tpu.memory_space<vmem>>, vector<16xi32>,
    %get3A_235 = arith.constant 432 : index
    %get3A_236 = tpu.vector_load %arg5[%get3A_235] {strides = array<i32>} : memref<1024xi32, #tpu.memory_space<vmem>>, vector<16xi32>,
    %get3A_237 = vector.shape_cast %get3A_236 : vector<16xi32> to vector<16xi32>
    %add3A_238 = arith.addi %get3A_237, %broadcast_in_dim3A_210 : vector<16xi32>
    %swap3A_239 = arith.constant 432 : index
    %swap3A_240 = tpu.vector_load %arg5[%swap3A_239] {strides = array<i32>} : memref<1024xi32, #tpu.memory_space<vmem>>, vector<16xi32>,
    %swap3A_241 = vector.shape_cast %swap3A_240 : vector<16xi32> to vector<16xi32>
    %swap3A_242 = vector.shape_cast %add3A_238 : vector<16xi32> to vector<16xi32>
    tpu.vector_store %arg5[%swap3A_239], %swap3A_242 {strides = array<i32>} : memref<1024xi32, #tpu.memory_space<vmem>>, vector<16xi32>,
    %get3A_243 = arith.constant 448 : index
    %get3A_244 = tpu.vector_load %arg5[%get3A_243] {strides = array<i32>} : memref<1024xi32, #tpu.memory_space<vmem>>, vector<16xi32>,
    %get3A_245 = vector.shape_cast %get3A_244 : vector<16xi32> to vector<16xi32>
    %add3A_246 = arith.addi %get3A_245, %broadcast_in_dim3A_210 : vector<16xi32>
    %swap3A_247 = arith.constant 448 : index
    %swap3A_248 = tpu.vector_load %arg5[%swap3A_247] {strides = array<i32>} : memref<1024xi32, #tpu.memory_space<vmem>>, vector<16xi32>,
    %swap3A_249 = vector.shape_cast %swap3A_248 : vector<16xi32> to vector<16xi32>
    %swap3A_250 = vector.shape_cast %add3A_246 : vector<16xi32> to vector<16xi32>
    tpu.vector_store %arg5[%swap3A_247], %swap3A_250 {strides = array<i32>} : memref<1024xi32, #tpu.memory_space<vmem>>, vector<16xi32>,
    %get3A_251 = arith.constant 464 : index
    %get3A_252 = tpu.vector_load %arg5[%get3A_251] {strides = array<i32>} : memref<1024xi32, #tpu.memory_space<vmem>>, vector<16xi32>,
    %get3A_253 = vector.shape_cast %get3A_252 : vector<16xi32> to vector<16xi32>
    %add3A_254 = arith.addi %get3A_253, %broadcast_in_dim3A_210 : vector<16xi32>
    %swap3A_255 = arith.constant 464 : index
    %swap3A_256 = tpu.vector_load %arg5[%swap3A_255] {strides = array<i32>} : memref<1024xi32, #tpu.memory_space<vmem>>, vector<16xi32>,
    %swap3A_257 = vector.shape_cast %swap3A_256 : vector<16xi32> to vector<16xi32>
    %swap3A_258 = vector.shape_cast %add3A_254 : vector<16xi32> to vector<16xi32>
    tpu.vector_store %arg5[%swap3A_255], %swap3A_258 {strides = array<i32>} : memref<1024xi32, #tpu.memory_space<vmem>>, vector<16xi32>,
    %get3A_259 = arith.constant 480 : index
    %get3A_260 = tpu.vector_load %arg5[%get3A_259] {strides = array<i32>} : memref<1024xi32, #tpu.memory_space<vmem>>, vector<16xi32>,
    %get3A_261 = vector.shape_cast %get3A_260 : vector<16xi32> to vector<16xi32>
    %add3A_262 = arith.addi %get3A_261, %broadcast_in_dim3A_210 : vector<16xi32>
    %swap3A_263 = arith.constant 480 : index
    %swap3A_264 = tpu.vector_load %arg5[%swap3A_263] {strides = array<i32>} : memref<1024xi32, #tpu.memory_space<vmem>>, vector<16xi32>,
    %swap3A_265 = vector.shape_cast %swap3A_264 : vector<16xi32> to vector<16xi32>
    %swap3A_266 = vector.shape_cast %add3A_262 : vector<16xi32> to vector<16xi32>
    tpu.vector_store %arg5[%swap3A_263], %swap3A_266 {strides = array<i32>} : memref<1024xi32, #tpu.memory_space<vmem>>, vector<16xi32>,
    %get3A_267 = arith.constant 496 : index
    %get3A_268 = tpu.vector_load %arg5[%get3A_267] {strides = array<i32>} : memref<1024xi32, #tpu.memory_space<vmem>>, vector<16xi32>,
    %get3A_269 = vector.shape_cast %get3A_268 : vector<16xi32> to vector<16xi32>
    %add3A_270 = arith.addi %get3A_269, %broadcast_in_dim3A_210 : vector<16xi32>
    %swap3A_271 = arith.constant 496 : index
    %swap3A_272 = tpu.vector_load %arg5[%swap3A_271] {strides = array<i32>} : memref<1024xi32, #tpu.memory_space<vmem>>, vector<16xi32>,
    %swap3A_273 = vector.shape_cast %swap3A_272 : vector<16xi32> to vector<16xi32>
    %swap3A_274 = vector.shape_cast %add3A_270 : vector<16xi32> to vector<16xi32>
    tpu.vector_store %arg5[%swap3A_271], %swap3A_274 {strides = array<i32>} : memref<1024xi32, #tpu.memory_space<vmem>>, vector<16xi32>,
    %broadcast_in_dim3A_275 = arith.constant 400000 : i32
    %broadcast_in_dim3A_276 = vector.broadcast %broadcast_in_dim3A_275 : i32 to vector<16xi32>
    %get3A_277 = arith.constant 512 : index
    %get3A_278 = tpu.vector_load %arg5[%get3A_277] {strides = array<i32>} : memref<1024xi32, #tpu.memory_space<vmem>>, vector<16xi32>,
    %get3A_279 = vector.shape_cast %get3A_278 : vector<16xi32> to vector<16xi32>
    %add3A_280 = arith.addi %get3A_279, %broadcast_in_dim3A_276 : vector<16xi32>
    %swap3A_281 = arith.constant 512 : index
    %swap3A_282 = tpu.vector_load %arg5[%swap3A_281] {strides = array<i32>} : memref<1024xi32, #tpu.memory_space<vmem>>, vector<16xi32>,
    %swap3A_283 = vector.shape_cast %swap3A_282 : vector<16xi32> to vector<16xi32>
    %swap3A_284 = vector.shape_cast %add3A_280 : vector<16xi32> to vector<16xi32>
    tpu.vector_store %arg5[%swap3A_281], %swap3A_284 {strides = array<i32>} : memref<1024xi32, #tpu.memory_space<vmem>>, vector<16xi32>,
    %get3A_285 = arith.constant 528 : index
    %get3A_286 = tpu.vector_load %arg5[%get3A_285] {strides = array<i32>} : memref<1024xi32, #tpu.memory_space<vmem>>, vector<16xi32>,
    %get3A_287 = vector.shape_cast %get3A_286 : vector<16xi32> to vector<16xi32>
    %add3A_288 = arith.addi %get3A_287, %broadcast_in_dim3A_276 : vector<16xi32>
    %swap3A_289 = arith.constant 528 : index
    %swap3A_290 = tpu.vector_load %arg5[%swap3A_289] {strides = array<i32>} : memref<1024xi32, #tpu.memory_space<vmem>>, vector<16xi32>,
    %swap3A_291 = vector.shape_cast %swap3A_290 : vector<16xi32> to vector<16xi32>
    %swap3A_292 = vector.shape_cast %add3A_288 : vector<16xi32> to vector<16xi32>
    tpu.vector_store %arg5[%swap3A_289], %swap3A_292 {strides = array<i32>} : memref<1024xi32, #tpu.memory_space<vmem>>, vector<16xi32>,
    %get3A_293 = arith.constant 544 : index
    %get3A_294 = tpu.vector_load %arg5[%get3A_293] {strides = array<i32>} : memref<1024xi32, #tpu.memory_space<vmem>>, vector<16xi32>,
    %get3A_295 = vector.shape_cast %get3A_294 : vector<16xi32> to vector<16xi32>
    %add3A_296 = arith.addi %get3A_295, %broadcast_in_dim3A_276 : vector<16xi32>
    %swap3A_297 = arith.constant 544 : index
    %swap3A_298 = tpu.vector_load %arg5[%swap3A_297] {strides = array<i32>} : memref<1024xi32, #tpu.memory_space<vmem>>, vector<16xi32>,
    %swap3A_299 = vector.shape_cast %swap3A_298 : vector<16xi32> to vector<16xi32>
    %swap3A_300 = vector.shape_cast %add3A_296 : vector<16xi32> to vector<16xi32>
    tpu.vector_store %arg5[%swap3A_297], %swap3A_300 {strides = array<i32>} : memref<1024xi32, #tpu.memory_space<vmem>>, vector<16xi32>,
    %get3A_301 = arith.constant 560 : index
    %get3A_302 = tpu.vector_load %arg5[%get3A_301] {strides = array<i32>} : memref<1024xi32, #tpu.memory_space<vmem>>, vector<16xi32>,
    %get3A_303 = vector.shape_cast %get3A_302 : vector<16xi32> to vector<16xi32>
    %add3A_304 = arith.addi %get3A_303, %broadcast_in_dim3A_276 : vector<16xi32>
    %swap3A_305 = arith.constant 560 : index
    %swap3A_306 = tpu.vector_load %arg5[%swap3A_305] {strides = array<i32>} : memref<1024xi32, #tpu.memory_space<vmem>>, vector<16xi32>,
    %swap3A_307 = vector.shape_cast %swap3A_306 : vector<16xi32> to vector<16xi32>
    %swap3A_308 = vector.shape_cast %add3A_304 : vector<16xi32> to vector<16xi32>
    tpu.vector_store %arg5[%swap3A_305], %swap3A_308 {strides = array<i32>} : memref<1024xi32, #tpu.memory_space<vmem>>, vector<16xi32>,
    %get3A_309 = arith.constant 576 : index
    %get3A_310 = tpu.vector_load %arg5[%get3A_309] {strides = array<i32>} : memref<1024xi32, #tpu.memory_space<vmem>>, vector<16xi32>,
    %get3A_311 = vector.shape_cast %get3A_310 : vector<16xi32> to vector<16xi32>
    %add3A_312 = arith.addi %get3A_311, %broadcast_in_dim3A_276 : vector<16xi32>
    %swap3A_313 = arith.constant 576 : index
    %swap3A_314 = tpu.vector_load %arg5[%swap3A_313] {strides = array<i32>} : memref<1024xi32, #tpu.memory_space<vmem>>, vector<16xi32>,
    %swap3A_315 = vector.shape_cast %swap3A_314 : vector<16xi32> to vector<16xi32>
    %swap3A_316 = vector.shape_cast %add3A_312 : vector<16xi32> to vector<16xi32>
    tpu.vector_store %arg5[%swap3A_313], %swap3A_316 {strides = array<i32>} : memref<1024xi32, #tpu.memory_space<vmem>>, vector<16xi32>,
    %get3A_317 = arith.constant 592 : index
    %get3A_318 = tpu.vector_load %arg5[%get3A_317] {strides = array<i32>} : memref<1024xi32, #tpu.memory_space<vmem>>, vector<16xi32>,
    %get3A_319 = vector.shape_cast %get3A_318 : vector<16xi32> to vector<16xi32>
    %add3A_320 = arith.addi %get3A_319, %broadcast_in_dim3A_276 : vector<16xi32>
    %swap3A_321 = arith.constant 592 : index
    %swap3A_322 = tpu.vector_load %arg5[%swap3A_321] {strides = array<i32>} : memref<1024xi32, #tpu.memory_space<vmem>>, vector<16xi32>,
    %swap3A_323 = vector.shape_cast %swap3A_322 : vector<16xi32> to vector<16xi32>
    %swap3A_324 = vector.shape_cast %add3A_320 : vector<16xi32> to vector<16xi32>
    tpu.vector_store %arg5[%swap3A_321], %swap3A_324 {strides = array<i32>} : memref<1024xi32, #tpu.memory_space<vmem>>, vector<16xi32>,
    %get3A_325 = arith.constant 608 : index
    %get3A_326 = tpu.vector_load %arg5[%get3A_325] {strides = array<i32>} : memref<1024xi32, #tpu.memory_space<vmem>>, vector<16xi32>,
    %get3A_327 = vector.shape_cast %get3A_326 : vector<16xi32> to vector<16xi32>
    %add3A_328 = arith.addi %get3A_327, %broadcast_in_dim3A_276 : vector<16xi32>
    %swap3A_329 = arith.constant 608 : index
    %swap3A_330 = tpu.vector_load %arg5[%swap3A_329] {strides = array<i32>} : memref<1024xi32, #tpu.memory_space<vmem>>, vector<16xi32>,
    %swap3A_331 = vector.shape_cast %swap3A_330 : vector<16xi32> to vector<16xi32>
    %swap3A_332 = vector.shape_cast %add3A_328 : vector<16xi32> to vector<16xi32>
    tpu.vector_store %arg5[%swap3A_329], %swap3A_332 {strides = array<i32>} : memref<1024xi32, #tpu.memory_space<vmem>>, vector<16xi32>,
    %get3A_333 = arith.constant 624 : index
    %get3A_334 = tpu.vector_load %arg5[%get3A_333] {strides = array<i32>} : memref<1024xi32, #tpu.memory_space<vmem>>, vector<16xi32>,
    %get3A_335 = vector.shape_cast %get3A_334 : vector<16xi32> to vector<16xi32>
    %add3A_336 = arith.addi %get3A_335, %broadcast_in_dim3A_276 : vector<16xi32>
    %swap3A_337 = arith.constant 624 : index
    %swap3A_338 = tpu.vector_load %arg5[%swap3A_337] {strides = array<i32>} : memref<1024xi32, #tpu.memory_space<vmem>>, vector<16xi32>,
    %swap3A_339 = vector.shape_cast %swap3A_338 : vector<16xi32> to vector<16xi32>
    %swap3A_340 = vector.shape_cast %add3A_336 : vector<16xi32> to vector<16xi32>
    tpu.vector_store %arg5[%swap3A_337], %swap3A_340 {strides = array<i32>} : memref<1024xi32, #tpu.memory_space<vmem>>, vector<16xi32>,
    %broadcast_in_dim3A_341 = arith.constant 500000 : i32
    %broadcast_in_dim3A_342 = vector.broadcast %broadcast_in_dim3A_341 : i32 to vector<16xi32>
    %get3A_343 = arith.constant 640 : index
    %get3A_344 = tpu.vector_load %arg5[%get3A_343] {strides = array<i32>} : memref<1024xi32, #tpu.memory_space<vmem>>, vector<16xi32>,
    %get3A_345 = vector.shape_cast %get3A_344 : vector<16xi32> to vector<16xi32>
    %add3A_346 = arith.addi %get3A_345, %broadcast_in_dim3A_342 : vector<16xi32>
    %swap3A_347 = arith.constant 640 : index
    %swap3A_348 = tpu.vector_load %arg5[%swap3A_347] {strides = array<i32>} : memref<1024xi32, #tpu.memory_space<vmem>>, vector<16xi32>,
    %swap3A_349 = vector.shape_cast %swap3A_348 : vector<16xi32> to vector<16xi32>
    %swap3A_350 = vector.shape_cast %add3A_346 : vector<16xi32> to vector<16xi32>
    tpu.vector_store %arg5[%swap3A_347], %swap3A_350 {strides = array<i32>} : memref<1024xi32, #tpu.memory_space<vmem>>, vector<16xi32>,
    %get3A_351 = arith.constant 656 : index
    %get3A_352 = tpu.vector_load %arg5[%get3A_351] {strides = array<i32>} : memref<1024xi32, #tpu.memory_space<vmem>>, vector<16xi32>,
    %get3A_353 = vector.shape_cast %get3A_352 : vector<16xi32> to vector<16xi32>
    %add3A_354 = arith.addi %get3A_353, %broadcast_in_dim3A_342 : vector<16xi32>
    %swap3A_355 = arith.constant 656 : index
    %swap3A_356 = tpu.vector_load %arg5[%swap3A_355] {strides = array<i32>} : memref<1024xi32, #tpu.memory_space<vmem>>, vector<16xi32>,
    %swap3A_357 = vector.shape_cast %swap3A_356 : vector<16xi32> to vector<16xi32>
    %swap3A_358 = vector.shape_cast %add3A_354 : vector<16xi32> to vector<16xi32>
    tpu.vector_store %arg5[%swap3A_355], %swap3A_358 {strides = array<i32>} : memref<1024xi32, #tpu.memory_space<vmem>>, vector<16xi32>,
    %get3A_359 = arith.constant 672 : index
    %get3A_360 = tpu.vector_load %arg5[%get3A_359] {strides = array<i32>} : memref<1024xi32, #tpu.memory_space<vmem>>, vector<16xi32>,
    %get3A_361 = vector.shape_cast %get3A_360 : vector<16xi32> to vector<16xi32>
    %add3A_362 = arith.addi %get3A_361, %broadcast_in_dim3A_342 : vector<16xi32>
    %swap3A_363 = arith.constant 672 : index
    %swap3A_364 = tpu.vector_load %arg5[%swap3A_363] {strides = array<i32>} : memref<1024xi32, #tpu.memory_space<vmem>>, vector<16xi32>,
    %swap3A_365 = vector.shape_cast %swap3A_364 : vector<16xi32> to vector<16xi32>
    %swap3A_366 = vector.shape_cast %add3A_362 : vector<16xi32> to vector<16xi32>
    tpu.vector_store %arg5[%swap3A_363], %swap3A_366 {strides = array<i32>} : memref<1024xi32, #tpu.memory_space<vmem>>, vector<16xi32>,
    %get3A_367 = arith.constant 688 : index
    %get3A_368 = tpu.vector_load %arg5[%get3A_367] {strides = array<i32>} : memref<1024xi32, #tpu.memory_space<vmem>>, vector<16xi32>,
    %get3A_369 = vector.shape_cast %get3A_368 : vector<16xi32> to vector<16xi32>
    %add3A_370 = arith.addi %get3A_369, %broadcast_in_dim3A_342 : vector<16xi32>
    %swap3A_371 = arith.constant 688 : index
    %swap3A_372 = tpu.vector_load %arg5[%swap3A_371] {strides = array<i32>} : memref<1024xi32, #tpu.memory_space<vmem>>, vector<16xi32>,
    %swap3A_373 = vector.shape_cast %swap3A_372 : vector<16xi32> to vector<16xi32>
    %swap3A_374 = vector.shape_cast %add3A_370 : vector<16xi32> to vector<16xi32>
    tpu.vector_store %arg5[%swap3A_371], %swap3A_374 {strides = array<i32>} : memref<1024xi32, #tpu.memory_space<vmem>>, vector<16xi32>,
    %get3A_375 = arith.constant 704 : index
    %get3A_376 = tpu.vector_load %arg5[%get3A_375] {strides = array<i32>} : memref<1024xi32, #tpu.memory_space<vmem>>, vector<16xi32>,
    %get3A_377 = vector.shape_cast %get3A_376 : vector<16xi32> to vector<16xi32>
    %add3A_378 = arith.addi %get3A_377, %broadcast_in_dim3A_342 : vector<16xi32>
    %swap3A_379 = arith.constant 704 : index
    %swap3A_380 = tpu.vector_load %arg5[%swap3A_379] {strides = array<i32>} : memref<1024xi32, #tpu.memory_space<vmem>>, vector<16xi32>,
    %swap3A_381 = vector.shape_cast %swap3A_380 : vector<16xi32> to vector<16xi32>
    %swap3A_382 = vector.shape_cast %add3A_378 : vector<16xi32> to vector<16xi32>
    tpu.vector_store %arg5[%swap3A_379], %swap3A_382 {strides = array<i32>} : memref<1024xi32, #tpu.memory_space<vmem>>, vector<16xi32>,
    %get3A_383 = arith.constant 720 : index
    %get3A_384 = tpu.vector_load %arg5[%get3A_383] {strides = array<i32>} : memref<1024xi32, #tpu.memory_space<vmem>>, vector<16xi32>,
    %get3A_385 = vector.shape_cast %get3A_384 : vector<16xi32> to vector<16xi32>
    %add3A_386 = arith.addi %get3A_385, %broadcast_in_dim3A_342 : vector<16xi32>
    %swap3A_387 = arith.constant 720 : index
    %swap3A_388 = tpu.vector_load %arg5[%swap3A_387] {strides = array<i32>} : memref<1024xi32, #tpu.memory_space<vmem>>, vector<16xi32>,
    %swap3A_389 = vector.shape_cast %swap3A_388 : vector<16xi32> to vector<16xi32>
    %swap3A_390 = vector.shape_cast %add3A_386 : vector<16xi32> to vector<16xi32>
    tpu.vector_store %arg5[%swap3A_387], %swap3A_390 {strides = array<i32>} : memref<1024xi32, #tpu.memory_space<vmem>>, vector<16xi32>,
    %get3A_391 = arith.constant 736 : index
    %get3A_392 = tpu.vector_load %arg5[%get3A_391] {strides = array<i32>} : memref<1024xi32, #tpu.memory_space<vmem>>, vector<16xi32>,
    %get3A_393 = vector.shape_cast %get3A_392 : vector<16xi32> to vector<16xi32>
    %add3A_394 = arith.addi %get3A_393, %broadcast_in_dim3A_342 : vector<16xi32>
    %swap3A_395 = arith.constant 736 : index
    %swap3A_396 = tpu.vector_load %arg5[%swap3A_395] {strides = array<i32>} : memref<1024xi32, #tpu.memory_space<vmem>>, vector<16xi32>,
    %swap3A_397 = vector.shape_cast %swap3A_396 : vector<16xi32> to vector<16xi32>
    %swap3A_398 = vector.shape_cast %add3A_394 : vector<16xi32> to vector<16xi32>
    tpu.vector_store %arg5[%swap3A_395], %swap3A_398 {strides = array<i32>} : memref<1024xi32, #tpu.memory_space<vmem>>, vector<16xi32>,
    %get3A_399 = arith.constant 752 : index
    %get3A_400 = tpu.vector_load %arg5[%get3A_399] {strides = array<i32>} : memref<1024xi32, #tpu.memory_space<vmem>>, vector<16xi32>,
    %get3A_401 = vector.shape_cast %get3A_400 : vector<16xi32> to vector<16xi32>
    %add3A_402 = arith.addi %get3A_401, %broadcast_in_dim3A_342 : vector<16xi32>
    %swap3A_403 = arith.constant 752 : index
    %swap3A_404 = tpu.vector_load %arg5[%swap3A_403] {strides = array<i32>} : memref<1024xi32, #tpu.memory_space<vmem>>, vector<16xi32>,
    %swap3A_405 = vector.shape_cast %swap3A_404 : vector<16xi32> to vector<16xi32>
    %swap3A_406 = vector.shape_cast %add3A_402 : vector<16xi32> to vector<16xi32>
    tpu.vector_store %arg5[%swap3A_403], %swap3A_406 {strides = array<i32>} : memref<1024xi32, #tpu.memory_space<vmem>>, vector<16xi32>,
    %broadcast_in_dim3A_407 = arith.constant 600000 : i32
    %broadcast_in_dim3A_408 = vector.broadcast %broadcast_in_dim3A_407 : i32 to vector<16xi32>
    %get3A_409 = arith.constant 768 : index
    %get3A_410 = tpu.vector_load %arg5[%get3A_409] {strides = array<i32>} : memref<1024xi32, #tpu.memory_space<vmem>>, vector<16xi32>,
    %get3A_411 = vector.shape_cast %get3A_410 : vector<16xi32> to vector<16xi32>
    %add3A_412 = arith.addi %get3A_411, %broadcast_in_dim3A_408 : vector<16xi32>
    %swap3A_413 = arith.constant 768 : index
    %swap3A_414 = tpu.vector_load %arg5[%swap3A_413] {strides = array<i32>} : memref<1024xi32, #tpu.memory_space<vmem>>, vector<16xi32>,
    %swap3A_415 = vector.shape_cast %swap3A_414 : vector<16xi32> to vector<16xi32>
    %swap3A_416 = vector.shape_cast %add3A_412 : vector<16xi32> to vector<16xi32>
    tpu.vector_store %arg5[%swap3A_413], %swap3A_416 {strides = array<i32>} : memref<1024xi32, #tpu.memory_space<vmem>>, vector<16xi32>,
    %get3A_417 = arith.constant 784 : index
    %get3A_418 = tpu.vector_load %arg5[%get3A_417] {strides = array<i32>} : memref<1024xi32, #tpu.memory_space<vmem>>, vector<16xi32>,
    %get3A_419 = vector.shape_cast %get3A_418 : vector<16xi32> to vector<16xi32>
    %add3A_420 = arith.addi %get3A_419, %broadcast_in_dim3A_408 : vector<16xi32>
    %swap3A_421 = arith.constant 784 : index
    %swap3A_422 = tpu.vector_load %arg5[%swap3A_421] {strides = array<i32>} : memref<1024xi32, #tpu.memory_space<vmem>>, vector<16xi32>,
    %swap3A_423 = vector.shape_cast %swap3A_422 : vector<16xi32> to vector<16xi32>
    %swap3A_424 = vector.shape_cast %add3A_420 : vector<16xi32> to vector<16xi32>
    tpu.vector_store %arg5[%swap3A_421], %swap3A_424 {strides = array<i32>} : memref<1024xi32, #tpu.memory_space<vmem>>, vector<16xi32>,
    %get3A_425 = arith.constant 800 : index
    %get3A_426 = tpu.vector_load %arg5[%get3A_425] {strides = array<i32>} : memref<1024xi32, #tpu.memory_space<vmem>>, vector<16xi32>,
    %get3A_427 = vector.shape_cast %get3A_426 : vector<16xi32> to vector<16xi32>
    %add3A_428 = arith.addi %get3A_427, %broadcast_in_dim3A_408 : vector<16xi32>
    %swap3A_429 = arith.constant 800 : index
    %swap3A_430 = tpu.vector_load %arg5[%swap3A_429] {strides = array<i32>} : memref<1024xi32, #tpu.memory_space<vmem>>, vector<16xi32>,
    %swap3A_431 = vector.shape_cast %swap3A_430 : vector<16xi32> to vector<16xi32>
    %swap3A_432 = vector.shape_cast %add3A_428 : vector<16xi32> to vector<16xi32>
    tpu.vector_store %arg5[%swap3A_429], %swap3A_432 {strides = array<i32>} : memref<1024xi32, #tpu.memory_space<vmem>>, vector<16xi32>,
    %get3A_433 = arith.constant 816 : index
    %get3A_434 = tpu.vector_load %arg5[%get3A_433] {strides = array<i32>} : memref<1024xi32, #tpu.memory_space<vmem>>, vector<16xi32>,
    %get3A_435 = vector.shape_cast %get3A_434 : vector<16xi32> to vector<16xi32>
    %add3A_436 = arith.addi %get3A_435, %broadcast_in_dim3A_408 : vector<16xi32>
    %swap3A_437 = arith.constant 816 : index
    %swap3A_438 = tpu.vector_load %arg5[%swap3A_437] {strides = array<i32>} : memref<1024xi32, #tpu.memory_space<vmem>>, vector<16xi32>,
    %swap3A_439 = vector.shape_cast %swap3A_438 : vector<16xi32> to vector<16xi32>
    %swap3A_440 = vector.shape_cast %add3A_436 : vector<16xi32> to vector<16xi32>
    tpu.vector_store %arg5[%swap3A_437], %swap3A_440 {strides = array<i32>} : memref<1024xi32, #tpu.memory_space<vmem>>, vector<16xi32>,
    %get3A_441 = arith.constant 832 : index
    %get3A_442 = tpu.vector_load %arg5[%get3A_441] {strides = array<i32>} : memref<1024xi32, #tpu.memory_space<vmem>>, vector<16xi32>,
    %get3A_443 = vector.shape_cast %get3A_442 : vector<16xi32> to vector<16xi32>
    %add3A_444 = arith.addi %get3A_443, %broadcast_in_dim3A_408 : vector<16xi32>
    %swap3A_445 = arith.constant 832 : index
    %swap3A_446 = tpu.vector_load %arg5[%swap3A_445] {strides = array<i32>} : memref<1024xi32, #tpu.memory_space<vmem>>, vector<16xi32>,
    %swap3A_447 = vector.shape_cast %swap3A_446 : vector<16xi32> to vector<16xi32>
    %swap3A_448 = vector.shape_cast %add3A_444 : vector<16xi32> to vector<16xi32>
    tpu.vector_store %arg5[%swap3A_445], %swap3A_448 {strides = array<i32>} : memref<1024xi32, #tpu.memory_space<vmem>>, vector<16xi32>,
    %get3A_449 = arith.constant 848 : index
    %get3A_450 = tpu.vector_load %arg5[%get3A_449] {strides = array<i32>} : memref<1024xi32, #tpu.memory_space<vmem>>, vector<16xi32>,
    %get3A_451 = vector.shape_cast %get3A_450 : vector<16xi32> to vector<16xi32>
    %add3A_452 = arith.addi %get3A_451, %broadcast_in_dim3A_408 : vector<16xi32>
    %swap3A_453 = arith.constant 848 : index
    %swap3A_454 = tpu.vector_load %arg5[%swap3A_453] {strides = array<i32>} : memref<1024xi32, #tpu.memory_space<vmem>>, vector<16xi32>,
    %swap3A_455 = vector.shape_cast %swap3A_454 : vector<16xi32> to vector<16xi32>
    %swap3A_456 = vector.shape_cast %add3A_452 : vector<16xi32> to vector<16xi32>
    tpu.vector_store %arg5[%swap3A_453], %swap3A_456 {strides = array<i32>} : memref<1024xi32, #tpu.memory_space<vmem>>, vector<16xi32>,
    %get3A_457 = arith.constant 864 : index
    %get3A_458 = tpu.vector_load %arg5[%get3A_457] {strides = array<i32>} : memref<1024xi32, #tpu.memory_space<vmem>>, vector<16xi32>,
    %get3A_459 = vector.shape_cast %get3A_458 : vector<16xi32> to vector<16xi32>
    %add3A_460 = arith.addi %get3A_459, %broadcast_in_dim3A_408 : vector<16xi32>
    %swap3A_461 = arith.constant 864 : index
    %swap3A_462 = tpu.vector_load %arg5[%swap3A_461] {strides = array<i32>} : memref<1024xi32, #tpu.memory_space<vmem>>, vector<16xi32>,
    %swap3A_463 = vector.shape_cast %swap3A_462 : vector<16xi32> to vector<16xi32>
    %swap3A_464 = vector.shape_cast %add3A_460 : vector<16xi32> to vector<16xi32>
    tpu.vector_store %arg5[%swap3A_461], %swap3A_464 {strides = array<i32>} : memref<1024xi32, #tpu.memory_space<vmem>>, vector<16xi32>,
    %get3A_465 = arith.constant 880 : index
    %get3A_466 = tpu.vector_load %arg5[%get3A_465] {strides = array<i32>} : memref<1024xi32, #tpu.memory_space<vmem>>, vector<16xi32>,
    %get3A_467 = vector.shape_cast %get3A_466 : vector<16xi32> to vector<16xi32>
    %add3A_468 = arith.addi %get3A_467, %broadcast_in_dim3A_408 : vector<16xi32>
    %swap3A_469 = arith.constant 880 : index
    %swap3A_470 = tpu.vector_load %arg5[%swap3A_469] {strides = array<i32>} : memref<1024xi32, #tpu.memory_space<vmem>>, vector<16xi32>,
    %swap3A_471 = vector.shape_cast %swap3A_470 : vector<16xi32> to vector<16xi32>
    %swap3A_472 = vector.shape_cast %add3A_468 : vector<16xi32> to vector<16xi32>
    tpu.vector_store %arg5[%swap3A_469], %swap3A_472 {strides = array<i32>} : memref<1024xi32, #tpu.memory_space<vmem>>, vector<16xi32>,
    %broadcast_in_dim3A_473 = arith.constant 700000 : i32
    %broadcast_in_dim3A_474 = vector.broadcast %broadcast_in_dim3A_473 : i32 to vector<16xi32>
    %get3A_475 = arith.constant 896 : index
    %get3A_476 = tpu.vector_load %arg5[%get3A_475] {strides = array<i32>} : memref<1024xi32, #tpu.memory_space<vmem>>, vector<16xi32>,
    %get3A_477 = vector.shape_cast %get3A_476 : vector<16xi32> to vector<16xi32>
    %add3A_478 = arith.addi %get3A_477, %broadcast_in_dim3A_474 : vector<16xi32>
    %swap3A_479 = arith.constant 896 : index
    %swap3A_480 = tpu.vector_load %arg5[%swap3A_479] {strides = array<i32>} : memref<1024xi32, #tpu.memory_space<vmem>>, vector<16xi32>,
    %swap3A_481 = vector.shape_cast %swap3A_480 : vector<16xi32> to vector<16xi32>
    %swap3A_482 = vector.shape_cast %add3A_478 : vector<16xi32> to vector<16xi32>
    tpu.vector_store %arg5[%swap3A_479], %swap3A_482 {strides = array<i32>} : memref<1024xi32, #tpu.memory_space<vmem>>, vector<16xi32>,
    %get3A_483 = arith.constant 912 : index
    %get3A_484 = tpu.vector_load %arg5[%get3A_483] {strides = array<i32>} : memref<1024xi32, #tpu.memory_space<vmem>>, vector<16xi32>,
    %get3A_485 = vector.shape_cast %get3A_484 : vector<16xi32> to vector<16xi32>
    %add3A_486 = arith.addi %get3A_485, %broadcast_in_dim3A_474 : vector<16xi32>
    %swap3A_487 = arith.constant 912 : index
    %swap3A_488 = tpu.vector_load %arg5[%swap3A_487] {strides = array<i32>} : memref<1024xi32, #tpu.memory_space<vmem>>, vector<16xi32>,
    %swap3A_489 = vector.shape_cast %swap3A_488 : vector<16xi32> to vector<16xi32>
    %swap3A_490 = vector.shape_cast %add3A_486 : vector<16xi32> to vector<16xi32>
    tpu.vector_store %arg5[%swap3A_487], %swap3A_490 {strides = array<i32>} : memref<1024xi32, #tpu.memory_space<vmem>>, vector<16xi32>,
    %get3A_491 = arith.constant 928 : index
    %get3A_492 = tpu.vector_load %arg5[%get3A_491] {strides = array<i32>} : memref<1024xi32, #tpu.memory_space<vmem>>, vector<16xi32>,
    %get3A_493 = vector.shape_cast %get3A_492 : vector<16xi32> to vector<16xi32>
    %add3A_494 = arith.addi %get3A_493, %broadcast_in_dim3A_474 : vector<16xi32>
    %swap3A_495 = arith.constant 928 : index
    %swap3A_496 = tpu.vector_load %arg5[%swap3A_495] {strides = array<i32>} : memref<1024xi32, #tpu.memory_space<vmem>>, vector<16xi32>,
    %swap3A_497 = vector.shape_cast %swap3A_496 : vector<16xi32> to vector<16xi32>
    %swap3A_498 = vector.shape_cast %add3A_494 : vector<16xi32> to vector<16xi32>
    tpu.vector_store %arg5[%swap3A_495], %swap3A_498 {strides = array<i32>} : memref<1024xi32, #tpu.memory_space<vmem>>, vector<16xi32>,
    %get3A_499 = arith.constant 944 : index
    %get3A_500 = tpu.vector_load %arg5[%get3A_499] {strides = array<i32>} : memref<1024xi32, #tpu.memory_space<vmem>>, vector<16xi32>,
    %get3A_501 = vector.shape_cast %get3A_500 : vector<16xi32> to vector<16xi32>
    %add3A_502 = arith.addi %get3A_501, %broadcast_in_dim3A_474 : vector<16xi32>
    %swap3A_503 = arith.constant 944 : index
    %swap3A_504 = tpu.vector_load %arg5[%swap3A_503] {strides = array<i32>} : memref<1024xi32, #tpu.memory_space<vmem>>, vector<16xi32>,
    %swap3A_505 = vector.shape_cast %swap3A_504 : vector<16xi32> to vector<16xi32>
    %swap3A_506 = vector.shape_cast %add3A_502 : vector<16xi32> to vector<16xi32>
    tpu.vector_store %arg5[%swap3A_503], %swap3A_506 {strides = array<i32>} : memref<1024xi32, #tpu.memory_space<vmem>>, vector<16xi32>,
    %get3A_507 = arith.constant 960 : index
    %get3A_508 = tpu.vector_load %arg5[%get3A_507] {strides = array<i32>} : memref<1024xi32, #tpu.memory_space<vmem>>, vector<16xi32>,
    %get3A_509 = vector.shape_cast %get3A_508 : vector<16xi32> to vector<16xi32>
    %add3A_510 = arith.addi %get3A_509, %broadcast_in_dim3A_474 : vector<16xi32>
    %swap3A_511 = arith.constant 960 : index
    %swap3A_512 = tpu.vector_load %arg5[%swap3A_511] {strides = array<i32>} : memref<1024xi32, #tpu.memory_space<vmem>>, vector<16xi32>,
    %swap3A_513 = vector.shape_cast %swap3A_512 : vector<16xi32> to vector<16xi32>
    %swap3A_514 = vector.shape_cast %add3A_510 : vector<16xi32> to vector<16xi32>
    tpu.vector_store %arg5[%swap3A_511], %swap3A_514 {strides = array<i32>} : memref<1024xi32, #tpu.memory_space<vmem>>, vector<16xi32>,
    %get3A_515 = arith.constant 976 : index
    %get3A_516 = tpu.vector_load %arg5[%get3A_515] {strides = array<i32>} : memref<1024xi32, #tpu.memory_space<vmem>>, vector<16xi32>,
    %get3A_517 = vector.shape_cast %get3A_516 : vector<16xi32> to vector<16xi32>
    %add3A_518 = arith.addi %get3A_517, %broadcast_in_dim3A_474 : vector<16xi32>
    %swap3A_519 = arith.constant 976 : index
    %swap3A_520 = tpu.vector_load %arg5[%swap3A_519] {strides = array<i32>} : memref<1024xi32, #tpu.memory_space<vmem>>, vector<16xi32>,
    %swap3A_521 = vector.shape_cast %swap3A_520 : vector<16xi32> to vector<16xi32>
    %swap3A_522 = vector.shape_cast %add3A_518 : vector<16xi32> to vector<16xi32>
    tpu.vector_store %arg5[%swap3A_519], %swap3A_522 {strides = array<i32>} : memref<1024xi32, #tpu.memory_space<vmem>>, vector<16xi32>,
    %get3A_523 = arith.constant 992 : index
    %get3A_524 = tpu.vector_load %arg5[%get3A_523] {strides = array<i32>} : memref<1024xi32, #tpu.memory_space<vmem>>, vector<16xi32>,
    %get3A_525 = vector.shape_cast %get3A_524 : vector<16xi32> to vector<16xi32>
    %add3A_526 = arith.addi %get3A_525, %broadcast_in_dim3A_474 : vector<16xi32>
    %swap3A_527 = arith.constant 992 : index
    %swap3A_528 = tpu.vector_load %arg5[%swap3A_527] {strides = array<i32>} : memref<1024xi32, #tpu.memory_space<vmem>>, vector<16xi32>,
    %swap3A_529 = vector.shape_cast %swap3A_528 : vector<16xi32> to vector<16xi32>
    %swap3A_530 = vector.shape_cast %add3A_526 : vector<16xi32> to vector<16xi32>
    tpu.vector_store %arg5[%swap3A_527], %swap3A_530 {strides = array<i32>} : memref<1024xi32, #tpu.memory_space<vmem>>, vector<16xi32>,
    %get3A_531 = arith.constant 1008 : index
    %get3A_532 = tpu.vector_load %arg5[%get3A_531] {strides = array<i32>} : memref<1024xi32, #tpu.memory_space<vmem>>, vector<16xi32>,
    %get3A_533 = vector.shape_cast %get3A_532 : vector<16xi32> to vector<16xi32>
    %add3A_534 = arith.addi %get3A_533, %broadcast_in_dim3A_474 : vector<16xi32>
    %swap3A_535 = arith.constant 1008 : index
    %swap3A_536 = tpu.vector_load %arg5[%swap3A_535] {strides = array<i32>} : memref<1024xi32, #tpu.memory_space<vmem>>, vector<16xi32>,
    %swap3A_537 = vector.shape_cast %swap3A_536 : vector<16xi32> to vector<16xi32>
    %swap3A_538 = vector.shape_cast %add3A_534 : vector<16xi32> to vector<16xi32>
    tpu.vector_store %arg5[%swap3A_535], %swap3A_538 {strides = array<i32>} : memref<1024xi32, #tpu.memory_space<vmem>>, vector<16xi32>,
    %dma_start3A_539 = arith.constant 0 : i32
    %dma_start3A_540 = arith.constant 0 : i32
    %dma_start3A_541 = tpu.memref_slice %arg3[%dma_start3A_539, %dma_start3A_540] : memref<800000x32xf32, #tpu.memory_space<hbm>> -> memref<800000x32xf32, #tpu.memory_space<hbm>>
    tpu.enqueue_indirect_dma source(%dma_start3A_541 : memref<800000x32xf32, #tpu.memory_space<hbm>>) target(%arg7 : memref<1024x32xf32, #tpu.memory_space<vmem>>) offsets(%arg5 : memref<1024xi32, #tpu.memory_space<vmem>>) semaphore(%arg11 : memref<!tpu.dma_semaphore, #tpu.memory_space<semaphore_mem>>)
    %dma_start3A_542 = arith.constant 1 : i32
    %dma_start3A_543 = arith.constant 0 : i32
    %dma_start3A_544 = tpu.memref_slice %arg2[%dma_start3A_542, %add3A, %dma_start3A_543] : memref<50x32x1024xi32, #tpu.memory_space<hbm>> -> memref<1x1x1024xi32, #tpu.memory_space<hbm>>
    %dma_start3A_545 = tpu.memref_squeeze %dma_start3A_544 : memref<1x1x1024xi32, #tpu.memory_space<hbm>> -> memref<1024xi32, #tpu.memory_space<hbm>>
    %dma_start3A_546 = arith.constant 0 : i32
    %dma_start3A_547 = tpu.memref_slice %arg2[%dma_start3A_542, %add3A, %dma_start3A_546] : memref<50x32x1024xi32, #tpu.memory_space<hbm>> -> memref<1x1x1024xi32, #tpu.memory_space<hbm>>
    %dma_start3A_548 = tpu.memref_squeeze %dma_start3A_547 : memref<1x1x1024xi32, #tpu.memory_space<hbm>> -> memref<1024xi32, #tpu.memory_space<hbm>>
    tpu.enqueue_dma source(%dma_start3A_548 : memref<1024xi32, #tpu.memory_space<hbm>>) target(%arg6 : memref<1024xi32, #tpu.memory_space<vmem>>) target_semaphore(%arg10 : memref<!tpu.dma_semaphore, #tpu.memory_space<semaphore_mem>>)
    %scan3A = arith.constant 0 : i32
    %scan3A_549 = arith.constant 0 : i32
    %scan3A_550 = arith.constant 25 : i32
    %scan3A_551 = arith.addi %scan3A_549, %scan3A_550 : i32
    %scan3A_552 = arith.constant 1 : i32
    scf.for %scan3A_564 = %scan3A_549 to %scan3A_551 step %scan3A_552  : i32 {
      %mul3A_565 = arith.constant 2 : i32
      %mul3A_566 = arith.muli %scan3A_564, %mul3A_565 : i32
      %dma_wait3A_567 = arith.constant 0 : i32
      %dma_wait3A_568 = arith.constant 0 : i32
      %dma_wait3A_569 = arith.constant 0 : i32
      %dma_wait3A_570 = tpu.memref_slice %arg2[%dma_wait3A_567, %dma_wait3A_568, %dma_wait3A_569] : memref<50x32x1024xi32, #tpu.memory_space<hbm>> -> memref<1x1x1024xi32, #tpu.memory_space<hbm>>
      %dma_wait3A_571 = tpu.memref_squeeze %dma_wait3A_570 : memref<1x1x1024xi32, #tpu.memory_space<hbm>> -> memref<1024xi32, #tpu.memory_space<hbm>>
      %dma_wait3A_572 = arith.constant 0 : i32
      %dma_wait3A_573 = tpu.memref_slice %arg2[%dma_wait3A_567, %dma_wait3A_568, %dma_wait3A_572] : memref<50x32x1024xi32, #tpu.memory_space<hbm>> -> memref<1x1x1024xi32, #tpu.memory_space<hbm>>
      %dma_wait3A_574 = tpu.memref_squeeze %dma_wait3A_573 : memref<1x1x1024xi32, #tpu.memory_space<hbm>> -> memref<1024xi32, #tpu.memory_space<hbm>>
      tpu.wait_dma2 semaphore(%arg10 : memref<!tpu.dma_semaphore, #tpu.memory_space<semaphore_mem>>) src(%dma_wait3A_574 : memref<1024xi32, #tpu.memory_space<hbm>>) dst(%arg6 : memref<1024xi32, #tpu.memory_space<vmem>>)
      %broadcast_in_dim3A_575 = arith.constant 0 : i32
      %broadcast_in_dim3A_576 = vector.broadcast %broadcast_in_dim3A_575 : i32 to vector<16xi32>
      %get3A_577 = arith.constant 0 : index
      %get3A_578 = tpu.vector_load %arg6[%get3A_577] {strides = array<i32>} : memref<1024xi32, #tpu.memory_space<vmem>>, vector<16xi32>,
      %get3A_579 = vector.shape_cast %get3A_578 : vector<16xi32> to vector<16xi32>
      %add3A_580 = arith.addi %get3A_579, %broadcast_in_dim3A_576 : vector<16xi32>
      %swap3A_581 = arith.constant 0 : index
      %swap3A_582 = tpu.vector_load %arg6[%swap3A_581] {strides = array<i32>} : memref<1024xi32, #tpu.memory_space<vmem>>, vector<16xi32>,
      %swap3A_583 = vector.shape_cast %swap3A_582 : vector<16xi32> to vector<16xi32>
      %swap3A_584 = vector.shape_cast %add3A_580 : vector<16xi32> to vector<16xi32>
      tpu.vector_store %arg6[%swap3A_581], %swap3A_584 {strides = array<i32>} : memref<1024xi32, #tpu.memory_space<vmem>>, vector<16xi32>,
      %get3A_585 = arith.constant 16 : index
      %get3A_586 = tpu.vector_load %arg6[%get3A_585] {strides = array<i32>} : memref<1024xi32, #tpu.memory_space<vmem>>, vector<16xi32>,
      %get3A_587 = vector.shape_cast %get3A_586 : vector<16xi32> to vector<16xi32>
      %add3A_588 = arith.addi %get3A_587, %broadcast_in_dim3A_576 : vector<16xi32>
      %swap3A_589 = arith.constant 16 : index
      %swap3A_590 = tpu.vector_load %arg6[%swap3A_589] {strides = array<i32>} : memref<1024xi32, #tpu.memory_space<vmem>>, vector<16xi32>,
      %swap3A_591 = vector.shape_cast %swap3A_590 : vector<16xi32> to vector<16xi32>
      %swap3A_592 = vector.shape_cast %add3A_588 : vector<16xi32> to vector<16xi32>
      tpu.vector_store %arg6[%swap3A_589], %swap3A_592 {strides = array<i32>} : memref<1024xi32, #tpu.memory_space<vmem>>, vector<16xi32>,
      %get3A_593 = arith.constant 32 : index
      %get3A_594 = tpu.vector_load %arg6[%get3A_593] {strides = array<i32>} : memref<1024xi32, #tpu.memory_space<vmem>>, vector<16xi32>,
      %get3A_595 = vector.shape_cast %get3A_594 : vector<16xi32> to vector<16xi32>
      %add3A_596 = arith.addi %get3A_595, %broadcast_in_dim3A_576 : vector<16xi32>
      %swap3A_597 = arith.constant 32 : index
      %swap3A_598 = tpu.vector_load %arg6[%swap3A_597] {strides = array<i32>} : memref<1024xi32, #tpu.memory_space<vmem>>, vector<16xi32>,
      %swap3A_599 = vector.shape_cast %swap3A_598 : vector<16xi32> to vector<16xi32>
      %swap3A_600 = vector.shape_cast %add3A_596 : vector<16xi32> to vector<16xi32>
      tpu.vector_store %arg6[%swap3A_597], %swap3A_600 {strides = array<i32>} : memref<1024xi32, #tpu.memory_space<vmem>>, vector<16xi32>,
      %get3A_601 = arith.constant 48 : index
      %get3A_602 = tpu.vector_load %arg6[%get3A_601] {strides = array<i32>} : memref<1024xi32, #tpu.memory_space<vmem>>, vector<16xi32>,
      %get3A_603 = vector.shape_cast %get3A_602 : vector<16xi32> to vector<16xi32>
      %add3A_604 = arith.addi %get3A_603, %broadcast_in_dim3A_576 : vector<16xi32>
      %swap3A_605 = arith.constant 48 : index
      %swap3A_606 = tpu.vector_load %arg6[%swap3A_605] {strides = array<i32>} : memref<1024xi32, #tpu.memory_space<vmem>>, vector<16xi32>,
      %swap3A_607 = vector.shape_cast %swap3A_606 : vector<16xi32> to vector<16xi32>
      %swap3A_608 = vector.shape_cast %add3A_604 : vector<16xi32> to vector<16xi32>
      tpu.vector_store %arg6[%swap3A_605], %swap3A_608 {strides = array<i32>} : memref<1024xi32, #tpu.memory_space<vmem>>, vector<16xi32>,
      %get3A_609 = arith.constant 64 : index
      %get3A_610 = tpu.vector_load %arg6[%get3A_609] {strides = array<i32>} : memref<1024xi32, #tpu.memory_space<vmem>>, vector<16xi32>,
      %get3A_611 = vector.shape_cast %get3A_610 : vector<16xi32> to vector<16xi32>
      %add3A_612 = arith.addi %get3A_611, %broadcast_in_dim3A_576 : vector<16xi32>
      %swap3A_613 = arith.constant 64 : index
      %swap3A_614 = tpu.vector_load %arg6[%swap3A_613] {strides = array<i32>} : memref<1024xi32, #tpu.memory_space<vmem>>, vector<16xi32>,
      %swap3A_615 = vector.shape_cast %swap3A_614 : vector<16xi32> to vector<16xi32>
      %swap3A_616 = vector.shape_cast %add3A_612 : vector<16xi32> to vector<16xi32>
      tpu.vector_store %arg6[%swap3A_613], %swap3A_616 {strides = array<i32>} : memref<1024xi32, #tpu.memory_space<vmem>>, vector<16xi32>,
      %get3A_617 = arith.constant 80 : index
      %get3A_618 = tpu.vector_load %arg6[%get3A_617] {strides = array<i32>} : memref<1024xi32, #tpu.memory_space<vmem>>, vector<16xi32>,
      %get3A_619 = vector.shape_cast %get3A_618 : vector<16xi32> to vector<16xi32>
      %add3A_620 = arith.addi %get3A_619, %broadcast_in_dim3A_576 : vector<16xi32>
      %swap3A_621 = arith.constant 80 : index
      %swap3A_622 = tpu.vector_load %arg6[%swap3A_621] {strides = array<i32>} : memref<1024xi32, #tpu.memory_space<vmem>>, vector<16xi32>,
      %swap3A_623 = vector.shape_cast %swap3A_622 : vector<16xi32> to vector<16xi32>
      %swap3A_624 = vector.shape_cast %add3A_620 : vector<16xi32> to vector<16xi32>
      tpu.vector_store %arg6[%swap3A_621], %swap3A_624 {strides = array<i32>} : memref<1024xi32, #tpu.memory_space<vmem>>, vector<16xi32>,
      %get3A_625 = arith.constant 96 : index
      %get3A_626 = tpu.vector_load %arg6[%get3A_625] {strides = array<i32>} : memref<1024xi32, #tpu.memory_space<vmem>>, vector<16xi32>,
      %get3A_627 = vector.shape_cast %get3A_626 : vector<16xi32> to vector<16xi32>
      %add3A_628 = arith.addi %get3A_627, %broadcast_in_dim3A_576 : vector<16xi32>
      %swap3A_629 = arith.constant 96 : index
      %swap3A_630 = tpu.vector_load %arg6[%swap3A_629] {strides = array<i32>} : memref<1024xi32, #tpu.memory_space<vmem>>, vector<16xi32>,
      %swap3A_631 = vector.shape_cast %swap3A_630 : vector<16xi32> to vector<16xi32>
      %swap3A_632 = vector.shape_cast %add3A_628 : vector<16xi32> to vector<16xi32>
      tpu.vector_store %arg6[%swap3A_629], %swap3A_632 {strides = array<i32>} : memref<1024xi32, #tpu.memory_space<vmem>>, vector<16xi32>,
      %get3A_633 = arith.constant 112 : index
      %get3A_634 = tpu.vector_load %arg6[%get3A_633] {strides = array<i32>} : memref<1024xi32, #tpu.memory_space<vmem>>, vector<16xi32>,
      %get3A_635 = vector.shape_cast %get3A_634 : vector<16xi32> to vector<16xi32>
      %add3A_636 = arith.addi %get3A_635, %broadcast_in_dim3A_576 : vector<16xi32>
      %swap3A_637 = arith.constant 112 : index
      %swap3A_638 = tpu.vector_load %arg6[%swap3A_637] {strides = array<i32>} : memref<1024xi32, #tpu.memory_space<vmem>>, vector<16xi32>,
      %swap3A_639 = vector.shape_cast %swap3A_638 : vector<16xi32> to vector<16xi32>
      %swap3A_640 = vector.shape_cast %add3A_636 : vector<16xi32> to vector<16xi32>
      tpu.vector_store %arg6[%swap3A_637], %swap3A_640 {strides = array<i32>} : memref<1024xi32, #tpu.memory_space<vmem>>, vector<16xi32>,
      %broadcast_in_dim3A_641 = arith.constant 100000 : i32
      %broadcast_in_dim3A_642 = vector.broadcast %broadcast_in_dim3A_641 : i32 to vector<16xi32>
      %get3A_643 = arith.constant 128 : index
      %get3A_644 = tpu.vector_load %arg6[%get3A_643] {strides = array<i32>} : memref<1024xi32, #tpu.memory_space<vmem>>, vector<16xi32>,
      %get3A_645 = vector.shape_cast %get3A_644 : vector<16xi32> to vector<16xi32>
      %add3A_646 = arith.addi %get3A_645, %broadcast_in_dim3A_642 : vector<16xi32>
      %swap3A_647 = arith.constant 128 : index
      %swap3A_648 = tpu.vector_load %arg6[%swap3A_647] {strides = array<i32>} : memref<1024xi32, #tpu.memory_space<vmem>>, vector<16xi32>,
      %swap3A_649 = vector.shape_cast %swap3A_648 : vector<16xi32> to vector<16xi32>
      %swap3A_650 = vector.shape_cast %add3A_646 : vector<16xi32> to vector<16xi32>
      tpu.vector_store %arg6[%swap3A_647], %swap3A_650 {strides = array<i32>} : memref<1024xi32, #tpu.memory_space<vmem>>, vector<16xi32>,
      %get3A_651 = arith.constant 144 : index
      %get3A_652 = tpu.vector_load %arg6[%get3A_651] {strides = array<i32>} : memref<1024xi32, #tpu.memory_space<vmem>>, vector<16xi32>,
      %get3A_653 = vector.shape_cast %get3A_652 : vector<16xi32> to vector<16xi32>
      %add3A_654 = arith.addi %get3A_653, %broadcast_in_dim3A_642 : vector<16xi32>
      %swap3A_655 = arith.constant 144 : index
      %swap3A_656 = tpu.vector_load %arg6[%swap3A_655] {strides = array<i32>} : memref<1024xi32, #tpu.memory_space<vmem>>, vector<16xi32>,
      %swap3A_657 = vector.shape_cast %swap3A_656 : vector<16xi32> to vector<16xi32>
      %swap3A_658 = vector.shape_cast %add3A_654 : vector<16xi32> to vector<16xi32>
      tpu.vector_store %arg6[%swap3A_655], %swap3A_658 {strides = array<i32>} : memref<1024xi32, #tpu.memory_space<vmem>>, vector<16xi32>,
      %get3A_659 = arith.constant 160 : index
      %get3A_660 = tpu.vector_load %arg6[%get3A_659] {strides = array<i32>} : memref<1024xi32, #tpu.memory_space<vmem>>, vector<16xi32>,
      %get3A_661 = vector.shape_cast %get3A_660 : vector<16xi32> to vector<16xi32>
      %add3A_662 = arith.addi %get3A_661, %broadcast_in_dim3A_642 : vector<16xi32>
      %swap3A_663 = arith.constant 160 : index
      %swap3A_664 = tpu.vector_load %arg6[%swap3A_663] {strides = array<i32>} : memref<1024xi32, #tpu.memory_space<vmem>>, vector<16xi32>,
      %swap3A_665 = vector.shape_cast %swap3A_664 : vector<16xi32> to vector<16xi32>
      %swap3A_666 = vector.shape_cast %add3A_662 : vector<16xi32> to vector<16xi32>
      tpu.vector_store %arg6[%swap3A_663], %swap3A_666 {strides = array<i32>} : memref<1024xi32, #tpu.memory_space<vmem>>, vector<16xi32>,
      %get3A_667 = arith.constant 176 : index
      %get3A_668 = tpu.vector_load %arg6[%get3A_667] {strides = array<i32>} : memref<1024xi32, #tpu.memory_space<vmem>>, vector<16xi32>,
      %get3A_669 = vector.shape_cast %get3A_668 : vector<16xi32> to vector<16xi32>
      %add3A_670 = arith.addi %get3A_669, %broadcast_in_dim3A_642 : vector<16xi32>
      %swap3A_671 = arith.constant 176 : index
      %swap3A_672 = tpu.vector_load %arg6[%swap3A_671] {strides = array<i32>} : memref<1024xi32, #tpu.memory_space<vmem>>, vector<16xi32>,
      %swap3A_673 = vector.shape_cast %swap3A_672 : vector<16xi32> to vector<16xi32>
      %swap3A_674 = vector.shape_cast %add3A_670 : vector<16xi32> to vector<16xi32>
      tpu.vector_store %arg6[%swap3A_671], %swap3A_674 {strides = array<i32>} : memref<1024xi32, #tpu.memory_space<vmem>>, vector<16xi32>,
      %get3A_675 = arith.constant 192 : index
      %get3A_676 = tpu.vector_load %arg6[%get3A_675] {strides = array<i32>} : memref<1024xi32, #tpu.memory_space<vmem>>, vector<16xi32>,
      %get3A_677 = vector.shape_cast %get3A_676 : vector<16xi32> to vector<16xi32>
      %add3A_678 = arith.addi %get3A_677, %broadcast_in_dim3A_642 : vector<16xi32>
      %swap3A_679 = arith.constant 192 : index
      %swap3A_680 = tpu.vector_load %arg6[%swap3A_679] {strides = array<i32>} : memref<1024xi32, #tpu.memory_space<vmem>>, vector<16xi32>,
      %swap3A_681 = vector.shape_cast %swap3A_680 : vector<16xi32> to vector<16xi32>
      %swap3A_682 = vector.shape_cast %add3A_678 : vector<16xi32> to vector<16xi32>
      tpu.vector_store %arg6[%swap3A_679], %swap3A_682 {strides = array<i32>} : memref<1024xi32, #tpu.memory_space<vmem>>, vector<16xi32>,
      %get3A_683 = arith.constant 208 : index
      %get3A_684 = tpu.vector_load %arg6[%get3A_683] {strides = array<i32>} : memref<1024xi32, #tpu.memory_space<vmem>>, vector<16xi32>,
      %get3A_685 = vector.shape_cast %get3A_684 : vector<16xi32> to vector<16xi32>
      %add3A_686 = arith.addi %get3A_685, %broadcast_in_dim3A_642 : vector<16xi32>
      %swap3A_687 = arith.constant 208 : index
      %swap3A_688 = tpu.vector_load %arg6[%swap3A_687] {strides = array<i32>} : memref<1024xi32, #tpu.memory_space<vmem>>, vector<16xi32>,
      %swap3A_689 = vector.shape_cast %swap3A_688 : vector<16xi32> to vector<16xi32>
      %swap3A_690 = vector.shape_cast %add3A_686 : vector<16xi32> to vector<16xi32>
      tpu.vector_store %arg6[%swap3A_687], %swap3A_690 {strides = array<i32>} : memref<1024xi32, #tpu.memory_space<vmem>>, vector<16xi32>,
      %get3A_691 = arith.constant 224 : index
      %get3A_692 = tpu.vector_load %arg6[%get3A_691] {strides = array<i32>} : memref<1024xi32, #tpu.memory_space<vmem>>, vector<16xi32>,
      %get3A_693 = vector.shape_cast %get3A_692 : vector<16xi32> to vector<16xi32>
      %add3A_694 = arith.addi %get3A_693, %broadcast_in_dim3A_642 : vector<16xi32>
      %swap3A_695 = arith.constant 224 : index
      %swap3A_696 = tpu.vector_load %arg6[%swap3A_695] {strides = array<i32>} : memref<1024xi32, #tpu.memory_space<vmem>>, vector<16xi32>,
      %swap3A_697 = vector.shape_cast %swap3A_696 : vector<16xi32> to vector<16xi32>
      %swap3A_698 = vector.shape_cast %add3A_694 : vector<16xi32> to vector<16xi32>
      tpu.vector_store %arg6[%swap3A_695], %swap3A_698 {strides = array<i32>} : memref<1024xi32, #tpu.memory_space<vmem>>, vector<16xi32>,
      %get3A_699 = arith.constant 240 : index
      %get3A_700 = tpu.vector_load %arg6[%get3A_699] {strides = array<i32>} : memref<1024xi32, #tpu.memory_space<vmem>>, vector<16xi32>,
      %get3A_701 = vector.shape_cast %get3A_700 : vector<16xi32> to vector<16xi32>
      %add3A_702 = arith.addi %get3A_701, %broadcast_in_dim3A_642 : vector<16xi32>
      %swap3A_703 = arith.constant 240 : index
      %swap3A_704 = tpu.vector_load %arg6[%swap3A_703] {strides = array<i32>} : memref<1024xi32, #tpu.memory_space<vmem>>, vector<16xi32>,
      %swap3A_705 = vector.shape_cast %swap3A_704 : vector<16xi32> to vector<16xi32>
      %swap3A_706 = vector.shape_cast %add3A_702 : vector<16xi32> to vector<16xi32>
      tpu.vector_store %arg6[%swap3A_703], %swap3A_706 {strides = array<i32>} : memref<1024xi32, #tpu.memory_space<vmem>>, vector<16xi32>,
      %broadcast_in_dim3A_707 = arith.constant 200000 : i32
      %broadcast_in_dim3A_708 = vector.broadcast %broadcast_in_dim3A_707 : i32 to vector<16xi32>
      %get3A_709 = arith.constant 256 : index
      %get3A_710 = tpu.vector_load %arg6[%get3A_709] {strides = array<i32>} : memref<1024xi32, #tpu.memory_space<vmem>>, vector<16xi32>,
      %get3A_711 = vector.shape_cast %get3A_710 : vector<16xi32> to vector<16xi32>
      %add3A_712 = arith.addi %get3A_711, %broadcast_in_dim3A_708 : vector<16xi32>
      %swap3A_713 = arith.constant 256 : index
      %swap3A_714 = tpu.vector_load %arg6[%swap3A_713] {strides = array<i32>} : memref<1024xi32, #tpu.memory_space<vmem>>, vector<16xi32>,
      %swap3A_715 = vector.shape_cast %swap3A_714 : vector<16xi32> to vector<16xi32>
      %swap3A_716 = vector.shape_cast %add3A_712 : vector<16xi32> to vector<16xi32>
      tpu.vector_store %arg6[%swap3A_713], %swap3A_716 {strides = array<i32>} : memref<1024xi32, #tpu.memory_space<vmem>>, vector<16xi32>,
      %get3A_717 = arith.constant 272 : index
      %get3A_718 = tpu.vector_load %arg6[%get3A_717] {strides = array<i32>} : memref<1024xi32, #tpu.memory_space<vmem>>, vector<16xi32>,
      %get3A_719 = vector.shape_cast %get3A_718 : vector<16xi32> to vector<16xi32>
      %add3A_720 = arith.addi %get3A_719, %broadcast_in_dim3A_708 : vector<16xi32>
      %swap3A_721 = arith.constant 272 : index
      %swap3A_722 = tpu.vector_load %arg6[%swap3A_721] {strides = array<i32>} : memref<1024xi32, #tpu.memory_space<vmem>>, vector<16xi32>,
      %swap3A_723 = vector.shape_cast %swap3A_722 : vector<16xi32> to vector<16xi32>
      %swap3A_724 = vector.shape_cast %add3A_720 : vector<16xi32> to vector<16xi32>
      tpu.vector_store %arg6[%swap3A_721], %swap3A_724 {strides = array<i32>} : memref<1024xi32, #tpu.memory_space<vmem>>, vector<16xi32>,
      %get3A_725 = arith.constant 288 : index
      %get3A_726 = tpu.vector_load %arg6[%get3A_725] {strides = array<i32>} : memref<1024xi32, #tpu.memory_space<vmem>>, vector<16xi32>,
      %get3A_727 = vector.shape_cast %get3A_726 : vector<16xi32> to vector<16xi32>
      %add3A_728 = arith.addi %get3A_727, %broadcast_in_dim3A_708 : vector<16xi32>
      %swap3A_729 = arith.constant 288 : index
      %swap3A_730 = tpu.vector_load %arg6[%swap3A_729] {strides = array<i32>} : memref<1024xi32, #tpu.memory_space<vmem>>, vector<16xi32>,
      %swap3A_731 = vector.shape_cast %swap3A_730 : vector<16xi32> to vector<16xi32>
      %swap3A_732 = vector.shape_cast %add3A_728 : vector<16xi32> to vector<16xi32>
      tpu.vector_store %arg6[%swap3A_729], %swap3A_732 {strides = array<i32>} : memref<1024xi32, #tpu.memory_space<vmem>>, vector<16xi32>,
      %get3A_733 = arith.constant 304 : index
      %get3A_734 = tpu.vector_load %arg6[%get3A_733] {strides = array<i32>} : memref<1024xi32, #tpu.memory_space<vmem>>, vector<16xi32>,
      %get3A_735 = vector.shape_cast %get3A_734 : vector<16xi32> to vector<16xi32>
      %add3A_736 = arith.addi %get3A_735, %broadcast_in_dim3A_708 : vector<16xi32>
      %swap3A_737 = arith.constant 304 : index
      %swap3A_738 = tpu.vector_load %arg6[%swap3A_737] {strides = array<i32>} : memref<1024xi32, #tpu.memory_space<vmem>>, vector<16xi32>,
      %swap3A_739 = vector.shape_cast %swap3A_738 : vector<16xi32> to vector<16xi32>
      %swap3A_740 = vector.shape_cast %add3A_736 : vector<16xi32> to vector<16xi32>
      tpu.vector_store %arg6[%swap3A_737], %swap3A_740 {strides = array<i32>} : memref<1024xi32, #tpu.memory_space<vmem>>, vector<16xi32>,
      %get3A_741 = arith.constant 320 : index
      %get3A_742 = tpu.vector_load %arg6[%get3A_741] {strides = array<i32>} : memref<1024xi32, #tpu.memory_space<vmem>>, vector<16xi32>,
      %get3A_743 = vector.shape_cast %get3A_742 : vector<16xi32> to vector<16xi32>
      %add3A_744 = arith.addi %get3A_743, %broadcast_in_dim3A_708 : vector<16xi32>
      %swap3A_745 = arith.constant 320 : index
      %swap3A_746 = tpu.vector_load %arg6[%swap3A_745] {strides = array<i32>} : memref<1024xi32, #tpu.memory_space<vmem>>, vector<16xi32>,
      %swap3A_747 = vector.shape_cast %swap3A_746 : vector<16xi32> to vector<16xi32>
      %swap3A_748 = vector.shape_cast %add3A_744 : vector<16xi32> to vector<16xi32>
      tpu.vector_store %arg6[%swap3A_745], %swap3A_748 {strides = array<i32>} : memref<1024xi32, #tpu.memory_space<vmem>>, vector<16xi32>,
      %get3A_749 = arith.constant 336 : index
      %get3A_750 = tpu.vector_load %arg6[%get3A_749] {strides = array<i32>} : memref<1024xi32, #tpu.memory_space<vmem>>, vector<16xi32>,
      %get3A_751 = vector.shape_cast %get3A_750 : vector<16xi32> to vector<16xi32>
      %add3A_752 = arith.addi %get3A_751, %broadcast_in_dim3A_708 : vector<16xi32>
      %swap3A_753 = arith.constant 336 : index
      %swap3A_754 = tpu.vector_load %arg6[%swap3A_753] {strides = array<i32>} : memref<1024xi32, #tpu.memory_space<vmem>>, vector<16xi32>,
      %swap3A_755 = vector.shape_cast %swap3A_754 : vector<16xi32> to vector<16xi32>
      %swap3A_756 = vector.shape_cast %add3A_752 : vector<16xi32> to vector<16xi32>
      tpu.vector_store %arg6[%swap3A_753], %swap3A_756 {strides = array<i32>} : memref<1024xi32, #tpu.memory_space<vmem>>, vector<16xi32>,
      %get3A_757 = arith.constant 352 : index
      %get3A_758 = tpu.vector_load %arg6[%get3A_757] {strides = array<i32>} : memref<1024xi32, #tpu.memory_space<vmem>>, vector<16xi32>,
      %get3A_759 = vector.shape_cast %get3A_758 : vector<16xi32> to vector<16xi32>
      %add3A_760 = arith.addi %get3A_759, %broadcast_in_dim3A_708 : vector<16xi32>
      %swap3A_761 = arith.constant 352 : index
      %swap3A_762 = tpu.vector_load %arg6[%swap3A_761] {strides = array<i32>} : memref<1024xi32, #tpu.memory_space<vmem>>, vector<16xi32>,
      %swap3A_763 = vector.shape_cast %swap3A_762 : vector<16xi32> to vector<16xi32>
      %swap3A_764 = vector.shape_cast %add3A_760 : vector<16xi32> to vector<16xi32>
      tpu.vector_store %arg6[%swap3A_761], %swap3A_764 {strides = array<i32>} : memref<1024xi32, #tpu.memory_space<vmem>>, vector<16xi32>,
      %get3A_765 = arith.constant 368 : index
      %get3A_766 = tpu.vector_load %arg6[%get3A_765] {strides = array<i32>} : memref<1024xi32, #tpu.memory_space<vmem>>, vector<16xi32>,
      %get3A_767 = vector.shape_cast %get3A_766 : vector<16xi32> to vector<16xi32>
      %add3A_768 = arith.addi %get3A_767, %broadcast_in_dim3A_708 : vector<16xi32>
      %swap3A_769 = arith.constant 368 : index
      %swap3A_770 = tpu.vector_load %arg6[%swap3A_769] {strides = array<i32>} : memref<1024xi32, #tpu.memory_space<vmem>>, vector<16xi32>,
      %swap3A_771 = vector.shape_cast %swap3A_770 : vector<16xi32> to vector<16xi32>
      %swap3A_772 = vector.shape_cast %add3A_768 : vector<16xi32> to vector<16xi32>
      tpu.vector_store %arg6[%swap3A_769], %swap3A_772 {strides = array<i32>} : memref<1024xi32, #tpu.memory_space<vmem>>, vector<16xi32>,
      %broadcast_in_dim3A_773 = arith.constant 300000 : i32
      %broadcast_in_dim3A_774 = vector.broadcast %broadcast_in_dim3A_773 : i32 to vector<16xi32>
      %get3A_775 = arith.constant 384 : index
      %get3A_776 = tpu.vector_load %arg6[%get3A_775] {strides = array<i32>} : memref<1024xi32, #tpu.memory_space<vmem>>, vector<16xi32>,
      %get3A_777 = vector.shape_cast %get3A_776 : vector<16xi32> to vector<16xi32>
      %add3A_778 = arith.addi %get3A_777, %broadcast_in_dim3A_774 : vector<16xi32>
      %swap3A_779 = arith.constant 384 : index
      %swap3A_780 = tpu.vector_load %arg6[%swap3A_779] {strides = array<i32>} : memref<1024xi32, #tpu.memory_space<vmem>>, vector<16xi32>,
      %swap3A_781 = vector.shape_cast %swap3A_780 : vector<16xi32> to vector<16xi32>
      %swap3A_782 = vector.shape_cast %add3A_778 : vector<16xi32> to vector<16xi32>
      tpu.vector_store %arg6[%swap3A_779], %swap3A_782 {strides = array<i32>} : memref<1024xi32, #tpu.memory_space<vmem>>, vector<16xi32>,
      %get3A_783 = arith.constant 400 : index
      %get3A_784 = tpu.vector_load %arg6[%get3A_783] {strides = array<i32>} : memref<1024xi32, #tpu.memory_space<vmem>>, vector<16xi32>,
      %get3A_785 = vector.shape_cast %get3A_784 : vector<16xi32> to vector<16xi32>
      %add3A_786 = arith.addi %get3A_785, %broadcast_in_dim3A_774 : vector<16xi32>
      %swap3A_787 = arith.constant 400 : index
      %swap3A_788 = tpu.vector_load %arg6[%swap3A_787] {strides = array<i32>} : memref<1024xi32, #tpu.memory_space<vmem>>, vector<16xi32>,
      %swap3A_789 = vector.shape_cast %swap3A_788 : vector<16xi32> to vector<16xi32>
      %swap3A_790 = vector.shape_cast %add3A_786 : vector<16xi32> to vector<16xi32>
      tpu.vector_store %arg6[%swap3A_787], %swap3A_790 {strides = array<i32>} : memref<1024xi32, #tpu.memory_space<vmem>>, vector<16xi32>,
      %get3A_791 = arith.constant 416 : index
      %get3A_792 = tpu.vector_load %arg6[%get3A_791] {strides = array<i32>} : memref<1024xi32, #tpu.memory_space<vmem>>, vector<16xi32>,
      %get3A_793 = vector.shape_cast %get3A_792 : vector<16xi32> to vector<16xi32>
      %add3A_794 = arith.addi %get3A_793, %broadcast_in_dim3A_774 : vector<16xi32>
      %swap3A_795 = arith.constant 416 : index
      %swap3A_796 = tpu.vector_load %arg6[%swap3A_795] {strides = array<i32>} : memref<1024xi32, #tpu.memory_space<vmem>>, vector<16xi32>,
      %swap3A_797 = vector.shape_cast %swap3A_796 : vector<16xi32> to vector<16xi32>
      %swap3A_798 = vector.shape_cast %add3A_794 : vector<16xi32> to vector<16xi32>
      tpu.vector_store %arg6[%swap3A_795], %swap3A_798 {strides = array<i32>} : memref<1024xi32, #tpu.memory_space<vmem>>, vector<16xi32>,
      %get3A_799 = arith.constant 432 : index
      %get3A_800 = tpu.vector_load %arg6[%get3A_799] {strides = array<i32>} : memref<1024xi32, #tpu.memory_space<vmem>>, vector<16xi32>,
      %get3A_801 = vector.shape_cast %get3A_800 : vector<16xi32> to vector<16xi32>
      %add3A_802 = arith.addi %get3A_801, %broadcast_in_dim3A_774 : vector<16xi32>
      %swap3A_803 = arith.constant 432 : index
      %swap3A_804 = tpu.vector_load %arg6[%swap3A_803] {strides = array<i32>} : memref<1024xi32, #tpu.memory_space<vmem>>, vector<16xi32>,
      %swap3A_805 = vector.shape_cast %swap3A_804 : vector<16xi32> to vector<16xi32>
      %swap3A_806 = vector.shape_cast %add3A_802 : vector<16xi32> to vector<16xi32>
      tpu.vector_store %arg6[%swap3A_803], %swap3A_806 {strides = array<i32>} : memref<1024xi32, #tpu.memory_space<vmem>>, vector<16xi32>,
      %get3A_807 = arith.constant 448 : index
      %get3A_808 = tpu.vector_load %arg6[%get3A_807] {strides = array<i32>} : memref<1024xi32, #tpu.memory_space<vmem>>, vector<16xi32>,
      %get3A_809 = vector.shape_cast %get3A_808 : vector<16xi32> to vector<16xi32>
      %add3A_810 = arith.addi %get3A_809, %broadcast_in_dim3A_774 : vector<16xi32>
      %swap3A_811 = arith.constant 448 : index
      %swap3A_812 = tpu.vector_load %arg6[%swap3A_811] {strides = array<i32>} : memref<1024xi32, #tpu.memory_space<vmem>>, vector<16xi32>,
      %swap3A_813 = vector.shape_cast %swap3A_812 : vector<16xi32> to vector<16xi32>
      %swap3A_814 = vector.shape_cast %add3A_810 : vector<16xi32> to vector<16xi32>
      tpu.vector_store %arg6[%swap3A_811], %swap3A_814 {strides = array<i32>} : memref<1024xi32, #tpu.memory_space<vmem>>, vector<16xi32>,
      %get3A_815 = arith.constant 464 : index
      %get3A_816 = tpu.vector_load %arg6[%get3A_815] {strides = array<i32>} : memref<1024xi32, #tpu.memory_space<vmem>>, vector<16xi32>,
      %get3A_817 = vector.shape_cast %get3A_816 : vector<16xi32> to vector<16xi32>
      %add3A_818 = arith.addi %get3A_817, %broadcast_in_dim3A_774 : vector<16xi32>
      %swap3A_819 = arith.constant 464 : index
      %swap3A_820 = tpu.vector_load %arg6[%swap3A_819] {strides = array<i32>} : memref<1024xi32, #tpu.memory_space<vmem>>, vector<16xi32>,
      %swap3A_821 = vector.shape_cast %swap3A_820 : vector<16xi32> to vector<16xi32>
      %swap3A_822 = vector.shape_cast %add3A_818 : vector<16xi32> to vector<16xi32>
      tpu.vector_store %arg6[%swap3A_819], %swap3A_822 {strides = array<i32>} : memref<1024xi32, #tpu.memory_space<vmem>>, vector<16xi32>,
      %get3A_823 = arith.constant 480 : index
      %get3A_824 = tpu.vector_load %arg6[%get3A_823] {strides = array<i32>} : memref<1024xi32, #tpu.memory_space<vmem>>, vector<16xi32>,
      %get3A_825 = vector.shape_cast %get3A_824 : vector<16xi32> to vector<16xi32>
      %add3A_826 = arith.addi %get3A_825, %broadcast_in_dim3A_774 : vector<16xi32>
      %swap3A_827 = arith.constant 480 : index
      %swap3A_828 = tpu.vector_load %arg6[%swap3A_827] {strides = array<i32>} : memref<1024xi32, #tpu.memory_space<vmem>>, vector<16xi32>,
      %swap3A_829 = vector.shape_cast %swap3A_828 : vector<16xi32> to vector<16xi32>
      %swap3A_830 = vector.shape_cast %add3A_826 : vector<16xi32> to vector<16xi32>
      tpu.vector_store %arg6[%swap3A_827], %swap3A_830 {strides = array<i32>} : memref<1024xi32, #tpu.memory_space<vmem>>, vector<16xi32>,
      %get3A_831 = arith.constant 496 : index
      %get3A_832 = tpu.vector_load %arg6[%get3A_831] {strides = array<i32>} : memref<1024xi32, #tpu.memory_space<vmem>>, vector<16xi32>,
      %get3A_833 = vector.shape_cast %get3A_832 : vector<16xi32> to vector<16xi32>
      %add3A_834 = arith.addi %get3A_833, %broadcast_in_dim3A_774 : vector<16xi32>
      %swap3A_835 = arith.constant 496 : index
      %swap3A_836 = tpu.vector_load %arg6[%swap3A_835] {strides = array<i32>} : memref<1024xi32, #tpu.memory_space<vmem>>, vector<16xi32>,
      %swap3A_837 = vector.shape_cast %swap3A_836 : vector<16xi32> to vector<16xi32>
      %swap3A_838 = vector.shape_cast %add3A_834 : vector<16xi32> to vector<16xi32>
      tpu.vector_store %arg6[%swap3A_835], %swap3A_838 {strides = array<i32>} : memref<1024xi32, #tpu.memory_space<vmem>>, vector<16xi32>,
      %broadcast_in_dim3A_839 = arith.constant 400000 : i32
      %broadcast_in_dim3A_840 = vector.broadcast %broadcast_in_dim3A_839 : i32 to vector<16xi32>
      %get3A_841 = arith.constant 512 : index
      %get3A_842 = tpu.vector_load %arg6[%get3A_841] {strides = array<i32>} : memref<1024xi32, #tpu.memory_space<vmem>>, vector<16xi32>,
      %get3A_843 = vector.shape_cast %get3A_842 : vector<16xi32> to vector<16xi32>
      %add3A_844 = arith.addi %get3A_843, %broadcast_in_dim3A_840 : vector<16xi32>
      %swap3A_845 = arith.constant 512 : index
      %swap3A_846 = tpu.vector_load %arg6[%swap3A_845] {strides = array<i32>} : memref<1024xi32, #tpu.memory_space<vmem>>, vector<16xi32>,
      %swap3A_847 = vector.shape_cast %swap3A_846 : vector<16xi32> to vector<16xi32>
      %swap3A_848 = vector.shape_cast %add3A_844 : vector<16xi32> to vector<16xi32>
      tpu.vector_store %arg6[%swap3A_845], %swap3A_848 {strides = array<i32>} : memref<1024xi32, #tpu.memory_space<vmem>>, vector<16xi32>,
      %get3A_849 = arith.constant 528 : index
      %get3A_850 = tpu.vector_load %arg6[%get3A_849] {strides = array<i32>} : memref<1024xi32, #tpu.memory_space<vmem>>, vector<16xi32>,
      %get3A_851 = vector.shape_cast %get3A_850 : vector<16xi32> to vector<16xi32>
      %add3A_852 = arith.addi %get3A_851, %broadcast_in_dim3A_840 : vector<16xi32>
      %swap3A_853 = arith.constant 528 : index
      %swap3A_854 = tpu.vector_load %arg6[%swap3A_853] {strides = array<i32>} : memref<1024xi32, #tpu.memory_space<vmem>>, vector<16xi32>,
      %swap3A_855 = vector.shape_cast %swap3A_854 : vector<16xi32> to vector<16xi32>
      %swap3A_856 = vector.shape_cast %add3A_852 : vector<16xi32> to vector<16xi32>
      tpu.vector_store %arg6[%swap3A_853], %swap3A_856 {strides = array<i32>} : memref<1024xi32, #tpu.memory_space<vmem>>, vector<16xi32>,
      %get3A_857 = arith.constant 544 : index
      %get3A_858 = tpu.vector_load %arg6[%get3A_857] {strides = array<i32>} : memref<1024xi32, #tpu.memory_space<vmem>>, vector<16xi32>,
      %get3A_859 = vector.shape_cast %get3A_858 : vector<16xi32> to vector<16xi32>
      %add3A_860 = arith.addi %get3A_859, %broadcast_in_dim3A_840 : vector<16xi32>
      %swap3A_861 = arith.constant 544 : index
      %swap3A_862 = tpu.vector_load %arg6[%swap3A_861] {strides = array<i32>} : memref<1024xi32, #tpu.memory_space<vmem>>, vector<16xi32>,
      %swap3A_863 = vector.shape_cast %swap3A_862 : vector<16xi32> to vector<16xi32>
      %swap3A_864 = vector.shape_cast %add3A_860 : vector<16xi32> to vector<16xi32>
      tpu.vector_store %arg6[%swap3A_861], %swap3A_864 {strides = array<i32>} : memref<1024xi32, #tpu.memory_space<vmem>>, vector<16xi32>,
      %get3A_865 = arith.constant 560 : index
      %get3A_866 = tpu.vector_load %arg6[%get3A_865] {strides = array<i32>} : memref<1024xi32, #tpu.memory_space<vmem>>, vector<16xi32>,
      %get3A_867 = vector.shape_cast %get3A_866 : vector<16xi32> to vector<16xi32>
      %add3A_868 = arith.addi %get3A_867, %broadcast_in_dim3A_840 : vector<16xi32>
      %swap3A_869 = arith.constant 560 : index
      %swap3A_870 = tpu.vector_load %arg6[%swap3A_869] {strides = array<i32>} : memref<1024xi32, #tpu.memory_space<vmem>>, vector<16xi32>,
      %swap3A_871 = vector.shape_cast %swap3A_870 : vector<16xi32> to vector<16xi32>
      %swap3A_872 = vector.shape_cast %add3A_868 : vector<16xi32> to vector<16xi32>
      tpu.vector_store %arg6[%swap3A_869], %swap3A_872 {strides = array<i32>} : memref<1024xi32, #tpu.memory_space<vmem>>, vector<16xi32>,
      %get3A_873 = arith.constant 576 : index
      %get3A_874 = tpu.vector_load %arg6[%get3A_873] {strides = array<i32>} : memref<1024xi32, #tpu.memory_space<vmem>>, vector<16xi32>,
      %get3A_875 = vector.shape_cast %get3A_874 : vector<16xi32> to vector<16xi32>
      %add3A_876 = arith.addi %get3A_875, %broadcast_in_dim3A_840 : vector<16xi32>
      %swap3A_877 = arith.constant 576 : index
      %swap3A_878 = tpu.vector_load %arg6[%swap3A_877] {strides = array<i32>} : memref<1024xi32, #tpu.memory_space<vmem>>, vector<16xi32>,
      %swap3A_879 = vector.shape_cast %swap3A_878 : vector<16xi32> to vector<16xi32>
      %swap3A_880 = vector.shape_cast %add3A_876 : vector<16xi32> to vector<16xi32>
      tpu.vector_store %arg6[%swap3A_877], %swap3A_880 {strides = array<i32>} : memref<1024xi32, #tpu.memory_space<vmem>>, vector<16xi32>,
      %get3A_881 = arith.constant 592 : index
      %get3A_882 = tpu.vector_load %arg6[%get3A_881] {strides = array<i32>} : memref<1024xi32, #tpu.memory_space<vmem>>, vector<16xi32>,
      %get3A_883 = vector.shape_cast %get3A_882 : vector<16xi32> to vector<16xi32>
      %add3A_884 = arith.addi %get3A_883, %broadcast_in_dim3A_840 : vector<16xi32>
      %swap3A_885 = arith.constant 592 : index
      %swap3A_886 = tpu.vector_load %arg6[%swap3A_885] {strides = array<i32>} : memref<1024xi32, #tpu.memory_space<vmem>>, vector<16xi32>,
      %swap3A_887 = vector.shape_cast %swap3A_886 : vector<16xi32> to vector<16xi32>
      %swap3A_888 = vector.shape_cast %add3A_884 : vector<16xi32> to vector<16xi32>
      tpu.vector_store %arg6[%swap3A_885], %swap3A_888 {strides = array<i32>} : memref<1024xi32, #tpu.memory_space<vmem>>, vector<16xi32>,
      %get3A_889 = arith.constant 608 : index
      %get3A_890 = tpu.vector_load %arg6[%get3A_889] {strides = array<i32>} : memref<1024xi32, #tpu.memory_space<vmem>>, vector<16xi32>,
      %get3A_891 = vector.shape_cast %get3A_890 : vector<16xi32> to vector<16xi32>
      %add3A_892 = arith.addi %get3A_891, %broadcast_in_dim3A_840 : vector<16xi32>
      %swap3A_893 = arith.constant 608 : index
      %swap3A_894 = tpu.vector_load %arg6[%swap3A_893] {strides = array<i32>} : memref<1024xi32, #tpu.memory_space<vmem>>, vector<16xi32>,
      %swap3A_895 = vector.shape_cast %swap3A_894 : vector<16xi32> to vector<16xi32>
      %swap3A_896 = vector.shape_cast %add3A_892 : vector<16xi32> to vector<16xi32>
      tpu.vector_store %arg6[%swap3A_893], %swap3A_896 {strides = array<i32>} : memref<1024xi32, #tpu.memory_space<vmem>>, vector<16xi32>,
      %get3A_897 = arith.constant 624 : index
      %get3A_898 = tpu.vector_load %arg6[%get3A_897] {strides = array<i32>} : memref<1024xi32, #tpu.memory_space<vmem>>, vector<16xi32>,
      %get3A_899 = vector.shape_cast %get3A_898 : vector<16xi32> to vector<16xi32>
      %add3A_900 = arith.addi %get3A_899, %broadcast_in_dim3A_840 : vector<16xi32>
      %swap3A_901 = arith.constant 624 : index
      %swap3A_902 = tpu.vector_load %arg6[%swap3A_901] {strides = array<i32>} : memref<1024xi32, #tpu.memory_space<vmem>>, vector<16xi32>,
      %swap3A_903 = vector.shape_cast %swap3A_902 : vector<16xi32> to vector<16xi32>
      %swap3A_904 = vector.shape_cast %add3A_900 : vector<16xi32> to vector<16xi32>
      tpu.vector_store %arg6[%swap3A_901], %swap3A_904 {strides = array<i32>} : memref<1024xi32, #tpu.memory_space<vmem>>, vector<16xi32>,
      %broadcast_in_dim3A_905 = arith.constant 500000 : i32
      %broadcast_in_dim3A_906 = vector.broadcast %broadcast_in_dim3A_905 : i32 to vector<16xi32>
      %get3A_907 = arith.constant 640 : index
      %get3A_908 = tpu.vector_load %arg6[%get3A_907] {strides = array<i32>} : memref<1024xi32, #tpu.memory_space<vmem>>, vector<16xi32>,
      %get3A_909 = vector.shape_cast %get3A_908 : vector<16xi32> to vector<16xi32>
      %add3A_910 = arith.addi %get3A_909, %broadcast_in_dim3A_906 : vector<16xi32>
      %swap3A_911 = arith.constant 640 : index
      %swap3A_912 = tpu.vector_load %arg6[%swap3A_911] {strides = array<i32>} : memref<1024xi32, #tpu.memory_space<vmem>>, vector<16xi32>,
      %swap3A_913 = vector.shape_cast %swap3A_912 : vector<16xi32> to vector<16xi32>
      %swap3A_914 = vector.shape_cast %add3A_910 : vector<16xi32> to vector<16xi32>
      tpu.vector_store %arg6[%swap3A_911], %swap3A_914 {strides = array<i32>} : memref<1024xi32, #tpu.memory_space<vmem>>, vector<16xi32>,
      %get3A_915 = arith.constant 656 : index
      %get3A_916 = tpu.vector_load %arg6[%get3A_915] {strides = array<i32>} : memref<1024xi32, #tpu.memory_space<vmem>>, vector<16xi32>,
      %get3A_917 = vector.shape_cast %get3A_916 : vector<16xi32> to vector<16xi32>
      %add3A_918 = arith.addi %get3A_917, %broadcast_in_dim3A_906 : vector<16xi32>
      %swap3A_919 = arith.constant 656 : index
      %swap3A_920 = tpu.vector_load %arg6[%swap3A_919] {strides = array<i32>} : memref<1024xi32, #tpu.memory_space<vmem>>, vector<16xi32>,
      %swap3A_921 = vector.shape_cast %swap3A_920 : vector<16xi32> to vector<16xi32>
      %swap3A_922 = vector.shape_cast %add3A_918 : vector<16xi32> to vector<16xi32>
      tpu.vector_store %arg6[%swap3A_919], %swap3A_922 {strides = array<i32>} : memref<1024xi32, #tpu.memory_space<vmem>>, vector<16xi32>,
      %get3A_923 = arith.constant 672 : index
      %get3A_924 = tpu.vector_load %arg6[%get3A_923] {strides = array<i32>} : memref<1024xi32, #tpu.memory_space<vmem>>, vector<16xi32>,
      %get3A_925 = vector.shape_cast %get3A_924 : vector<16xi32> to vector<16xi32>
      %add3A_926 = arith.addi %get3A_925, %broadcast_in_dim3A_906 : vector<16xi32>
      %swap3A_927 = arith.constant 672 : index
      %swap3A_928 = tpu.vector_load %arg6[%swap3A_927] {strides = array<i32>} : memref<1024xi32, #tpu.memory_space<vmem>>, vector<16xi32>,
      %swap3A_929 = vector.shape_cast %swap3A_928 : vector<16xi32> to vector<16xi32>
      %swap3A_930 = vector.shape_cast %add3A_926 : vector<16xi32> to vector<16xi32>
      tpu.vector_store %arg6[%swap3A_927], %swap3A_930 {strides = array<i32>} : memref<1024xi32, #tpu.memory_space<vmem>>, vector<16xi32>,
      %get3A_931 = arith.constant 688 : index
      %get3A_932 = tpu.vector_load %arg6[%get3A_931] {strides = array<i32>} : memref<1024xi32, #tpu.memory_space<vmem>>, vector<16xi32>,
      %get3A_933 = vector.shape_cast %get3A_932 : vector<16xi32> to vector<16xi32>
      %add3A_934 = arith.addi %get3A_933, %broadcast_in_dim3A_906 : vector<16xi32>
      %swap3A_935 = arith.constant 688 : index
      %swap3A_936 = tpu.vector_load %arg6[%swap3A_935] {strides = array<i32>} : memref<1024xi32, #tpu.memory_space<vmem>>, vector<16xi32>,
      %swap3A_937 = vector.shape_cast %swap3A_936 : vector<16xi32> to vector<16xi32>
      %swap3A_938 = vector.shape_cast %add3A_934 : vector<16xi32> to vector<16xi32>
      tpu.vector_store %arg6[%swap3A_935], %swap3A_938 {strides = array<i32>} : memref<1024xi32, #tpu.memory_space<vmem>>, vector<16xi32>,
      %get3A_939 = arith.constant 704 : index
      %get3A_940 = tpu.vector_load %arg6[%get3A_939] {strides = array<i32>} : memref<1024xi32, #tpu.memory_space<vmem>>, vector<16xi32>,
      %get3A_941 = vector.shape_cast %get3A_940 : vector<16xi32> to vector<16xi32>
      %add3A_942 = arith.addi %get3A_941, %broadcast_in_dim3A_906 : vector<16xi32>
      %swap3A_943 = arith.constant 704 : index
      %swap3A_944 = tpu.vector_load %arg6[%swap3A_943] {strides = array<i32>} : memref<1024xi32, #tpu.memory_space<vmem>>, vector<16xi32>,
      %swap3A_945 = vector.shape_cast %swap3A_944 : vector<16xi32> to vector<16xi32>
      %swap3A_946 = vector.shape_cast %add3A_942 : vector<16xi32> to vector<16xi32>
      tpu.vector_store %arg6[%swap3A_943], %swap3A_946 {strides = array<i32>} : memref<1024xi32, #tpu.memory_space<vmem>>, vector<16xi32>,
      %get3A_947 = arith.constant 720 : index
      %get3A_948 = tpu.vector_load %arg6[%get3A_947] {strides = array<i32>} : memref<1024xi32, #tpu.memory_space<vmem>>, vector<16xi32>,
      %get3A_949 = vector.shape_cast %get3A_948 : vector<16xi32> to vector<16xi32>
      %add3A_950 = arith.addi %get3A_949, %broadcast_in_dim3A_906 : vector<16xi32>
      %swap3A_951 = arith.constant 720 : index
      %swap3A_952 = tpu.vector_load %arg6[%swap3A_951] {strides = array<i32>} : memref<1024xi32, #tpu.memory_space<vmem>>, vector<16xi32>,
      %swap3A_953 = vector.shape_cast %swap3A_952 : vector<16xi32> to vector<16xi32>
      %swap3A_954 = vector.shape_cast %add3A_950 : vector<16xi32> to vector<16xi32>
      tpu.vector_store %arg6[%swap3A_951], %swap3A_954 {strides = array<i32>} : memref<1024xi32, #tpu.memory_space<vmem>>, vector<16xi32>,
      %get3A_955 = arith.constant 736 : index
      %get3A_956 = tpu.vector_load %arg6[%get3A_955] {strides = array<i32>} : memref<1024xi32, #tpu.memory_space<vmem>>, vector<16xi32>,
      %get3A_957 = vector.shape_cast %get3A_956 : vector<16xi32> to vector<16xi32>
      %add3A_958 = arith.addi %get3A_957, %broadcast_in_dim3A_906 : vector<16xi32>
      %swap3A_959 = arith.constant 736 : index
      %swap3A_960 = tpu.vector_load %arg6[%swap3A_959] {strides = array<i32>} : memref<1024xi32, #tpu.memory_space<vmem>>, vector<16xi32>,
      %swap3A_961 = vector.shape_cast %swap3A_960 : vector<16xi32> to vector<16xi32>
      %swap3A_962 = vector.shape_cast %add3A_958 : vector<16xi32> to vector<16xi32>
      tpu.vector_store %arg6[%swap3A_959], %swap3A_962 {strides = array<i32>} : memref<1024xi32, #tpu.memory_space<vmem>>, vector<16xi32>,
      %get3A_963 = arith.constant 752 : index
      %get3A_964 = tpu.vector_load %arg6[%get3A_963] {strides = array<i32>} : memref<1024xi32, #tpu.memory_space<vmem>>, vector<16xi32>,
      %get3A_965 = vector.shape_cast %get3A_964 : vector<16xi32> to vector<16xi32>
      %add3A_966 = arith.addi %get3A_965, %broadcast_in_dim3A_906 : vector<16xi32>
      %swap3A_967 = arith.constant 752 : index
      %swap3A_968 = tpu.vector_load %arg6[%swap3A_967] {strides = array<i32>} : memref<1024xi32, #tpu.memory_space<vmem>>, vector<16xi32>,
      %swap3A_969 = vector.shape_cast %swap3A_968 : vector<16xi32> to vector<16xi32>
      %swap3A_970 = vector.shape_cast %add3A_966 : vector<16xi32> to vector<16xi32>
      tpu.vector_store %arg6[%swap3A_967], %swap3A_970 {strides = array<i32>} : memref<1024xi32, #tpu.memory_space<vmem>>, vector<16xi32>,
      %broadcast_in_dim3A_971 = arith.constant 600000 : i32
      %broadcast_in_dim3A_972 = vector.broadcast %broadcast_in_dim3A_971 : i32 to vector<16xi32>
      %get3A_973 = arith.constant 768 : index
      %get3A_974 = tpu.vector_load %arg6[%get3A_973] {strides = array<i32>} : memref<1024xi32, #tpu.memory_space<vmem>>, vector<16xi32>,
      %get3A_975 = vector.shape_cast %get3A_974 : vector<16xi32> to vector<16xi32>
      %add3A_976 = arith.addi %get3A_975, %broadcast_in_dim3A_972 : vector<16xi32>
      %swap3A_977 = arith.constant 768 : index
      %swap3A_978 = tpu.vector_load %arg6[%swap3A_977] {strides = array<i32>} : memref<1024xi32, #tpu.memory_space<vmem>>, vector<16xi32>,
      %swap3A_979 = vector.shape_cast %swap3A_978 : vector<16xi32> to vector<16xi32>
      %swap3A_980 = vector.shape_cast %add3A_976 : vector<16xi32> to vector<16xi32>
      tpu.vector_store %arg6[%swap3A_977], %swap3A_980 {strides = array<i32>} : memref<1024xi32, #tpu.memory_space<vmem>>, vector<16xi32>,
      %get3A_981 = arith.constant 784 : index
      %get3A_982 = tpu.vector_load %arg6[%get3A_981] {strides = array<i32>} : memref<1024xi32, #tpu.memory_space<vmem>>, vector<16xi32>,
      %get3A_983 = vector.shape_cast %get3A_982 : vector<16xi32> to vector<16xi32>
      %add3A_984 = arith.addi %get3A_983, %broadcast_in_dim3A_972 : vector<16xi32>
      %swap3A_985 = arith.constant 784 : index
      %swap3A_986 = tpu.vector_load %arg6[%swap3A_985] {strides = array<i32>} : memref<1024xi32, #tpu.memory_space<vmem>>, vector<16xi32>,
      %swap3A_987 = vector.shape_cast %swap3A_986 : vector<16xi32> to vector<16xi32>
      %swap3A_988 = vector.shape_cast %add3A_984 : vector<16xi32> to vector<16xi32>
      tpu.vector_store %arg6[%swap3A_985], %swap3A_988 {strides = array<i32>} : memref<1024xi32, #tpu.memory_space<vmem>>, vector<16xi32>,
      %get3A_989 = arith.constant 800 : index
      %get3A_990 = tpu.vector_load %arg6[%get3A_989] {strides = array<i32>} : memref<1024xi32, #tpu.memory_space<vmem>>, vector<16xi32>,
      %get3A_991 = vector.shape_cast %get3A_990 : vector<16xi32> to vector<16xi32>
      %add3A_992 = arith.addi %get3A_991, %broadcast_in_dim3A_972 : vector<16xi32>
      %swap3A_993 = arith.constant 800 : index
      %swap3A_994 = tpu.vector_load %arg6[%swap3A_993] {strides = array<i32>} : memref<1024xi32, #tpu.memory_space<vmem>>, vector<16xi32>,
      %swap3A_995 = vector.shape_cast %swap3A_994 : vector<16xi32> to vector<16xi32>
      %swap3A_996 = vector.shape_cast %add3A_992 : vector<16xi32> to vector<16xi32>
      tpu.vector_store %arg6[%swap3A_993], %swap3A_996 {strides = array<i32>} : memref<1024xi32, #tpu.memory_space<vmem>>, vector<16xi32>,
      %get3A_997 = arith.constant 816 : index
      %get3A_998 = tpu.vector_load %arg6[%get3A_997] {strides = array<i32>} : memref<1024xi32, #tpu.memory_space<vmem>>, vector<16xi32>,
      %get3A_999 = vector.shape_cast %get3A_998 : vector<16xi32> to vector<16xi32>
      %add3A_1000 = arith.addi %get3A_999, %broadcast_in_dim3A_972 : vector<16xi32>
      %swap3A_1001 = arith.constant 816 : index
      %swap3A_1002 = tpu.vector_load %arg6[%swap3A_1001] {strides = array<i32>} : memref<1024xi32, #tpu.memory_space<vmem>>, vector<16xi32>,
      %swap3A_1003 = vector.shape_cast %swap3A_1002 : vector<16xi32> to vector<16xi32>
      %swap3A_1004 = vector.shape_cast %add3A_1000 : vector<16xi32> to vector<16xi32>
      tpu.vector_store %arg6[%swap3A_1001], %swap3A_1004 {strides = array<i32>} : memref<1024xi32, #tpu.memory_space<vmem>>, vector<16xi32>,
      %get3A_1005 = arith.constant 832 : index
      %get3A_1006 = tpu.vector_load %arg6[%get3A_1005] {strides = array<i32>} : memref<1024xi32, #tpu.memory_space<vmem>>, vector<16xi32>,
      %get3A_1007 = vector.shape_cast %get3A_1006 : vector<16xi32> to vector<16xi32>
      %add3A_1008 = arith.addi %get3A_1007, %broadcast_in_dim3A_972 : vector<16xi32>
      %swap3A_1009 = arith.constant 832 : index
      %swap3A_1010 = tpu.vector_load %arg6[%swap3A_1009] {strides = array<i32>} : memref<1024xi32, #tpu.memory_space<vmem>>, vector<16xi32>,
      %swap3A_1011 = vector.shape_cast %swap3A_1010 : vector<16xi32> to vector<16xi32>
      %swap3A_1012 = vector.shape_cast %add3A_1008 : vector<16xi32> to vector<16xi32>
      tpu.vector_store %arg6[%swap3A_1009], %swap3A_1012 {strides = array<i32>} : memref<1024xi32, #tpu.memory_space<vmem>>, vector<16xi32>,
      %get3A_1013 = arith.constant 848 : index
      %get3A_1014 = tpu.vector_load %arg6[%get3A_1013] {strides = array<i32>} : memref<1024xi32, #tpu.memory_space<vmem>>, vector<16xi32>,
      %get3A_1015 = vector.shape_cast %get3A_1014 : vector<16xi32> to vector<16xi32>
      %add3A_1016 = arith.addi %get3A_1015, %broadcast_in_dim3A_972 : vector<16xi32>
      %swap3A_1017 = arith.constant 848 : index
      %swap3A_1018 = tpu.vector_load %arg6[%swap3A_1017] {strides = array<i32>} : memref<1024xi32, #tpu.memory_space<vmem>>, vector<16xi32>,
      %swap3A_1019 = vector.shape_cast %swap3A_1018 : vector<16xi32> to vector<16xi32>
      %swap3A_1020 = vector.shape_cast %add3A_1016 : vector<16xi32> to vector<16xi32>
      tpu.vector_store %arg6[%swap3A_1017], %swap3A_1020 {strides = array<i32>} : memref<1024xi32, #tpu.memory_space<vmem>>, vector<16xi32>,
      %get3A_1021 = arith.constant 864 : index
      %get3A_1022 = tpu.vector_load %arg6[%get3A_1021] {strides = array<i32>} : memref<1024xi32, #tpu.memory_space<vmem>>, vector<16xi32>,
      %get3A_1023 = vector.shape_cast %get3A_1022 : vector<16xi32> to vector<16xi32>
      %add3A_1024 = arith.addi %get3A_1023, %broadcast_in_dim3A_972 : vector<16xi32>
      %swap3A_1025 = arith.constant 864 : index
      %swap3A_1026 = tpu.vector_load %arg6[%swap3A_1025] {strides = array<i32>} : memref<1024xi32, #tpu.memory_space<vmem>>, vector<16xi32>,
      %swap3A_1027 = vector.shape_cast %swap3A_1026 : vector<16xi32> to vector<16xi32>
      %swap3A_1028 = vector.shape_cast %add3A_1024 : vector<16xi32> to vector<16xi32>
      tpu.vector_store %arg6[%swap3A_1025], %swap3A_1028 {strides = array<i32>} : memref<1024xi32, #tpu.memory_space<vmem>>, vector<16xi32>,
      %get3A_1029 = arith.constant 880 : index
      %get3A_1030 = tpu.vector_load %arg6[%get3A_1029] {strides = array<i32>} : memref<1024xi32, #tpu.memory_space<vmem>>, vector<16xi32>,
      %get3A_1031 = vector.shape_cast %get3A_1030 : vector<16xi32> to vector<16xi32>
      %add3A_1032 = arith.addi %get3A_1031, %broadcast_in_dim3A_972 : vector<16xi32>
      %swap3A_1033 = arith.constant 880 : index
      %swap3A_1034 = tpu.vector_load %arg6[%swap3A_1033] {strides = array<i32>} : memref<1024xi32, #tpu.memory_space<vmem>>, vector<16xi32>,
      %swap3A_1035 = vector.shape_cast %swap3A_1034 : vector<16xi32> to vector<16xi32>
      %swap3A_1036 = vector.shape_cast %add3A_1032 : vector<16xi32> to vector<16xi32>
      tpu.vector_store %arg6[%swap3A_1033], %swap3A_1036 {strides = array<i32>} : memref<1024xi32, #tpu.memory_space<vmem>>, vector<16xi32>,
      %broadcast_in_dim3A_1037 = arith.constant 700000 : i32
      %broadcast_in_dim3A_1038 = vector.broadcast %broadcast_in_dim3A_1037 : i32 to vector<16xi32>
      %get3A_1039 = arith.constant 896 : index
      %get3A_1040 = tpu.vector_load %arg6[%get3A_1039] {strides = array<i32>} : memref<1024xi32, #tpu.memory_space<vmem>>, vector<16xi32>,
      %get3A_1041 = vector.shape_cast %get3A_1040 : vector<16xi32> to vector<16xi32>
      %add3A_1042 = arith.addi %get3A_1041, %broadcast_in_dim3A_1038 : vector<16xi32>
      %swap3A_1043 = arith.constant 896 : index
      %swap3A_1044 = tpu.vector_load %arg6[%swap3A_1043] {strides = array<i32>} : memref<1024xi32, #tpu.memory_space<vmem>>, vector<16xi32>,
      %swap3A_1045 = vector.shape_cast %swap3A_1044 : vector<16xi32> to vector<16xi32>
      %swap3A_1046 = vector.shape_cast %add3A_1042 : vector<16xi32> to vector<16xi32>
      tpu.vector_store %arg6[%swap3A_1043], %swap3A_1046 {strides = array<i32>} : memref<1024xi32, #tpu.memory_space<vmem>>, vector<16xi32>,
      %get3A_1047 = arith.constant 912 : index
      %get3A_1048 = tpu.vector_load %arg6[%get3A_1047] {strides = array<i32>} : memref<1024xi32, #tpu.memory_space<vmem>>, vector<16xi32>,
      %get3A_1049 = vector.shape_cast %get3A_1048 : vector<16xi32> to vector<16xi32>
      %add3A_1050 = arith.addi %get3A_1049, %broadcast_in_dim3A_1038 : vector<16xi32>
      %swap3A_1051 = arith.constant 912 : index
      %swap3A_1052 = tpu.vector_load %arg6[%swap3A_1051] {strides = array<i32>} : memref<1024xi32, #tpu.memory_space<vmem>>, vector<16xi32>,
      %swap3A_1053 = vector.shape_cast %swap3A_1052 : vector<16xi32> to vector<16xi32>
      %swap3A_1054 = vector.shape_cast %add3A_1050 : vector<16xi32> to vector<16xi32>
      tpu.vector_store %arg6[%swap3A_1051], %swap3A_1054 {strides = array<i32>} : memref<1024xi32, #tpu.memory_space<vmem>>, vector<16xi32>,
      %get3A_1055 = arith.constant 928 : index
      %get3A_1056 = tpu.vector_load %arg6[%get3A_1055] {strides = array<i32>} : memref<1024xi32, #tpu.memory_space<vmem>>, vector<16xi32>,
      %get3A_1057 = vector.shape_cast %get3A_1056 : vector<16xi32> to vector<16xi32>
      %add3A_1058 = arith.addi %get3A_1057, %broadcast_in_dim3A_1038 : vector<16xi32>
      %swap3A_1059 = arith.constant 928 : index
      %swap3A_1060 = tpu.vector_load %arg6[%swap3A_1059] {strides = array<i32>} : memref<1024xi32, #tpu.memory_space<vmem>>, vector<16xi32>,
      %swap3A_1061 = vector.shape_cast %swap3A_1060 : vector<16xi32> to vector<16xi32>
      %swap3A_1062 = vector.shape_cast %add3A_1058 : vector<16xi32> to vector<16xi32>
      tpu.vector_store %arg6[%swap3A_1059], %swap3A_1062 {strides = array<i32>} : memref<1024xi32, #tpu.memory_space<vmem>>, vector<16xi32>,
      %get3A_1063 = arith.constant 944 : index
      %get3A_1064 = tpu.vector_load %arg6[%get3A_1063] {strides = array<i32>} : memref<1024xi32, #tpu.memory_space<vmem>>, vector<16xi32>,
      %get3A_1065 = vector.shape_cast %get3A_1064 : vector<16xi32> to vector<16xi32>
      %add3A_1066 = arith.addi %get3A_1065, %broadcast_in_dim3A_1038 : vector<16xi32>
      %swap3A_1067 = arith.constant 944 : index
      %swap3A_1068 = tpu.vector_load %arg6[%swap3A_1067] {strides = array<i32>} : memref<1024xi32, #tpu.memory_space<vmem>>, vector<16xi32>,
      %swap3A_1069 = vector.shape_cast %swap3A_1068 : vector<16xi32> to vector<16xi32>
      %swap3A_1070 = vector.shape_cast %add3A_1066 : vector<16xi32> to vector<16xi32>
      tpu.vector_store %arg6[%swap3A_1067], %swap3A_1070 {strides = array<i32>} : memref<1024xi32, #tpu.memory_space<vmem>>, vector<16xi32>,
      %get3A_1071 = arith.constant 960 : index
      %get3A_1072 = tpu.vector_load %arg6[%get3A_1071] {strides = array<i32>} : memref<1024xi32, #tpu.memory_space<vmem>>, vector<16xi32>,
      %get3A_1073 = vector.shape_cast %get3A_1072 : vector<16xi32> to vector<16xi32>
      %add3A_1074 = arith.addi %get3A_1073, %broadcast_in_dim3A_1038 : vector<16xi32>
      %swap3A_1075 = arith.constant 960 : index
      %swap3A_1076 = tpu.vector_load %arg6[%swap3A_1075] {strides = array<i32>} : memref<1024xi32, #tpu.memory_space<vmem>>, vector<16xi32>,
      %swap3A_1077 = vector.shape_cast %swap3A_1076 : vector<16xi32> to vector<16xi32>
      %swap3A_1078 = vector.shape_cast %add3A_1074 : vector<16xi32> to vector<16xi32>
      tpu.vector_store %arg6[%swap3A_1075], %swap3A_1078 {strides = array<i32>} : memref<1024xi32, #tpu.memory_space<vmem>>, vector<16xi32>,
      %get3A_1079 = arith.constant 976 : index
      %get3A_1080 = tpu.vector_load %arg6[%get3A_1079] {strides = array<i32>} : memref<1024xi32, #tpu.memory_space<vmem>>, vector<16xi32>,
      %get3A_1081 = vector.shape_cast %get3A_1080 : vector<16xi32> to vector<16xi32>
      %add3A_1082 = arith.addi %get3A_1081, %broadcast_in_dim3A_1038 : vector<16xi32>
      %swap3A_1083 = arith.constant 976 : index
      %swap3A_1084 = tpu.vector_load %arg6[%swap3A_1083] {strides = array<i32>} : memref<1024xi32, #tpu.memory_space<vmem>>, vector<16xi32>,
      %swap3A_1085 = vector.shape_cast %swap3A_1084 : vector<16xi32> to vector<16xi32>
      %swap3A_1086 = vector.shape_cast %add3A_1082 : vector<16xi32> to vector<16xi32>
      tpu.vector_store %arg6[%swap3A_1083], %swap3A_1086 {strides = array<i32>} : memref<1024xi32, #tpu.memory_space<vmem>>, vector<16xi32>,
      %get3A_1087 = arith.constant 992 : index
      %get3A_1088 = tpu.vector_load %arg6[%get3A_1087] {strides = array<i32>} : memref<1024xi32, #tpu.memory_space<vmem>>, vector<16xi32>,
      %get3A_1089 = vector.shape_cast %get3A_1088 : vector<16xi32> to vector<16xi32>
      %add3A_1090 = arith.addi %get3A_1089, %broadcast_in_dim3A_1038 : vector<16xi32>
      %swap3A_1091 = arith.constant 992 : index
      %swap3A_1092 = tpu.vector_load %arg6[%swap3A_1091] {strides = array<i32>} : memref<1024xi32, #tpu.memory_space<vmem>>, vector<16xi32>,
      %swap3A_1093 = vector.shape_cast %swap3A_1092 : vector<16xi32> to vector<16xi32>
      %swap3A_1094 = vector.shape_cast %add3A_1090 : vector<16xi32> to vector<16xi32>
      tpu.vector_store %arg6[%swap3A_1091], %swap3A_1094 {strides = array<i32>} : memref<1024xi32, #tpu.memory_space<vmem>>, vector<16xi32>,
      %get3A_1095 = arith.constant 1008 : index
      %get3A_1096 = tpu.vector_load %arg6[%get3A_1095] {strides = array<i32>} : memref<1024xi32, #tpu.memory_space<vmem>>, vector<16xi32>,
      %get3A_1097 = vector.shape_cast %get3A_1096 : vector<16xi32> to vector<16xi32>
      %add3A_1098 = arith.addi %get3A_1097, %broadcast_in_dim3A_1038 : vector<16xi32>
      %swap3A_1099 = arith.constant 1008 : index
      %swap3A_1100 = tpu.vector_load %arg6[%swap3A_1099] {strides = array<i32>} : memref<1024xi32, #tpu.memory_space<vmem>>, vector<16xi32>,
      %swap3A_1101 = vector.shape_cast %swap3A_1100 : vector<16xi32> to vector<16xi32>
      %swap3A_1102 = vector.shape_cast %add3A_1098 : vector<16xi32> to vector<16xi32>
      tpu.vector_store %arg6[%swap3A_1099], %swap3A_1102 {strides = array<i32>} : memref<1024xi32, #tpu.memory_space<vmem>>, vector<16xi32>,
      %gt3A = arith.constant 0 : i32
      %gt3A_1103 = arith.cmpi sgt, %mul3A_566, %gt3A : i32
      %convert_element_type3A = arith.extui %gt3A_1103 : i1 to i32
      %cond3A = arith.constant 0 : i32
      %cond3A_1104 = arith.cmpi ne, %convert_element_type3A, %cond3A : i32
      scf.if %cond3A_1104 {
        %dma_wait3A_1399 = arith.constant 0 : i32
        %dma_wait3A_1400 = arith.constant 0 : i32
        %dma_wait3A_1401 = arith.constant 0 : i32
        %dma_wait3A_1402 = arith.constant 0 : i32
        %dma_wait3A_1403 = tpu.memref_slice %arg4[%dma_wait3A_1399, %dma_wait3A_1400, %dma_wait3A_1401, %dma_wait3A_1402] : memref<50x8x4096x32xf32, #tpu.memory_space<hbm>> -> memref<1x1x1024x32xf32, #tpu.memory_space<hbm>>
        %dma_wait3A_1404 = tpu.memref_squeeze %dma_wait3A_1403 : memref<1x1x1024x32xf32, #tpu.memory_space<hbm>> -> memref<1024x32xf32, #tpu.memory_space<hbm>>
        %dma_wait3A_1405 = arith.constant 0 : i32
        %dma_wait3A_1406 = arith.constant 0 : i32
        %dma_wait3A_1407 = tpu.memref_slice %arg4[%dma_wait3A_1399, %dma_wait3A_1400, %dma_wait3A_1405, %dma_wait3A_1406] : memref<50x8x4096x32xf32, #tpu.memory_space<hbm>> -> memref<1x1x1024x32xf32, #tpu.memory_space<hbm>>
        %dma_wait3A_1408 = tpu.memref_squeeze %dma_wait3A_1407 : memref<1x1x1024x32xf32, #tpu.memory_space<hbm>> -> memref<1024x32xf32, #tpu.memory_space<hbm>>
        tpu.wait_dma2 semaphore(%arg14 : memref<!tpu.dma_semaphore, #tpu.memory_space<semaphore_mem>>) src(%arg8 : memref<1024x32xf32, #tpu.memory_space<vmem>>) dst(%dma_wait3A_1408 : memref<1024x32xf32, #tpu.memory_space<hbm>>)
      } else {
      }
      %dma_wait3A_1105 = arith.constant 0 : i32
      %dma_wait3A_1106 = arith.constant 0 : i32
      %dma_wait3A_1107 = tpu.memref_slice %arg3[%dma_wait3A_1105, %dma_wait3A_1106] : memref<800000x32xf32, #tpu.memory_space<hbm>> -> memref<1024x32xf32, #tpu.memory_space<hbm>>
      %dma_wait3A_1108 = arith.constant 0 : i32
      %dma_wait3A_1109 = arith.constant 0 : i32
      %dma_wait3A_1110 = tpu.memref_slice %arg3[%dma_wait3A_1108, %dma_wait3A_1109] : memref<800000x32xf32, #tpu.memory_space<hbm>> -> memref<1024x32xf32, #tpu.memory_space<hbm>>
      tpu.wait_dma2 semaphore(%arg11 : memref<!tpu.dma_semaphore, #tpu.memory_space<semaphore_mem>>) src(%dma_wait3A_1110 : memref<1024x32xf32, #tpu.memory_space<hbm>>) dst(%arg7 : memref<1024x32xf32, #tpu.memory_space<vmem>>)
      %mul3A_1111 = arith.constant 128 : i32
      %mul3A_1112 = arith.muli %add3A, %mul3A_1111 : i32
      %dma_start3A_1113 = arith.constant 0 : i32
      %dma_start3A_1114 = arith.constant 0 : i32
      %dma_start3A_1115 = arith.constant 0 : i32
      %dma_start3A_1116 = tpu.memref_slice %arg7[%dma_start3A_1114, %dma_start3A_1115] : memref<1024x32xf32, #tpu.memory_space<vmem>> -> memref<128x32xf32, #tpu.memory_space<vmem>>
      %dma_start3A_1117 = arith.constant 0 : i32
      %dma_start3A_1118 = tpu.memref_slice %arg4[%mul3A_566, %dma_start3A_1113, %mul3A_1112, %dma_start3A_1117] : memref<50x8x4096x32xf32, #tpu.memory_space<hbm>> -> memref<1x1x128x32xf32, #tpu.memory_space<hbm>>
      %dma_start3A_1119 = tpu.memref_squeeze %dma_start3A_1118 : memref<1x1x128x32xf32, #tpu.memory_space<hbm>> -> memref<128x32xf32, #tpu.memory_space<hbm>>
      %dma_start3A_1120 = arith.constant 0 : i32
      %dma_start3A_1121 = tpu.memref_slice %arg4[%mul3A_566, %dma_start3A_1113, %mul3A_1112, %dma_start3A_1120] : memref<50x8x4096x32xf32, #tpu.memory_space<hbm>> -> memref<1x1x128x32xf32, #tpu.memory_space<hbm>>
      %dma_start3A_1122 = tpu.memref_squeeze %dma_start3A_1121 : memref<1x1x128x32xf32, #tpu.memory_space<hbm>> -> memref<128x32xf32, #tpu.memory_space<hbm>>
      %dma_start3A_1123 = arith.constant 0 : i32
      %dma_start3A_1124 = arith.constant 0 : i32
      %dma_start3A_1125 = tpu.memref_slice %arg7[%dma_start3A_1123, %dma_start3A_1124] : memref<1024x32xf32, #tpu.memory_space<vmem>> -> memref<128x32xf32, #tpu.memory_space<vmem>>
      tpu.enqueue_dma source(%dma_start3A_1125 : memref<128x32xf32, #tpu.memory_space<vmem>>) target(%dma_start3A_1122 : memref<128x32xf32, #tpu.memory_space<hbm>>) target_semaphore(%arg13 : memref<!tpu.dma_semaphore, #tpu.memory_space<semaphore_mem>>)
      %mul3A_1126 = arith.constant 128 : i32
      %mul3A_1127 = arith.muli %add3A, %mul3A_1126 : i32
      %dma_start3A_1128 = arith.constant 1 : i32
      %dma_start3A_1129 = arith.constant 128 : i32
      %dma_start3A_1130 = arith.constant 0 : i32
      %dma_start3A_1131 = tpu.memref_slice %arg7[%dma_start3A_1129, %dma_start3A_1130] : memref<1024x32xf32, #tpu.memory_space<vmem>> -> memref<128x32xf32, #tpu.memory_space<vmem>>
      %dma_start3A_1132 = arith.constant 0 : i32
      %dma_start3A_1133 = tpu.memref_slice %arg4[%mul3A_566, %dma_start3A_1128, %mul3A_1127, %dma_start3A_1132] : memref<50x8x4096x32xf32, #tpu.memory_space<hbm>> -> memref<1x1x128x32xf32, #tpu.memory_space<hbm>>
      %dma_start3A_1134 = tpu.memref_squeeze %dma_start3A_1133 : memref<1x1x128x32xf32, #tpu.memory_space<hbm>> -> memref<128x32xf32, #tpu.memory_space<hbm>>
      %dma_start3A_1135 = arith.constant 0 : i32
      %dma_start3A_1136 = tpu.memref_slice %arg4[%mul3A_566, %dma_start3A_1128, %mul3A_1127, %dma_start3A_1135] : memref<50x8x4096x32xf32, #tpu.memory_space<hbm>> -> memref<1x1x128x32xf32, #tpu.memory_space<hbm>>
      %dma_start3A_1137 = tpu.memref_squeeze %dma_start3A_1136 : memref<1x1x128x32xf32, #tpu.memory_space<hbm>> -> memref<128x32xf32, #tpu.memory_space<hbm>>
      %dma_start3A_1138 = arith.constant 128 : i32
      %dma_start3A_1139 = arith.constant 0 : i32
      %dma_start3A_1140 = tpu.memref_slice %arg7[%dma_start3A_1138, %dma_start3A_1139] : memref<1024x32xf32, #tpu.memory_space<vmem>> -> memref<128x32xf32, #tpu.memory_space<vmem>>
      tpu.enqueue_dma source(%dma_start3A_1140 : memref<128x32xf32, #tpu.memory_space<vmem>>) target(%dma_start3A_1137 : memref<128x32xf32, #tpu.memory_space<hbm>>) target_semaphore(%arg13 : memref<!tpu.dma_semaphore, #tpu.memory_space<semaphore_mem>>)
      %mul3A_1141 = arith.constant 128 : i32
      %mul3A_1142 = arith.muli %add3A, %mul3A_1141 : i32
      %dma_start3A_1143 = arith.constant 2 : i32
      %dma_start3A_1144 = arith.constant 256 : i32
      %dma_start3A_1145 = arith.constant 0 : i32
      %dma_start3A_1146 = tpu.memref_slice %arg7[%dma_start3A_1144, %dma_start3A_1145] : memref<1024x32xf32, #tpu.memory_space<vmem>> -> memref<128x32xf32, #tpu.memory_space<vmem>>
      %dma_start3A_1147 = arith.constant 0 : i32
      %dma_start3A_1148 = tpu.memref_slice %arg4[%mul3A_566, %dma_start3A_1143, %mul3A_1142, %dma_start3A_1147] : memref<50x8x4096x32xf32, #tpu.memory_space<hbm>> -> memref<1x1x128x32xf32, #tpu.memory_space<hbm>>
      %dma_start3A_1149 = tpu.memref_squeeze %dma_start3A_1148 : memref<1x1x128x32xf32, #tpu.memory_space<hbm>> -> memref<128x32xf32, #tpu.memory_space<hbm>>
      %dma_start3A_1150 = arith.constant 0 : i32
      %dma_start3A_1151 = tpu.memref_slice %arg4[%mul3A_566, %dma_start3A_1143, %mul3A_1142, %dma_start3A_1150] : memref<50x8x4096x32xf32, #tpu.memory_space<hbm>> -> memref<1x1x128x32xf32, #tpu.memory_space<hbm>>
      %dma_start3A_1152 = tpu.memref_squeeze %dma_start3A_1151 : memref<1x1x128x32xf32, #tpu.memory_space<hbm>> -> memref<128x32xf32, #tpu.memory_space<hbm>>
      %dma_start3A_1153 = arith.constant 256 : i32
      %dma_start3A_1154 = arith.constant 0 : i32
      %dma_start3A_1155 = tpu.memref_slice %arg7[%dma_start3A_1153, %dma_start3A_1154] : memref<1024x32xf32, #tpu.memory_space<vmem>> -> memref<128x32xf32, #tpu.memory_space<vmem>>
      tpu.enqueue_dma source(%dma_start3A_1155 : memref<128x32xf32, #tpu.memory_space<vmem>>) target(%dma_start3A_1152 : memref<128x32xf32, #tpu.memory_space<hbm>>) target_semaphore(%arg13 : memref<!tpu.dma_semaphore, #tpu.memory_space<semaphore_mem>>)
      %mul3A_1156 = arith.constant 128 : i32
      %mul3A_1157 = arith.muli %add3A, %mul3A_1156 : i32
      %dma_start3A_1158 = arith.constant 3 : i32
      %dma_start3A_1159 = arith.constant 384 : i32
      %dma_start3A_1160 = arith.constant 0 : i32
      %dma_start3A_1161 = tpu.memref_slice %arg7[%dma_start3A_1159, %dma_start3A_1160] : memref<1024x32xf32, #tpu.memory_space<vmem>> -> memref<128x32xf32, #tpu.memory_space<vmem>>
      %dma_start3A_1162 = arith.constant 0 : i32
      %dma_start3A_1163 = tpu.memref_slice %arg4[%mul3A_566, %dma_start3A_1158, %mul3A_1157, %dma_start3A_1162] : memref<50x8x4096x32xf32, #tpu.memory_space<hbm>> -> memref<1x1x128x32xf32, #tpu.memory_space<hbm>>
      %dma_start3A_1164 = tpu.memref_squeeze %dma_start3A_1163 : memref<1x1x128x32xf32, #tpu.memory_space<hbm>> -> memref<128x32xf32, #tpu.memory_space<hbm>>
      %dma_start3A_1165 = arith.constant 0 : i32
      %dma_start3A_1166 = tpu.memref_slice %arg4[%mul3A_566, %dma_start3A_1158, %mul3A_1157, %dma_start3A_1165] : memref<50x8x4096x32xf32, #tpu.memory_space<hbm>> -> memref<1x1x128x32xf32, #tpu.memory_space<hbm>>
      %dma_start3A_1167 = tpu.memref_squeeze %dma_start3A_1166 : memref<1x1x128x32xf32, #tpu.memory_space<hbm>> -> memref<128x32xf32, #tpu.memory_space<hbm>>
      %dma_start3A_1168 = arith.constant 384 : i32
      %dma_start3A_1169 = arith.constant 0 : i32
      %dma_start3A_1170 = tpu.memref_slice %arg7[%dma_start3A_1168, %dma_start3A_1169] : memref<1024x32xf32, #tpu.memory_space<vmem>> -> memref<128x32xf32, #tpu.memory_space<vmem>>
      tpu.enqueue_dma source(%dma_start3A_1170 : memref<128x32xf32, #tpu.memory_space<vmem>>) target(%dma_start3A_1167 : memref<128x32xf32, #tpu.memory_space<hbm>>) target_semaphore(%arg13 : memref<!tpu.dma_semaphore, #tpu.memory_space<semaphore_mem>>)
      %mul3A_1171 = arith.constant 128 : i32
      %mul3A_1172 = arith.muli %add3A, %mul3A_1171 : i32
      %dma_start3A_1173 = arith.constant 4 : i32
      %dma_start3A_1174 = arith.constant 512 : i32
      %dma_start3A_1175 = arith.constant 0 : i32
      %dma_start3A_1176 = tpu.memref_slice %arg7[%dma_start3A_1174, %dma_start3A_1175] : memref<1024x32xf32, #tpu.memory_space<vmem>> -> memref<128x32xf32, #tpu.memory_space<vmem>>
      %dma_start3A_1177 = arith.constant 0 : i32
      %dma_start3A_1178 = tpu.memref_slice %arg4[%mul3A_566, %dma_start3A_1173, %mul3A_1172, %dma_start3A_1177] : memref<50x8x4096x32xf32, #tpu.memory_space<hbm>> -> memref<1x1x128x32xf32, #tpu.memory_space<hbm>>
      %dma_start3A_1179 = tpu.memref_squeeze %dma_start3A_1178 : memref<1x1x128x32xf32, #tpu.memory_space<hbm>> -> memref<128x32xf32, #tpu.memory_space<hbm>>
      %dma_start3A_1180 = arith.constant 0 : i32
      %dma_start3A_1181 = tpu.memref_slice %arg4[%mul3A_566, %dma_start3A_1173, %mul3A_1172, %dma_start3A_1180] : memref<50x8x4096x32xf32, #tpu.memory_space<hbm>> -> memref<1x1x128x32xf32, #tpu.memory_space<hbm>>
      %dma_start3A_1182 = tpu.memref_squeeze %dma_start3A_1181 : memref<1x1x128x32xf32, #tpu.memory_space<hbm>> -> memref<128x32xf32, #tpu.memory_space<hbm>>
      %dma_start3A_1183 = arith.constant 512 : i32
      %dma_start3A_1184 = arith.constant 0 : i32
      %dma_start3A_1185 = tpu.memref_slice %arg7[%dma_start3A_1183, %dma_start3A_1184] : memref<1024x32xf32, #tpu.memory_space<vmem>> -> memref<128x32xf32, #tpu.memory_space<vmem>>
      tpu.enqueue_dma source(%dma_start3A_1185 : memref<128x32xf32, #tpu.memory_space<vmem>>) target(%dma_start3A_1182 : memref<128x32xf32, #tpu.memory_space<hbm>>) target_semaphore(%arg13 : memref<!tpu.dma_semaphore, #tpu.memory_space<semaphore_mem>>)
      %mul3A_1186 = arith.constant 128 : i32
      %mul3A_1187 = arith.muli %add3A, %mul3A_1186 : i32
      %dma_start3A_1188 = arith.constant 5 : i32
      %dma_start3A_1189 = arith.constant 640 : i32
      %dma_start3A_1190 = arith.constant 0 : i32
      %dma_start3A_1191 = tpu.memref_slice %arg7[%dma_start3A_1189, %dma_start3A_1190] : memref<1024x32xf32, #tpu.memory_space<vmem>> -> memref<128x32xf32, #tpu.memory_space<vmem>>
      %dma_start3A_1192 = arith.constant 0 : i32
      %dma_start3A_1193 = tpu.memref_slice %arg4[%mul3A_566, %dma_start3A_1188, %mul3A_1187, %dma_start3A_1192] : memref<50x8x4096x32xf32, #tpu.memory_space<hbm>> -> memref<1x1x128x32xf32, #tpu.memory_space<hbm>>
      %dma_start3A_1194 = tpu.memref_squeeze %dma_start3A_1193 : memref<1x1x128x32xf32, #tpu.memory_space<hbm>> -> memref<128x32xf32, #tpu.memory_space<hbm>>
      %dma_start3A_1195 = arith.constant 0 : i32
      %dma_start3A_1196 = tpu.memref_slice %arg4[%mul3A_566, %dma_start3A_1188, %mul3A_1187, %dma_start3A_1195] : memref<50x8x4096x32xf32, #tpu.memory_space<hbm>> -> memref<1x1x128x32xf32, #tpu.memory_space<hbm>>
      %dma_start3A_1197 = tpu.memref_squeeze %dma_start3A_1196 : memref<1x1x128x32xf32, #tpu.memory_space<hbm>> -> memref<128x32xf32, #tpu.memory_space<hbm>>
      %dma_start3A_1198 = arith.constant 640 : i32
      %dma_start3A_1199 = arith.constant 0 : i32
      %dma_start3A_1200 = tpu.memref_slice %arg7[%dma_start3A_1198, %dma_start3A_1199] : memref<1024x32xf32, #tpu.memory_space<vmem>> -> memref<128x32xf32, #tpu.memory_space<vmem>>
      tpu.enqueue_dma source(%dma_start3A_1200 : memref<128x32xf32, #tpu.memory_space<vmem>>) target(%dma_start3A_1197 : memref<128x32xf32, #tpu.memory_space<hbm>>) target_semaphore(%arg13 : memref<!tpu.dma_semaphore, #tpu.memory_space<semaphore_mem>>)
      %mul3A_1201 = arith.constant 128 : i32
      %mul3A_1202 = arith.muli %add3A, %mul3A_1201 : i32
      %dma_start3A_1203 = arith.constant 6 : i32
      %dma_start3A_1204 = arith.constant 768 : i32
      %dma_start3A_1205 = arith.constant 0 : i32
      %dma_start3A_1206 = tpu.memref_slice %arg7[%dma_start3A_1204, %dma_start3A_1205] : memref<1024x32xf32, #tpu.memory_space<vmem>> -> memref<128x32xf32, #tpu.memory_space<vmem>>
      %dma_start3A_1207 = arith.constant 0 : i32
      %dma_start3A_1208 = tpu.memref_slice %arg4[%mul3A_566, %dma_start3A_1203, %mul3A_1202, %dma_start3A_1207] : memref<50x8x4096x32xf32, #tpu.memory_space<hbm>> -> memref<1x1x128x32xf32, #tpu.memory_space<hbm>>
      %dma_start3A_1209 = tpu.memref_squeeze %dma_start3A_1208 : memref<1x1x128x32xf32, #tpu.memory_space<hbm>> -> memref<128x32xf32, #tpu.memory_space<hbm>>
      %dma_start3A_1210 = arith.constant 0 : i32
      %dma_start3A_1211 = tpu.memref_slice %arg4[%mul3A_566, %dma_start3A_1203, %mul3A_1202, %dma_start3A_1210] : memref<50x8x4096x32xf32, #tpu.memory_space<hbm>> -> memref<1x1x128x32xf32, #tpu.memory_space<hbm>>
      %dma_start3A_1212 = tpu.memref_squeeze %dma_start3A_1211 : memref<1x1x128x32xf32, #tpu.memory_space<hbm>> -> memref<128x32xf32, #tpu.memory_space<hbm>>
      %dma_start3A_1213 = arith.constant 768 : i32
      %dma_start3A_1214 = arith.constant 0 : i32
      %dma_start3A_1215 = tpu.memref_slice %arg7[%dma_start3A_1213, %dma_start3A_1214] : memref<1024x32xf32, #tpu.memory_space<vmem>> -> memref<128x32xf32, #tpu.memory_space<vmem>>
      tpu.enqueue_dma source(%dma_start3A_1215 : memref<128x32xf32, #tpu.memory_space<vmem>>) target(%dma_start3A_1212 : memref<128x32xf32, #tpu.memory_space<hbm>>) target_semaphore(%arg13 : memref<!tpu.dma_semaphore, #tpu.memory_space<semaphore_mem>>)
      %mul3A_1216 = arith.constant 128 : i32
      %mul3A_1217 = arith.muli %add3A, %mul3A_1216 : i32
      %dma_start3A_1218 = arith.constant 7 : i32
      %dma_start3A_1219 = arith.constant 896 : i32
      %dma_start3A_1220 = arith.constant 0 : i32
      %dma_start3A_1221 = tpu.memref_slice %arg7[%dma_start3A_1219, %dma_start3A_1220] : memref<1024x32xf32, #tpu.memory_space<vmem>> -> memref<128x32xf32, #tpu.memory_space<vmem>>
      %dma_start3A_1222 = arith.constant 0 : i32
      %dma_start3A_1223 = tpu.memref_slice %arg4[%mul3A_566, %dma_start3A_1218, %mul3A_1217, %dma_start3A_1222] : memref<50x8x4096x32xf32, #tpu.memory_space<hbm>> -> memref<1x1x128x32xf32, #tpu.memory_space<hbm>>
      %dma_start3A_1224 = tpu.memref_squeeze %dma_start3A_1223 : memref<1x1x128x32xf32, #tpu.memory_space<hbm>> -> memref<128x32xf32, #tpu.memory_space<hbm>>
      %dma_start3A_1225 = arith.constant 0 : i32
      %dma_start3A_1226 = tpu.memref_slice %arg4[%mul3A_566, %dma_start3A_1218, %mul3A_1217, %dma_start3A_1225] : memref<50x8x4096x32xf32, #tpu.memory_space<hbm>> -> memref<1x1x128x32xf32, #tpu.memory_space<hbm>>
      %dma_start3A_1227 = tpu.memref_squeeze %dma_start3A_1226 : memref<1x1x128x32xf32, #tpu.memory_space<hbm>> -> memref<128x32xf32, #tpu.memory_space<hbm>>
      %dma_start3A_1228 = arith.constant 896 : i32
      %dma_start3A_1229 = arith.constant 0 : i32
      %dma_start3A_1230 = tpu.memref_slice %arg7[%dma_start3A_1228, %dma_start3A_1229] : memref<1024x32xf32, #tpu.memory_space<vmem>> -> memref<128x32xf32, #tpu.memory_space<vmem>>
      tpu.enqueue_dma source(%dma_start3A_1230 : memref<128x32xf32, #tpu.memory_space<vmem>>) target(%dma_start3A_1227 : memref<128x32xf32, #tpu.memory_space<hbm>>) target_semaphore(%arg13 : memref<!tpu.dma_semaphore, #tpu.memory_space<semaphore_mem>>)
      %dma_start3A_1231 = arith.constant 0 : i32
      %dma_start3A_1232 = arith.constant 0 : i32
      %dma_start3A_1233 = tpu.memref_slice %arg3[%dma_start3A_1231, %dma_start3A_1232] : memref<800000x32xf32, #tpu.memory_space<hbm>> -> memref<800000x32xf32, #tpu.memory_space<hbm>>
      tpu.enqueue_indirect_dma source(%dma_start3A_1233 : memref<800000x32xf32, #tpu.memory_space<hbm>>) target(%arg8 : memref<1024x32xf32, #tpu.memory_space<vmem>>) offsets(%arg6 : memref<1024xi32, #tpu.memory_space<vmem>>) semaphore(%arg12 : memref<!tpu.dma_semaphore, #tpu.memory_space<semaphore_mem>>)
      %add3A_1234 = arith.constant 2 : i32
      %add3A_1235 = arith.addi %mul3A_566, %add3A_1234 : i32
      %lt3A = arith.constant 50 : i32
      %lt3A_1236 = arith.cmpi slt, %add3A_1235, %lt3A : i32
      %convert_element_type3A_1237 = arith.extui %lt3A_1236 : i1 to i32
      %cond3A_1238 = arith.constant 0 : i32
      %cond3A_1239 = arith.cmpi ne, %convert_element_type3A_1237, %cond3A_1238 : i32
      scf.if %cond3A_1239 {
        %add3A_1399 = arith.constant 2 : i32
        %add3A_1400 = arith.addi %mul3A_566, %add3A_1399 : i32
        %dma_start3A_1401 = arith.constant 0 : i32
        %dma_start3A_1402 = tpu.memref_slice %arg2[%add3A_1400, %add3A, %dma_start3A_1401] : memref<50x32x1024xi32, #tpu.memory_space<hbm>> -> memref<1x1x1024xi32, #tpu.memory_space<hbm>>
        %dma_start3A_1403 = tpu.memref_squeeze %dma_start3A_1402 : memref<1x1x1024xi32, #tpu.memory_space<hbm>> -> memref<1024xi32, #tpu.memory_space<hbm>>
        %dma_start3A_1404 = arith.constant 0 : i32
        %dma_start3A_1405 = tpu.memref_slice %arg2[%add3A_1400, %add3A, %dma_start3A_1404] : memref<50x32x1024xi32, #tpu.memory_space<hbm>> -> memref<1x1x1024xi32, #tpu.memory_space<hbm>>
        %dma_start3A_1406 = tpu.memref_squeeze %dma_start3A_1405 : memref<1x1x1024xi32, #tpu.memory_space<hbm>> -> memref<1024xi32, #tpu.memory_space<hbm>>
        tpu.enqueue_dma source(%dma_start3A_1406 : memref<1024xi32, #tpu.memory_space<hbm>>) target(%arg5 : memref<1024xi32, #tpu.memory_space<vmem>>) target_semaphore(%arg9 : memref<!tpu.dma_semaphore, #tpu.memory_space<semaphore_mem>>)
      } else {
      }
      %add3A_1240 = arith.constant 2 : i32
      %add3A_1241 = arith.addi %mul3A_566, %add3A_1240 : i32
      %lt3A_1242 = arith.constant 50 : i32
      %lt3A_1243 = arith.cmpi slt, %add3A_1241, %lt3A_1242 : i32
      %convert_element_type3A_1244 = arith.extui %lt3A_1243 : i1 to i32
      %cond3A_1245 = arith.constant 0 : i32
      %cond3A_1246 = arith.cmpi ne, %convert_element_type3A_1244, %cond3A_1245 : i32
      scf.if %cond3A_1246 {
        %dma_wait3A_1399 = arith.constant 0 : i32
        %dma_wait3A_1400 = arith.constant 0 : i32
        %dma_wait3A_1401 = arith.constant 0 : i32
        %dma_wait3A_1402 = tpu.memref_slice %arg2[%dma_wait3A_1399, %dma_wait3A_1400, %dma_wait3A_1401] : memref<50x32x1024xi32, #tpu.memory_space<hbm>> -> memref<1x1x1024xi32, #tpu.memory_space<hbm>>
        %dma_wait3A_1403 = tpu.memref_squeeze %dma_wait3A_1402 : memref<1x1x1024xi32, #tpu.memory_space<hbm>> -> memref<1024xi32, #tpu.memory_space<hbm>>
        %dma_wait3A_1404 = arith.constant 0 : i32
        %dma_wait3A_1405 = tpu.memref_slice %arg2[%dma_wait3A_1399, %dma_wait3A_1400, %dma_wait3A_1404] : memref<50x32x1024xi32, #tpu.memory_space<hbm>> -> memref<1x1x1024xi32, #tpu.memory_space<hbm>>
        %dma_wait3A_1406 = tpu.memref_squeeze %dma_wait3A_1405 : memref<1x1x1024xi32, #tpu.memory_space<hbm>> -> memref<1024xi32, #tpu.memory_space<hbm>>
        tpu.wait_dma2 semaphore(%arg9 : memref<!tpu.dma_semaphore, #tpu.memory_space<semaphore_mem>>) src(%dma_wait3A_1406 : memref<1024xi32, #tpu.memory_space<hbm>>) dst(%arg5 : memref<1024xi32, #tpu.memory_space<vmem>>)
        %broadcast_in_dim3A_1407 = arith.constant 0 : i32
        %broadcast_in_dim3A_1408 = vector.broadcast %broadcast_in_dim3A_1407 : i32 to vector<16xi32>
        %get3A_1409 = arith.constant 0 : index
        %get3A_1410 = tpu.vector_load %arg5[%get3A_1409] {strides = array<i32>} : memref<1024xi32, #tpu.memory_space<vmem>>, vector<16xi32>,
        %get3A_1411 = vector.shape_cast %get3A_1410 : vector<16xi32> to vector<16xi32>
        %add3A_1412 = arith.addi %get3A_1411, %broadcast_in_dim3A_1408 : vector<16xi32>
        %swap3A_1413 = arith.constant 0 : index
        %swap3A_1414 = tpu.vector_load %arg5[%swap3A_1413] {strides = array<i32>} : memref<1024xi32, #tpu.memory_space<vmem>>, vector<16xi32>,
        %swap3A_1415 = vector.shape_cast %swap3A_1414 : vector<16xi32> to vector<16xi32>
        %swap3A_1416 = vector.shape_cast %add3A_1412 : vector<16xi32> to vector<16xi32>
        tpu.vector_store %arg5[%swap3A_1413], %swap3A_1416 {strides = array<i32>} : memref<1024xi32, #tpu.memory_space<vmem>>, vector<16xi32>,
        %get3A_1417 = arith.constant 16 : index
        %get3A_1418 = tpu.vector_load %arg5[%get3A_1417] {strides = array<i32>} : memref<1024xi32, #tpu.memory_space<vmem>>, vector<16xi32>,
        %get3A_1419 = vector.shape_cast %get3A_1418 : vector<16xi32> to vector<16xi32>
        %add3A_1420 = arith.addi %get3A_1419, %broadcast_in_dim3A_1408 : vector<16xi32>
        %swap3A_1421 = arith.constant 16 : index
        %swap3A_1422 = tpu.vector_load %arg5[%swap3A_1421] {strides = array<i32>} : memref<1024xi32, #tpu.memory_space<vmem>>, vector<16xi32>,
        %swap3A_1423 = vector.shape_cast %swap3A_1422 : vector<16xi32> to vector<16xi32>
        %swap3A_1424 = vector.shape_cast %add3A_1420 : vector<16xi32> to vector<16xi32>
        tpu.vector_store %arg5[%swap3A_1421], %swap3A_1424 {strides = array<i32>} : memref<1024xi32, #tpu.memory_space<vmem>>, vector<16xi32>,
        %get3A_1425 = arith.constant 32 : index
        %get3A_1426 = tpu.vector_load %arg5[%get3A_1425] {strides = array<i32>} : memref<1024xi32, #tpu.memory_space<vmem>>, vector<16xi32>,
        %get3A_1427 = vector.shape_cast %get3A_1426 : vector<16xi32> to vector<16xi32>
        %add3A_1428 = arith.addi %get3A_1427, %broadcast_in_dim3A_1408 : vector<16xi32>
        %swap3A_1429 = arith.constant 32 : index
        %swap3A_1430 = tpu.vector_load %arg5[%swap3A_1429] {strides = array<i32>} : memref<1024xi32, #tpu.memory_space<vmem>>, vector<16xi32>,
        %swap3A_1431 = vector.shape_cast %swap3A_1430 : vector<16xi32> to vector<16xi32>
        %swap3A_1432 = vector.shape_cast %add3A_1428 : vector<16xi32> to vector<16xi32>
        tpu.vector_store %arg5[%swap3A_1429], %swap3A_1432 {strides = array<i32>} : memref<1024xi32, #tpu.memory_space<vmem>>, vector<16xi32>,
        %get3A_1433 = arith.constant 48 : index
        %get3A_1434 = tpu.vector_load %arg5[%get3A_1433] {strides = array<i32>} : memref<1024xi32, #tpu.memory_space<vmem>>, vector<16xi32>,
        %get3A_1435 = vector.shape_cast %get3A_1434 : vector<16xi32> to vector<16xi32>
        %add3A_1436 = arith.addi %get3A_1435, %broadcast_in_dim3A_1408 : vector<16xi32>
        %swap3A_1437 = arith.constant 48 : index
        %swap3A_1438 = tpu.vector_load %arg5[%swap3A_1437] {strides = array<i32>} : memref<1024xi32, #tpu.memory_space<vmem>>, vector<16xi32>,
        %swap3A_1439 = vector.shape_cast %swap3A_1438 : vector<16xi32> to vector<16xi32>
        %swap3A_1440 = vector.shape_cast %add3A_1436 : vector<16xi32> to vector<16xi32>
        tpu.vector_store %arg5[%swap3A_1437], %swap3A_1440 {strides = array<i32>} : memref<1024xi32, #tpu.memory_space<vmem>>, vector<16xi32>,
        %get3A_1441 = arith.constant 64 : index
        %get3A_1442 = tpu.vector_load %arg5[%get3A_1441] {strides = array<i32>} : memref<1024xi32, #tpu.memory_space<vmem>>, vector<16xi32>,
        %get3A_1443 = vector.shape_cast %get3A_1442 : vector<16xi32> to vector<16xi32>
        %add3A_1444 = arith.addi %get3A_1443, %broadcast_in_dim3A_1408 : vector<16xi32>
        %swap3A_1445 = arith.constant 64 : index
        %swap3A_1446 = tpu.vector_load %arg5[%swap3A_1445] {strides = array<i32>} : memref<1024xi32, #tpu.memory_space<vmem>>, vector<16xi32>,
        %swap3A_1447 = vector.shape_cast %swap3A_1446 : vector<16xi32> to vector<16xi32>
        %swap3A_1448 = vector.shape_cast %add3A_1444 : vector<16xi32> to vector<16xi32>
        tpu.vector_store %arg5[%swap3A_1445], %swap3A_1448 {strides = array<i32>} : memref<1024xi32, #tpu.memory_space<vmem>>, vector<16xi32>,
        %get3A_1449 = arith.constant 80 : index
        %get3A_1450 = tpu.vector_load %arg5[%get3A_1449] {strides = array<i32>} : memref<1024xi32, #tpu.memory_space<vmem>>, vector<16xi32>,
        %get3A_1451 = vector.shape_cast %get3A_1450 : vector<16xi32> to vector<16xi32>
        %add3A_1452 = arith.addi %get3A_1451, %broadcast_in_dim3A_1408 : vector<16xi32>
        %swap3A_1453 = arith.constant 80 : index
        %swap3A_1454 = tpu.vector_load %arg5[%swap3A_1453] {strides = array<i32>} : memref<1024xi32, #tpu.memory_space<vmem>>, vector<16xi32>,
        %swap3A_1455 = vector.shape_cast %swap3A_1454 : vector<16xi32> to vector<16xi32>
        %swap3A_1456 = vector.shape_cast %add3A_1452 : vector<16xi32> to vector<16xi32>
        tpu.vector_store %arg5[%swap3A_1453], %swap3A_1456 {strides = array<i32>} : memref<1024xi32, #tpu.memory_space<vmem>>, vector<16xi32>,
        %get3A_1457 = arith.constant 96 : index
        %get3A_1458 = tpu.vector_load %arg5[%get3A_1457] {strides = array<i32>} : memref<1024xi32, #tpu.memory_space<vmem>>, vector<16xi32>,
        %get3A_1459 = vector.shape_cast %get3A_1458 : vector<16xi32> to vector<16xi32>
        %add3A_1460 = arith.addi %get3A_1459, %broadcast_in_dim3A_1408 : vector<16xi32>
        %swap3A_1461 = arith.constant 96 : index
        %swap3A_1462 = tpu.vector_load %arg5[%swap3A_1461] {strides = array<i32>} : memref<1024xi32, #tpu.memory_space<vmem>>, vector<16xi32>,
        %swap3A_1463 = vector.shape_cast %swap3A_1462 : vector<16xi32> to vector<16xi32>
        %swap3A_1464 = vector.shape_cast %add3A_1460 : vector<16xi32> to vector<16xi32>
        tpu.vector_store %arg5[%swap3A_1461], %swap3A_1464 {strides = array<i32>} : memref<1024xi32, #tpu.memory_space<vmem>>, vector<16xi32>,
        %get3A_1465 = arith.constant 112 : index
        %get3A_1466 = tpu.vector_load %arg5[%get3A_1465] {strides = array<i32>} : memref<1024xi32, #tpu.memory_space<vmem>>, vector<16xi32>,
        %get3A_1467 = vector.shape_cast %get3A_1466 : vector<16xi32> to vector<16xi32>
        %add3A_1468 = arith.addi %get3A_1467, %broadcast_in_dim3A_1408 : vector<16xi32>
        %swap3A_1469 = arith.constant 112 : index
        %swap3A_1470 = tpu.vector_load %arg5[%swap3A_1469] {strides = array<i32>} : memref<1024xi32, #tpu.memory_space<vmem>>, vector<16xi32>,
        %swap3A_1471 = vector.shape_cast %swap3A_1470 : vector<16xi32> to vector<16xi32>
        %swap3A_1472 = vector.shape_cast %add3A_1468 : vector<16xi32> to vector<16xi32>
        tpu.vector_store %arg5[%swap3A_1469], %swap3A_1472 {strides = array<i32>} : memref<1024xi32, #tpu.memory_space<vmem>>, vector<16xi32>,
        %broadcast_in_dim3A_1473 = arith.constant 100000 : i32
        %broadcast_in_dim3A_1474 = vector.broadcast %broadcast_in_dim3A_1473 : i32 to vector<16xi32>
        %get3A_1475 = arith.constant 128 : index
        %get3A_1476 = tpu.vector_load %arg5[%get3A_1475] {strides = array<i32>} : memref<1024xi32, #tpu.memory_space<vmem>>, vector<16xi32>,
        %get3A_1477 = vector.shape_cast %get3A_1476 : vector<16xi32> to vector<16xi32>
        %add3A_1478 = arith.addi %get3A_1477, %broadcast_in_dim3A_1474 : vector<16xi32>
        %swap3A_1479 = arith.constant 128 : index
        %swap3A_1480 = tpu.vector_load %arg5[%swap3A_1479] {strides = array<i32>} : memref<1024xi32, #tpu.memory_space<vmem>>, vector<16xi32>,
        %swap3A_1481 = vector.shape_cast %swap3A_1480 : vector<16xi32> to vector<16xi32>
        %swap3A_1482 = vector.shape_cast %add3A_1478 : vector<16xi32> to vector<16xi32>
        tpu.vector_store %arg5[%swap3A_1479], %swap3A_1482 {strides = array<i32>} : memref<1024xi32, #tpu.memory_space<vmem>>, vector<16xi32>,
        %get3A_1483 = arith.constant 144 : index
        %get3A_1484 = tpu.vector_load %arg5[%get3A_1483] {strides = array<i32>} : memref<1024xi32, #tpu.memory_space<vmem>>, vector<16xi32>,
        %get3A_1485 = vector.shape_cast %get3A_1484 : vector<16xi32> to vector<16xi32>
        %add3A_1486 = arith.addi %get3A_1485, %broadcast_in_dim3A_1474 : vector<16xi32>
        %swap3A_1487 = arith.constant 144 : index
        %swap3A_1488 = tpu.vector_load %arg5[%swap3A_1487] {strides = array<i32>} : memref<1024xi32, #tpu.memory_space<vmem>>, vector<16xi32>,
        %swap3A_1489 = vector.shape_cast %swap3A_1488 : vector<16xi32> to vector<16xi32>
        %swap3A_1490 = vector.shape_cast %add3A_1486 : vector<16xi32> to vector<16xi32>
        tpu.vector_store %arg5[%swap3A_1487], %swap3A_1490 {strides = array<i32>} : memref<1024xi32, #tpu.memory_space<vmem>>, vector<16xi32>,
        %get3A_1491 = arith.constant 160 : index
        %get3A_1492 = tpu.vector_load %arg5[%get3A_1491] {strides = array<i32>} : memref<1024xi32, #tpu.memory_space<vmem>>, vector<16xi32>,
        %get3A_1493 = vector.shape_cast %get3A_1492 : vector<16xi32> to vector<16xi32>
        %add3A_1494 = arith.addi %get3A_1493, %broadcast_in_dim3A_1474 : vector<16xi32>
        %swap3A_1495 = arith.constant 160 : index
        %swap3A_1496 = tpu.vector_load %arg5[%swap3A_1495] {strides = array<i32>} : memref<1024xi32, #tpu.memory_space<vmem>>, vector<16xi32>,
        %swap3A_1497 = vector.shape_cast %swap3A_1496 : vector<16xi32> to vector<16xi32>
        %swap3A_1498 = vector.shape_cast %add3A_1494 : vector<16xi32> to vector<16xi32>
        tpu.vector_store %arg5[%swap3A_1495], %swap3A_1498 {strides = array<i32>} : memref<1024xi32, #tpu.memory_space<vmem>>, vector<16xi32>,
        %get3A_1499 = arith.constant 176 : index
        %get3A_1500 = tpu.vector_load %arg5[%get3A_1499] {strides = array<i32>} : memref<1024xi32, #tpu.memory_space<vmem>>, vector<16xi32>,
        %get3A_1501 = vector.shape_cast %get3A_1500 : vector<16xi32> to vector<16xi32>
        %add3A_1502 = arith.addi %get3A_1501, %broadcast_in_dim3A_1474 : vector<16xi32>
        %swap3A_1503 = arith.constant 176 : index
        %swap3A_1504 = tpu.vector_load %arg5[%swap3A_1503] {strides = array<i32>} : memref<1024xi32, #tpu.memory_space<vmem>>, vector<16xi32>,
        %swap3A_1505 = vector.shape_cast %swap3A_1504 : vector<16xi32> to vector<16xi32>
        %swap3A_1506 = vector.shape_cast %add3A_1502 : vector<16xi32> to vector<16xi32>
        tpu.vector_store %arg5[%swap3A_1503], %swap3A_1506 {strides = array<i32>} : memref<1024xi32, #tpu.memory_space<vmem>>, vector<16xi32>,
        %get3A_1507 = arith.constant 192 : index
        %get3A_1508 = tpu.vector_load %arg5[%get3A_1507] {strides = array<i32>} : memref<1024xi32, #tpu.memory_space<vmem>>, vector<16xi32>,
        %get3A_1509 = vector.shape_cast %get3A_1508 : vector<16xi32> to vector<16xi32>
        %add3A_1510 = arith.addi %get3A_1509, %broadcast_in_dim3A_1474 : vector<16xi32>
        %swap3A_1511 = arith.constant 192 : index
        %swap3A_1512 = tpu.vector_load %arg5[%swap3A_1511] {strides = array<i32>} : memref<1024xi32, #tpu.memory_space<vmem>>, vector<16xi32>,
        %swap3A_1513 = vector.shape_cast %swap3A_1512 : vector<16xi32> to vector<16xi32>
        %swap3A_1514 = vector.shape_cast %add3A_1510 : vector<16xi32> to vector<16xi32>
        tpu.vector_store %arg5[%swap3A_1511], %swap3A_1514 {strides = array<i32>} : memref<1024xi32, #tpu.memory_space<vmem>>, vector<16xi32>,
        %get3A_1515 = arith.constant 208 : index
        %get3A_1516 = tpu.vector_load %arg5[%get3A_1515] {strides = array<i32>} : memref<1024xi32, #tpu.memory_space<vmem>>, vector<16xi32>,
        %get3A_1517 = vector.shape_cast %get3A_1516 : vector<16xi32> to vector<16xi32>
        %add3A_1518 = arith.addi %get3A_1517, %broadcast_in_dim3A_1474 : vector<16xi32>
        %swap3A_1519 = arith.constant 208 : index
        %swap3A_1520 = tpu.vector_load %arg5[%swap3A_1519] {strides = array<i32>} : memref<1024xi32, #tpu.memory_space<vmem>>, vector<16xi32>,
        %swap3A_1521 = vector.shape_cast %swap3A_1520 : vector<16xi32> to vector<16xi32>
        %swap3A_1522 = vector.shape_cast %add3A_1518 : vector<16xi32> to vector<16xi32>
        tpu.vector_store %arg5[%swap3A_1519], %swap3A_1522 {strides = array<i32>} : memref<1024xi32, #tpu.memory_space<vmem>>, vector<16xi32>,
        %get3A_1523 = arith.constant 224 : index
        %get3A_1524 = tpu.vector_load %arg5[%get3A_1523] {strides = array<i32>} : memref<1024xi32, #tpu.memory_space<vmem>>, vector<16xi32>,
        %get3A_1525 = vector.shape_cast %get3A_1524 : vector<16xi32> to vector<16xi32>
        %add3A_1526 = arith.addi %get3A_1525, %broadcast_in_dim3A_1474 : vector<16xi32>
        %swap3A_1527 = arith.constant 224 : index
        %swap3A_1528 = tpu.vector_load %arg5[%swap3A_1527] {strides = array<i32>} : memref<1024xi32, #tpu.memory_space<vmem>>, vector<16xi32>,
        %swap3A_1529 = vector.shape_cast %swap3A_1528 : vector<16xi32> to vector<16xi32>
        %swap3A_1530 = vector.shape_cast %add3A_1526 : vector<16xi32> to vector<16xi32>
        tpu.vector_store %arg5[%swap3A_1527], %swap3A_1530 {strides = array<i32>} : memref<1024xi32, #tpu.memory_space<vmem>>, vector<16xi32>,
        %get3A_1531 = arith.constant 240 : index
        %get3A_1532 = tpu.vector_load %arg5[%get3A_1531] {strides = array<i32>} : memref<1024xi32, #tpu.memory_space<vmem>>, vector<16xi32>,
        %get3A_1533 = vector.shape_cast %get3A_1532 : vector<16xi32> to vector<16xi32>
        %add3A_1534 = arith.addi %get3A_1533, %broadcast_in_dim3A_1474 : vector<16xi32>
        %swap3A_1535 = arith.constant 240 : index
        %swap3A_1536 = tpu.vector_load %arg5[%swap3A_1535] {strides = array<i32>} : memref<1024xi32, #tpu.memory_space<vmem>>, vector<16xi32>,
        %swap3A_1537 = vector.shape_cast %swap3A_1536 : vector<16xi32> to vector<16xi32>
        %swap3A_1538 = vector.shape_cast %add3A_1534 : vector<16xi32> to vector<16xi32>
        tpu.vector_store %arg5[%swap3A_1535], %swap3A_1538 {strides = array<i32>} : memref<1024xi32, #tpu.memory_space<vmem>>, vector<16xi32>,
        %broadcast_in_dim3A_1539 = arith.constant 200000 : i32
        %broadcast_in_dim3A_1540 = vector.broadcast %broadcast_in_dim3A_1539 : i32 to vector<16xi32>
        %get3A_1541 = arith.constant 256 : index
        %get3A_1542 = tpu.vector_load %arg5[%get3A_1541] {strides = array<i32>} : memref<1024xi32, #tpu.memory_space<vmem>>, vector<16xi32>,
        %get3A_1543 = vector.shape_cast %get3A_1542 : vector<16xi32> to vector<16xi32>
        %add3A_1544 = arith.addi %get3A_1543, %broadcast_in_dim3A_1540 : vector<16xi32>
        %swap3A_1545 = arith.constant 256 : index
        %swap3A_1546 = tpu.vector_load %arg5[%swap3A_1545] {strides = array<i32>} : memref<1024xi32, #tpu.memory_space<vmem>>, vector<16xi32>,
        %swap3A_1547 = vector.shape_cast %swap3A_1546 : vector<16xi32> to vector<16xi32>
        %swap3A_1548 = vector.shape_cast %add3A_1544 : vector<16xi32> to vector<16xi32>
        tpu.vector_store %arg5[%swap3A_1545], %swap3A_1548 {strides = array<i32>} : memref<1024xi32, #tpu.memory_space<vmem>>, vector<16xi32>,
        %get3A_1549 = arith.constant 272 : index
        %get3A_1550 = tpu.vector_load %arg5[%get3A_1549] {strides = array<i32>} : memref<1024xi32, #tpu.memory_space<vmem>>, vector<16xi32>,
        %get3A_1551 = vector.shape_cast %get3A_1550 : vector<16xi32> to vector<16xi32>
        %add3A_1552 = arith.addi %get3A_1551, %broadcast_in_dim3A_1540 : vector<16xi32>
        %swap3A_1553 = arith.constant 272 : index
        %swap3A_1554 = tpu.vector_load %arg5[%swap3A_1553] {strides = array<i32>} : memref<1024xi32, #tpu.memory_space<vmem>>, vector<16xi32>,
        %swap3A_1555 = vector.shape_cast %swap3A_1554 : vector<16xi32> to vector<16xi32>
        %swap3A_1556 = vector.shape_cast %add3A_1552 : vector<16xi32> to vector<16xi32>
        tpu.vector_store %arg5[%swap3A_1553], %swap3A_1556 {strides = array<i32>} : memref<1024xi32, #tpu.memory_space<vmem>>, vector<16xi32>,
        %get3A_1557 = arith.constant 288 : index
        %get3A_1558 = tpu.vector_load %arg5[%get3A_1557] {strides = array<i32>} : memref<1024xi32, #tpu.memory_space<vmem>>, vector<16xi32>,
        %get3A_1559 = vector.shape_cast %get3A_1558 : vector<16xi32> to vector<16xi32>
        %add3A_1560 = arith.addi %get3A_1559, %broadcast_in_dim3A_1540 : vector<16xi32>
        %swap3A_1561 = arith.constant 288 : index
        %swap3A_1562 = tpu.vector_load %arg5[%swap3A_1561] {strides = array<i32>} : memref<1024xi32, #tpu.memory_space<vmem>>, vector<16xi32>,
        %swap3A_1563 = vector.shape_cast %swap3A_1562 : vector<16xi32> to vector<16xi32>
        %swap3A_1564 = vector.shape_cast %add3A_1560 : vector<16xi32> to vector<16xi32>
        tpu.vector_store %arg5[%swap3A_1561], %swap3A_1564 {strides = array<i32>} : memref<1024xi32, #tpu.memory_space<vmem>>, vector<16xi32>,
        %get3A_1565 = arith.constant 304 : index
        %get3A_1566 = tpu.vector_load %arg5[%get3A_1565] {strides = array<i32>} : memref<1024xi32, #tpu.memory_space<vmem>>, vector<16xi32>,
        %get3A_1567 = vector.shape_cast %get3A_1566 : vector<16xi32> to vector<16xi32>
        %add3A_1568 = arith.addi %get3A_1567, %broadcast_in_dim3A_1540 : vector<16xi32>
        %swap3A_1569 = arith.constant 304 : index
        %swap3A_1570 = tpu.vector_load %arg5[%swap3A_1569] {strides = array<i32>} : memref<1024xi32, #tpu.memory_space<vmem>>, vector<16xi32>,
        %swap3A_1571 = vector.shape_cast %swap3A_1570 : vector<16xi32> to vector<16xi32>
        %swap3A_1572 = vector.shape_cast %add3A_1568 : vector<16xi32> to vector<16xi32>
        tpu.vector_store %arg5[%swap3A_1569], %swap3A_1572 {strides = array<i32>} : memref<1024xi32, #tpu.memory_space<vmem>>, vector<16xi32>,
        %get3A_1573 = arith.constant 320 : index
        %get3A_1574 = tpu.vector_load %arg5[%get3A_1573] {strides = array<i32>} : memref<1024xi32, #tpu.memory_space<vmem>>, vector<16xi32>,
        %get3A_1575 = vector.shape_cast %get3A_1574 : vector<16xi32> to vector<16xi32>
        %add3A_1576 = arith.addi %get3A_1575, %broadcast_in_dim3A_1540 : vector<16xi32>
        %swap3A_1577 = arith.constant 320 : index
        %swap3A_1578 = tpu.vector_load %arg5[%swap3A_1577] {strides = array<i32>} : memref<1024xi32, #tpu.memory_space<vmem>>, vector<16xi32>,
        %swap3A_1579 = vector.shape_cast %swap3A_1578 : vector<16xi32> to vector<16xi32>
        %swap3A_1580 = vector.shape_cast %add3A_1576 : vector<16xi32> to vector<16xi32>
        tpu.vector_store %arg5[%swap3A_1577], %swap3A_1580 {strides = array<i32>} : memref<1024xi32, #tpu.memory_space<vmem>>, vector<16xi32>,
        %get3A_1581 = arith.constant 336 : index
        %get3A_1582 = tpu.vector_load %arg5[%get3A_1581] {strides = array<i32>} : memref<1024xi32, #tpu.memory_space<vmem>>, vector<16xi32>,
        %get3A_1583 = vector.shape_cast %get3A_1582 : vector<16xi32> to vector<16xi32>
        %add3A_1584 = arith.addi %get3A_1583, %broadcast_in_dim3A_1540 : vector<16xi32>
        %swap3A_1585 = arith.constant 336 : index
        %swap3A_1586 = tpu.vector_load %arg5[%swap3A_1585] {strides = array<i32>} : memref<1024xi32, #tpu.memory_space<vmem>>, vector<16xi32>,
        %swap3A_1587 = vector.shape_cast %swap3A_1586 : vector<16xi32> to vector<16xi32>
        %swap3A_1588 = vector.shape_cast %add3A_1584 : vector<16xi32> to vector<16xi32>
        tpu.vector_store %arg5[%swap3A_1585], %swap3A_1588 {strides = array<i32>} : memref<1024xi32, #tpu.memory_space<vmem>>, vector<16xi32>,
        %get3A_1589 = arith.constant 352 : index
        %get3A_1590 = tpu.vector_load %arg5[%get3A_1589] {strides = array<i32>} : memref<1024xi32, #tpu.memory_space<vmem>>, vector<16xi32>,
        %get3A_1591 = vector.shape_cast %get3A_1590 : vector<16xi32> to vector<16xi32>
        %add3A_1592 = arith.addi %get3A_1591, %broadcast_in_dim3A_1540 : vector<16xi32>
        %swap3A_1593 = arith.constant 352 : index
        %swap3A_1594 = tpu.vector_load %arg5[%swap3A_1593] {strides = array<i32>} : memref<1024xi32, #tpu.memory_space<vmem>>, vector<16xi32>,
        %swap3A_1595 = vector.shape_cast %swap3A_1594 : vector<16xi32> to vector<16xi32>
        %swap3A_1596 = vector.shape_cast %add3A_1592 : vector<16xi32> to vector<16xi32>
        tpu.vector_store %arg5[%swap3A_1593], %swap3A_1596 {strides = array<i32>} : memref<1024xi32, #tpu.memory_space<vmem>>, vector<16xi32>,
        %get3A_1597 = arith.constant 368 : index
        %get3A_1598 = tpu.vector_load %arg5[%get3A_1597] {strides = array<i32>} : memref<1024xi32, #tpu.memory_space<vmem>>, vector<16xi32>,
        %get3A_1599 = vector.shape_cast %get3A_1598 : vector<16xi32> to vector<16xi32>
        %add3A_1600 = arith.addi %get3A_1599, %broadcast_in_dim3A_1540 : vector<16xi32>
        %swap3A_1601 = arith.constant 368 : index
        %swap3A_1602 = tpu.vector_load %arg5[%swap3A_1601] {strides = array<i32>} : memref<1024xi32, #tpu.memory_space<vmem>>, vector<16xi32>,
        %swap3A_1603 = vector.shape_cast %swap3A_1602 : vector<16xi32> to vector<16xi32>
        %swap3A_1604 = vector.shape_cast %add3A_1600 : vector<16xi32> to vector<16xi32>
        tpu.vector_store %arg5[%swap3A_1601], %swap3A_1604 {strides = array<i32>} : memref<1024xi32, #tpu.memory_space<vmem>>, vector<16xi32>,
        %broadcast_in_dim3A_1605 = arith.constant 300000 : i32
        %broadcast_in_dim3A_1606 = vector.broadcast %broadcast_in_dim3A_1605 : i32 to vector<16xi32>
        %get3A_1607 = arith.constant 384 : index
        %get3A_1608 = tpu.vector_load %arg5[%get3A_1607] {strides = array<i32>} : memref<1024xi32, #tpu.memory_space<vmem>>, vector<16xi32>,
        %get3A_1609 = vector.shape_cast %get3A_1608 : vector<16xi32> to vector<16xi32>
        %add3A_1610 = arith.addi %get3A_1609, %broadcast_in_dim3A_1606 : vector<16xi32>
        %swap3A_1611 = arith.constant 384 : index
        %swap3A_1612 = tpu.vector_load %arg5[%swap3A_1611] {strides = array<i32>} : memref<1024xi32, #tpu.memory_space<vmem>>, vector<16xi32>,
        %swap3A_1613 = vector.shape_cast %swap3A_1612 : vector<16xi32> to vector<16xi32>
        %swap3A_1614 = vector.shape_cast %add3A_1610 : vector<16xi32> to vector<16xi32>
        tpu.vector_store %arg5[%swap3A_1611], %swap3A_1614 {strides = array<i32>} : memref<1024xi32, #tpu.memory_space<vmem>>, vector<16xi32>,
        %get3A_1615 = arith.constant 400 : index
        %get3A_1616 = tpu.vector_load %arg5[%get3A_1615] {strides = array<i32>} : memref<1024xi32, #tpu.memory_space<vmem>>, vector<16xi32>,
        %get3A_1617 = vector.shape_cast %get3A_1616 : vector<16xi32> to vector<16xi32>
        %add3A_1618 = arith.addi %get3A_1617, %broadcast_in_dim3A_1606 : vector<16xi32>
        %swap3A_1619 = arith.constant 400 : index
        %swap3A_1620 = tpu.vector_load %arg5[%swap3A_1619] {strides = array<i32>} : memref<1024xi32, #tpu.memory_space<vmem>>, vector<16xi32>,
        %swap3A_1621 = vector.shape_cast %swap3A_1620 : vector<16xi32> to vector<16xi32>
        %swap3A_1622 = vector.shape_cast %add3A_1618 : vector<16xi32> to vector<16xi32>
        tpu.vector_store %arg5[%swap3A_1619], %swap3A_1622 {strides = array<i32>} : memref<1024xi32, #tpu.memory_space<vmem>>, vector<16xi32>,
        %get3A_1623 = arith.constant 416 : index
        %get3A_1624 = tpu.vector_load %arg5[%get3A_1623] {strides = array<i32>} : memref<1024xi32, #tpu.memory_space<vmem>>, vector<16xi32>,
        %get3A_1625 = vector.shape_cast %get3A_1624 : vector<16xi32> to vector<16xi32>
        %add3A_1626 = arith.addi %get3A_1625, %broadcast_in_dim3A_1606 : vector<16xi32>
        %swap3A_1627 = arith.constant 416 : index
        %swap3A_1628 = tpu.vector_load %arg5[%swap3A_1627] {strides = array<i32>} : memref<1024xi32, #tpu.memory_space<vmem>>, vector<16xi32>,
        %swap3A_1629 = vector.shape_cast %swap3A_1628 : vector<16xi32> to vector<16xi32>
        %swap3A_1630 = vector.shape_cast %add3A_1626 : vector<16xi32> to vector<16xi32>
        tpu.vector_store %arg5[%swap3A_1627], %swap3A_1630 {strides = array<i32>} : memref<1024xi32, #tpu.memory_space<vmem>>, vector<16xi32>,
        %get3A_1631 = arith.constant 432 : index
        %get3A_1632 = tpu.vector_load %arg5[%get3A_1631] {strides = array<i32>} : memref<1024xi32, #tpu.memory_space<vmem>>, vector<16xi32>,
        %get3A_1633 = vector.shape_cast %get3A_1632 : vector<16xi32> to vector<16xi32>
        %add3A_1634 = arith.addi %get3A_1633, %broadcast_in_dim3A_1606 : vector<16xi32>
        %swap3A_1635 = arith.constant 432 : index
        %swap3A_1636 = tpu.vector_load %arg5[%swap3A_1635] {strides = array<i32>} : memref<1024xi32, #tpu.memory_space<vmem>>, vector<16xi32>,
        %swap3A_1637 = vector.shape_cast %swap3A_1636 : vector<16xi32> to vector<16xi32>
        %swap3A_1638 = vector.shape_cast %add3A_1634 : vector<16xi32> to vector<16xi32>
        tpu.vector_store %arg5[%swap3A_1635], %swap3A_1638 {strides = array<i32>} : memref<1024xi32, #tpu.memory_space<vmem>>, vector<16xi32>,
        %get3A_1639 = arith.constant 448 : index
        %get3A_1640 = tpu.vector_load %arg5[%get3A_1639] {strides = array<i32>} : memref<1024xi32, #tpu.memory_space<vmem>>, vector<16xi32>,
        %get3A_1641 = vector.shape_cast %get3A_1640 : vector<16xi32> to vector<16xi32>
        %add3A_1642 = arith.addi %get3A_1641, %broadcast_in_dim3A_1606 : vector<16xi32>
        %swap3A_1643 = arith.constant 448 : index
        %swap3A_1644 = tpu.vector_load %arg5[%swap3A_1643] {strides = array<i32>} : memref<1024xi32, #tpu.memory_space<vmem>>, vector<16xi32>,
        %swap3A_1645 = vector.shape_cast %swap3A_1644 : vector<16xi32> to vector<16xi32>
        %swap3A_1646 = vector.shape_cast %add3A_1642 : vector<16xi32> to vector<16xi32>
        tpu.vector_store %arg5[%swap3A_1643], %swap3A_1646 {strides = array<i32>} : memref<1024xi32, #tpu.memory_space<vmem>>, vector<16xi32>,
        %get3A_1647 = arith.constant 464 : index
        %get3A_1648 = tpu.vector_load %arg5[%get3A_1647] {strides = array<i32>} : memref<1024xi32, #tpu.memory_space<vmem>>, vector<16xi32>,
        %get3A_1649 = vector.shape_cast %get3A_1648 : vector<16xi32> to vector<16xi32>
        %add3A_1650 = arith.addi %get3A_1649, %broadcast_in_dim3A_1606 : vector<16xi32>
        %swap3A_1651 = arith.constant 464 : index
        %swap3A_1652 = tpu.vector_load %arg5[%swap3A_1651] {strides = array<i32>} : memref<1024xi32, #tpu.memory_space<vmem>>, vector<16xi32>,
        %swap3A_1653 = vector.shape_cast %swap3A_1652 : vector<16xi32> to vector<16xi32>
        %swap3A_1654 = vector.shape_cast %add3A_1650 : vector<16xi32> to vector<16xi32>
        tpu.vector_store %arg5[%swap3A_1651], %swap3A_1654 {strides = array<i32>} : memref<1024xi32, #tpu.memory_space<vmem>>, vector<16xi32>,
        %get3A_1655 = arith.constant 480 : index
        %get3A_1656 = tpu.vector_load %arg5[%get3A_1655] {strides = array<i32>} : memref<1024xi32, #tpu.memory_space<vmem>>, vector<16xi32>,
        %get3A_1657 = vector.shape_cast %get3A_1656 : vector<16xi32> to vector<16xi32>
        %add3A_1658 = arith.addi %get3A_1657, %broadcast_in_dim3A_1606 : vector<16xi32>
        %swap3A_1659 = arith.constant 480 : index
        %swap3A_1660 = tpu.vector_load %arg5[%swap3A_1659] {strides = array<i32>} : memref<1024xi32, #tpu.memory_space<vmem>>, vector<16xi32>,
        %swap3A_1661 = vector.shape_cast %swap3A_1660 : vector<16xi32> to vector<16xi32>
        %swap3A_1662 = vector.shape_cast %add3A_1658 : vector<16xi32> to vector<16xi32>
        tpu.vector_store %arg5[%swap3A_1659], %swap3A_1662 {strides = array<i32>} : memref<1024xi32, #tpu.memory_space<vmem>>, vector<16xi32>,
        %get3A_1663 = arith.constant 496 : index
        %get3A_1664 = tpu.vector_load %arg5[%get3A_1663] {strides = array<i32>} : memref<1024xi32, #tpu.memory_space<vmem>>, vector<16xi32>,
        %get3A_1665 = vector.shape_cast %get3A_1664 : vector<16xi32> to vector<16xi32>
        %add3A_1666 = arith.addi %get3A_1665, %broadcast_in_dim3A_1606 : vector<16xi32>
        %swap3A_1667 = arith.constant 496 : index
        %swap3A_1668 = tpu.vector_load %arg5[%swap3A_1667] {strides = array<i32>} : memref<1024xi32, #tpu.memory_space<vmem>>, vector<16xi32>,
        %swap3A_1669 = vector.shape_cast %swap3A_1668 : vector<16xi32> to vector<16xi32>
        %swap3A_1670 = vector.shape_cast %add3A_1666 : vector<16xi32> to vector<16xi32>
        tpu.vector_store %arg5[%swap3A_1667], %swap3A_1670 {strides = array<i32>} : memref<1024xi32, #tpu.memory_space<vmem>>, vector<16xi32>,
        %broadcast_in_dim3A_1671 = arith.constant 400000 : i32
        %broadcast_in_dim3A_1672 = vector.broadcast %broadcast_in_dim3A_1671 : i32 to vector<16xi32>
        %get3A_1673 = arith.constant 512 : index
        %get3A_1674 = tpu.vector_load %arg5[%get3A_1673] {strides = array<i32>} : memref<1024xi32, #tpu.memory_space<vmem>>, vector<16xi32>,
        %get3A_1675 = vector.shape_cast %get3A_1674 : vector<16xi32> to vector<16xi32>
        %add3A_1676 = arith.addi %get3A_1675, %broadcast_in_dim3A_1672 : vector<16xi32>
        %swap3A_1677 = arith.constant 512 : index
        %swap3A_1678 = tpu.vector_load %arg5[%swap3A_1677] {strides = array<i32>} : memref<1024xi32, #tpu.memory_space<vmem>>, vector<16xi32>,
        %swap3A_1679 = vector.shape_cast %swap3A_1678 : vector<16xi32> to vector<16xi32>
        %swap3A_1680 = vector.shape_cast %add3A_1676 : vector<16xi32> to vector<16xi32>
        tpu.vector_store %arg5[%swap3A_1677], %swap3A_1680 {strides = array<i32>} : memref<1024xi32, #tpu.memory_space<vmem>>, vector<16xi32>,
        %get3A_1681 = arith.constant 528 : index
        %get3A_1682 = tpu.vector_load %arg5[%get3A_1681] {strides = array<i32>} : memref<1024xi32, #tpu.memory_space<vmem>>, vector<16xi32>,
        %get3A_1683 = vector.shape_cast %get3A_1682 : vector<16xi32> to vector<16xi32>
        %add3A_1684 = arith.addi %get3A_1683, %broadcast_in_dim3A_1672 : vector<16xi32>
        %swap3A_1685 = arith.constant 528 : index
        %swap3A_1686 = tpu.vector_load %arg5[%swap3A_1685] {strides = array<i32>} : memref<1024xi32, #tpu.memory_space<vmem>>, vector<16xi32>,
        %swap3A_1687 = vector.shape_cast %swap3A_1686 : vector<16xi32> to vector<16xi32>
        %swap3A_1688 = vector.shape_cast %add3A_1684 : vector<16xi32> to vector<16xi32>
        tpu.vector_store %arg5[%swap3A_1685], %swap3A_1688 {strides = array<i32>} : memref<1024xi32, #tpu.memory_space<vmem>>, vector<16xi32>,
        %get3A_1689 = arith.constant 544 : index
        %get3A_1690 = tpu.vector_load %arg5[%get3A_1689] {strides = array<i32>} : memref<1024xi32, #tpu.memory_space<vmem>>, vector<16xi32>,
        %get3A_1691 = vector.shape_cast %get3A_1690 : vector<16xi32> to vector<16xi32>
        %add3A_1692 = arith.addi %get3A_1691, %broadcast_in_dim3A_1672 : vector<16xi32>
        %swap3A_1693 = arith.constant 544 : index
        %swap3A_1694 = tpu.vector_load %arg5[%swap3A_1693] {strides = array<i32>} : memref<1024xi32, #tpu.memory_space<vmem>>, vector<16xi32>,
        %swap3A_1695 = vector.shape_cast %swap3A_1694 : vector<16xi32> to vector<16xi32>
        %swap3A_1696 = vector.shape_cast %add3A_1692 : vector<16xi32> to vector<16xi32>
        tpu.vector_store %arg5[%swap3A_1693], %swap3A_1696 {strides = array<i32>} : memref<1024xi32, #tpu.memory_space<vmem>>, vector<16xi32>,
        %get3A_1697 = arith.constant 560 : index
        %get3A_1698 = tpu.vector_load %arg5[%get3A_1697] {strides = array<i32>} : memref<1024xi32, #tpu.memory_space<vmem>>, vector<16xi32>,
        %get3A_1699 = vector.shape_cast %get3A_1698 : vector<16xi32> to vector<16xi32>
        %add3A_1700 = arith.addi %get3A_1699, %broadcast_in_dim3A_1672 : vector<16xi32>
        %swap3A_1701 = arith.constant 560 : index
        %swap3A_1702 = tpu.vector_load %arg5[%swap3A_1701] {strides = array<i32>} : memref<1024xi32, #tpu.memory_space<vmem>>, vector<16xi32>,
        %swap3A_1703 = vector.shape_cast %swap3A_1702 : vector<16xi32> to vector<16xi32>
        %swap3A_1704 = vector.shape_cast %add3A_1700 : vector<16xi32> to vector<16xi32>
        tpu.vector_store %arg5[%swap3A_1701], %swap3A_1704 {strides = array<i32>} : memref<1024xi32, #tpu.memory_space<vmem>>, vector<16xi32>,
        %get3A_1705 = arith.constant 576 : index
        %get3A_1706 = tpu.vector_load %arg5[%get3A_1705] {strides = array<i32>} : memref<1024xi32, #tpu.memory_space<vmem>>, vector<16xi32>,
        %get3A_1707 = vector.shape_cast %get3A_1706 : vector<16xi32> to vector<16xi32>
        %add3A_1708 = arith.addi %get3A_1707, %broadcast_in_dim3A_1672 : vector<16xi32>
        %swap3A_1709 = arith.constant 576 : index
        %swap3A_1710 = tpu.vector_load %arg5[%swap3A_1709] {strides = array<i32>} : memref<1024xi32, #tpu.memory_space<vmem>>, vector<16xi32>,
        %swap3A_1711 = vector.shape_cast %swap3A_1710 : vector<16xi32> to vector<16xi32>
        %swap3A_1712 = vector.shape_cast %add3A_1708 : vector<16xi32> to vector<16xi32>
        tpu.vector_store %arg5[%swap3A_1709], %swap3A_1712 {strides = array<i32>} : memref<1024xi32, #tpu.memory_space<vmem>>, vector<16xi32>,
        %get3A_1713 = arith.constant 592 : index
        %get3A_1714 = tpu.vector_load %arg5[%get3A_1713] {strides = array<i32>} : memref<1024xi32, #tpu.memory_space<vmem>>, vector<16xi32>,
        %get3A_1715 = vector.shape_cast %get3A_1714 : vector<16xi32> to vector<16xi32>
        %add3A_1716 = arith.addi %get3A_1715, %broadcast_in_dim3A_1672 : vector<16xi32>
        %swap3A_1717 = arith.constant 592 : index
        %swap3A_1718 = tpu.vector_load %arg5[%swap3A_1717] {strides = array<i32>} : memref<1024xi32, #tpu.memory_space<vmem>>, vector<16xi32>,
        %swap3A_1719 = vector.shape_cast %swap3A_1718 : vector<16xi32> to vector<16xi32>
        %swap3A_1720 = vector.shape_cast %add3A_1716 : vector<16xi32> to vector<16xi32>
        tpu.vector_store %arg5[%swap3A_1717], %swap3A_1720 {strides = array<i32>} : memref<1024xi32, #tpu.memory_space<vmem>>, vector<16xi32>,
        %get3A_1721 = arith.constant 608 : index
        %get3A_1722 = tpu.vector_load %arg5[%get3A_1721] {strides = array<i32>} : memref<1024xi32, #tpu.memory_space<vmem>>, vector<16xi32>,
        %get3A_1723 = vector.shape_cast %get3A_1722 : vector<16xi32> to vector<16xi32>
        %add3A_1724 = arith.addi %get3A_1723, %broadcast_in_dim3A_1672 : vector<16xi32>
        %swap3A_1725 = arith.constant 608 : index
        %swap3A_1726 = tpu.vector_load %arg5[%swap3A_1725] {strides = array<i32>} : memref<1024xi32, #tpu.memory_space<vmem>>, vector<16xi32>,
        %swap3A_1727 = vector.shape_cast %swap3A_1726 : vector<16xi32> to vector<16xi32>
        %swap3A_1728 = vector.shape_cast %add3A_1724 : vector<16xi32> to vector<16xi32>
        tpu.vector_store %arg5[%swap3A_1725], %swap3A_1728 {strides = array<i32>} : memref<1024xi32, #tpu.memory_space<vmem>>, vector<16xi32>,
        %get3A_1729 = arith.constant 624 : index
        %get3A_1730 = tpu.vector_load %arg5[%get3A_1729] {strides = array<i32>} : memref<1024xi32, #tpu.memory_space<vmem>>, vector<16xi32>,
        %get3A_1731 = vector.shape_cast %get3A_1730 : vector<16xi32> to vector<16xi32>
        %add3A_1732 = arith.addi %get3A_1731, %broadcast_in_dim3A_1672 : vector<16xi32>
        %swap3A_1733 = arith.constant 624 : index
        %swap3A_1734 = tpu.vector_load %arg5[%swap3A_1733] {strides = array<i32>} : memref<1024xi32, #tpu.memory_space<vmem>>, vector<16xi32>,
        %swap3A_1735 = vector.shape_cast %swap3A_1734 : vector<16xi32> to vector<16xi32>
        %swap3A_1736 = vector.shape_cast %add3A_1732 : vector<16xi32> to vector<16xi32>
        tpu.vector_store %arg5[%swap3A_1733], %swap3A_1736 {strides = array<i32>} : memref<1024xi32, #tpu.memory_space<vmem>>, vector<16xi32>,
        %broadcast_in_dim3A_1737 = arith.constant 500000 : i32
        %broadcast_in_dim3A_1738 = vector.broadcast %broadcast_in_dim3A_1737 : i32 to vector<16xi32>
        %get3A_1739 = arith.constant 640 : index
        %get3A_1740 = tpu.vector_load %arg5[%get3A_1739] {strides = array<i32>} : memref<1024xi32, #tpu.memory_space<vmem>>, vector<16xi32>,
        %get3A_1741 = vector.shape_cast %get3A_1740 : vector<16xi32> to vector<16xi32>
        %add3A_1742 = arith.addi %get3A_1741, %broadcast_in_dim3A_1738 : vector<16xi32>
        %swap3A_1743 = arith.constant 640 : index
        %swap3A_1744 = tpu.vector_load %arg5[%swap3A_1743] {strides = array<i32>} : memref<1024xi32, #tpu.memory_space<vmem>>, vector<16xi32>,
        %swap3A_1745 = vector.shape_cast %swap3A_1744 : vector<16xi32> to vector<16xi32>
        %swap3A_1746 = vector.shape_cast %add3A_1742 : vector<16xi32> to vector<16xi32>
        tpu.vector_store %arg5[%swap3A_1743], %swap3A_1746 {strides = array<i32>} : memref<1024xi32, #tpu.memory_space<vmem>>, vector<16xi32>,
        %get3A_1747 = arith.constant 656 : index
        %get3A_1748 = tpu.vector_load %arg5[%get3A_1747] {strides = array<i32>} : memref<1024xi32, #tpu.memory_space<vmem>>, vector<16xi32>,
        %get3A_1749 = vector.shape_cast %get3A_1748 : vector<16xi32> to vector<16xi32>
        %add3A_1750 = arith.addi %get3A_1749, %broadcast_in_dim3A_1738 : vector<16xi32>
        %swap3A_1751 = arith.constant 656 : index
        %swap3A_1752 = tpu.vector_load %arg5[%swap3A_1751] {strides = array<i32>} : memref<1024xi32, #tpu.memory_space<vmem>>, vector<16xi32>,
        %swap3A_1753 = vector.shape_cast %swap3A_1752 : vector<16xi32> to vector<16xi32>
        %swap3A_1754 = vector.shape_cast %add3A_1750 : vector<16xi32> to vector<16xi32>
        tpu.vector_store %arg5[%swap3A_1751], %swap3A_1754 {strides = array<i32>} : memref<1024xi32, #tpu.memory_space<vmem>>, vector<16xi32>,
        %get3A_1755 = arith.constant 672 : index
        %get3A_1756 = tpu.vector_load %arg5[%get3A_1755] {strides = array<i32>} : memref<1024xi32, #tpu.memory_space<vmem>>, vector<16xi32>,
        %get3A_1757 = vector.shape_cast %get3A_1756 : vector<16xi32> to vector<16xi32>
        %add3A_1758 = arith.addi %get3A_1757, %broadcast_in_dim3A_1738 : vector<16xi32>
        %swap3A_1759 = arith.constant 672 : index
        %swap3A_1760 = tpu.vector_load %arg5[%swap3A_1759] {strides = array<i32>} : memref<1024xi32, #tpu.memory_space<vmem>>, vector<16xi32>,
        %swap3A_1761 = vector.shape_cast %swap3A_1760 : vector<16xi32> to vector<16xi32>
        %swap3A_1762 = vector.shape_cast %add3A_1758 : vector<16xi32> to vector<16xi32>
        tpu.vector_store %arg5[%swap3A_1759], %swap3A_1762 {strides = array<i32>} : memref<1024xi32, #tpu.memory_space<vmem>>, vector<16xi32>,
        %get3A_1763 = arith.constant 688 : index
        %get3A_1764 = tpu.vector_load %arg5[%get3A_1763] {strides = array<i32>} : memref<1024xi32, #tpu.memory_space<vmem>>, vector<16xi32>,
        %get3A_1765 = vector.shape_cast %get3A_1764 : vector<16xi32> to vector<16xi32>
        %add3A_1766 = arith.addi %get3A_1765, %broadcast_in_dim3A_1738 : vector<16xi32>
        %swap3A_1767 = arith.constant 688 : index
        %swap3A_1768 = tpu.vector_load %arg5[%swap3A_1767] {strides = array<i32>} : memref<1024xi32, #tpu.memory_space<vmem>>, vector<16xi32>,
        %swap3A_1769 = vector.shape_cast %swap3A_1768 : vector<16xi32> to vector<16xi32>
        %swap3A_1770 = vector.shape_cast %add3A_1766 : vector<16xi32> to vector<16xi32>
        tpu.vector_store %arg5[%swap3A_1767], %swap3A_1770 {strides = array<i32>} : memref<1024xi32, #tpu.memory_space<vmem>>, vector<16xi32>,
        %get3A_1771 = arith.constant 704 : index
        %get3A_1772 = tpu.vector_load %arg5[%get3A_1771] {strides = array<i32>} : memref<1024xi32, #tpu.memory_space<vmem>>, vector<16xi32>,
        %get3A_1773 = vector.shape_cast %get3A_1772 : vector<16xi32> to vector<16xi32>
        %add3A_1774 = arith.addi %get3A_1773, %broadcast_in_dim3A_1738 : vector<16xi32>
        %swap3A_1775 = arith.constant 704 : index
        %swap3A_1776 = tpu.vector_load %arg5[%swap3A_1775] {strides = array<i32>} : memref<1024xi32, #tpu.memory_space<vmem>>, vector<16xi32>,
        %swap3A_1777 = vector.shape_cast %swap3A_1776 : vector<16xi32> to vector<16xi32>
        %swap3A_1778 = vector.shape_cast %add3A_1774 : vector<16xi32> to vector<16xi32>
        tpu.vector_store %arg5[%swap3A_1775], %swap3A_1778 {strides = array<i32>} : memref<1024xi32, #tpu.memory_space<vmem>>, vector<16xi32>,
        %get3A_1779 = arith.constant 720 : index
        %get3A_1780 = tpu.vector_load %arg5[%get3A_1779] {strides = array<i32>} : memref<1024xi32, #tpu.memory_space<vmem>>, vector<16xi32>,
        %get3A_1781 = vector.shape_cast %get3A_1780 : vector<16xi32> to vector<16xi32>
        %add3A_1782 = arith.addi %get3A_1781, %broadcast_in_dim3A_1738 : vector<16xi32>
        %swap3A_1783 = arith.constant 720 : index
        %swap3A_1784 = tpu.vector_load %arg5[%swap3A_1783] {strides = array<i32>} : memref<1024xi32, #tpu.memory_space<vmem>>, vector<16xi32>,
        %swap3A_1785 = vector.shape_cast %swap3A_1784 : vector<16xi32> to vector<16xi32>
        %swap3A_1786 = vector.shape_cast %add3A_1782 : vector<16xi32> to vector<16xi32>
        tpu.vector_store %arg5[%swap3A_1783], %swap3A_1786 {strides = array<i32>} : memref<1024xi32, #tpu.memory_space<vmem>>, vector<16xi32>,
        %get3A_1787 = arith.constant 736 : index
        %get3A_1788 = tpu.vector_load %arg5[%get3A_1787] {strides = array<i32>} : memref<1024xi32, #tpu.memory_space<vmem>>, vector<16xi32>,
        %get3A_1789 = vector.shape_cast %get3A_1788 : vector<16xi32> to vector<16xi32>
        %add3A_1790 = arith.addi %get3A_1789, %broadcast_in_dim3A_1738 : vector<16xi32>
        %swap3A_1791 = arith.constant 736 : index
        %swap3A_1792 = tpu.vector_load %arg5[%swap3A_1791] {strides = array<i32>} : memref<1024xi32, #tpu.memory_space<vmem>>, vector<16xi32>,
        %swap3A_1793 = vector.shape_cast %swap3A_1792 : vector<16xi32> to vector<16xi32>
        %swap3A_1794 = vector.shape_cast %add3A_1790 : vector<16xi32> to vector<16xi32>
        tpu.vector_store %arg5[%swap3A_1791], %swap3A_1794 {strides = array<i32>} : memref<1024xi32, #tpu.memory_space<vmem>>, vector<16xi32>,
        %get3A_1795 = arith.constant 752 : index
        %get3A_1796 = tpu.vector_load %arg5[%get3A_1795] {strides = array<i32>} : memref<1024xi32, #tpu.memory_space<vmem>>, vector<16xi32>,
        %get3A_1797 = vector.shape_cast %get3A_1796 : vector<16xi32> to vector<16xi32>
        %add3A_1798 = arith.addi %get3A_1797, %broadcast_in_dim3A_1738 : vector<16xi32>
        %swap3A_1799 = arith.constant 752 : index
        %swap3A_1800 = tpu.vector_load %arg5[%swap3A_1799] {strides = array<i32>} : memref<1024xi32, #tpu.memory_space<vmem>>, vector<16xi32>,
        %swap3A_1801 = vector.shape_cast %swap3A_1800 : vector<16xi32> to vector<16xi32>
        %swap3A_1802 = vector.shape_cast %add3A_1798 : vector<16xi32> to vector<16xi32>
        tpu.vector_store %arg5[%swap3A_1799], %swap3A_1802 {strides = array<i32>} : memref<1024xi32, #tpu.memory_space<vmem>>, vector<16xi32>,
        %broadcast_in_dim3A_1803 = arith.constant 600000 : i32
        %broadcast_in_dim3A_1804 = vector.broadcast %broadcast_in_dim3A_1803 : i32 to vector<16xi32>
        %get3A_1805 = arith.constant 768 : index
        %get3A_1806 = tpu.vector_load %arg5[%get3A_1805] {strides = array<i32>} : memref<1024xi32, #tpu.memory_space<vmem>>, vector<16xi32>,
        %get3A_1807 = vector.shape_cast %get3A_1806 : vector<16xi32> to vector<16xi32>
        %add3A_1808 = arith.addi %get3A_1807, %broadcast_in_dim3A_1804 : vector<16xi32>
        %swap3A_1809 = arith.constant 768 : index
        %swap3A_1810 = tpu.vector_load %arg5[%swap3A_1809] {strides = array<i32>} : memref<1024xi32, #tpu.memory_space<vmem>>, vector<16xi32>,
        %swap3A_1811 = vector.shape_cast %swap3A_1810 : vector<16xi32> to vector<16xi32>
        %swap3A_1812 = vector.shape_cast %add3A_1808 : vector<16xi32> to vector<16xi32>
        tpu.vector_store %arg5[%swap3A_1809], %swap3A_1812 {strides = array<i32>} : memref<1024xi32, #tpu.memory_space<vmem>>, vector<16xi32>,
        %get3A_1813 = arith.constant 784 : index
        %get3A_1814 = tpu.vector_load %arg5[%get3A_1813] {strides = array<i32>} : memref<1024xi32, #tpu.memory_space<vmem>>, vector<16xi32>,
        %get3A_1815 = vector.shape_cast %get3A_1814 : vector<16xi32> to vector<16xi32>
        %add3A_1816 = arith.addi %get3A_1815, %broadcast_in_dim3A_1804 : vector<16xi32>
        %swap3A_1817 = arith.constant 784 : index
        %swap3A_1818 = tpu.vector_load %arg5[%swap3A_1817] {strides = array<i32>} : memref<1024xi32, #tpu.memory_space<vmem>>, vector<16xi32>,
        %swap3A_1819 = vector.shape_cast %swap3A_1818 : vector<16xi32> to vector<16xi32>
        %swap3A_1820 = vector.shape_cast %add3A_1816 : vector<16xi32> to vector<16xi32>
        tpu.vector_store %arg5[%swap3A_1817], %swap3A_1820 {strides = array<i32>} : memref<1024xi32, #tpu.memory_space<vmem>>, vector<16xi32>,
        %get3A_1821 = arith.constant 800 : index
        %get3A_1822 = tpu.vector_load %arg5[%get3A_1821] {strides = array<i32>} : memref<1024xi32, #tpu.memory_space<vmem>>, vector<16xi32>,
        %get3A_1823 = vector.shape_cast %get3A_1822 : vector<16xi32> to vector<16xi32>
        %add3A_1824 = arith.addi %get3A_1823, %broadcast_in_dim3A_1804 : vector<16xi32>
        %swap3A_1825 = arith.constant 800 : index
        %swap3A_1826 = tpu.vector_load %arg5[%swap3A_1825] {strides = array<i32>} : memref<1024xi32, #tpu.memory_space<vmem>>, vector<16xi32>,
        %swap3A_1827 = vector.shape_cast %swap3A_1826 : vector<16xi32> to vector<16xi32>
        %swap3A_1828 = vector.shape_cast %add3A_1824 : vector<16xi32> to vector<16xi32>
        tpu.vector_store %arg5[%swap3A_1825], %swap3A_1828 {strides = array<i32>} : memref<1024xi32, #tpu.memory_space<vmem>>, vector<16xi32>,
        %get3A_1829 = arith.constant 816 : index
        %get3A_1830 = tpu.vector_load %arg5[%get3A_1829] {strides = array<i32>} : memref<1024xi32, #tpu.memory_space<vmem>>, vector<16xi32>,
        %get3A_1831 = vector.shape_cast %get3A_1830 : vector<16xi32> to vector<16xi32>
        %add3A_1832 = arith.addi %get3A_1831, %broadcast_in_dim3A_1804 : vector<16xi32>
        %swap3A_1833 = arith.constant 816 : index
        %swap3A_1834 = tpu.vector_load %arg5[%swap3A_1833] {strides = array<i32>} : memref<1024xi32, #tpu.memory_space<vmem>>, vector<16xi32>,
        %swap3A_1835 = vector.shape_cast %swap3A_1834 : vector<16xi32> to vector<16xi32>
        %swap3A_1836 = vector.shape_cast %add3A_1832 : vector<16xi32> to vector<16xi32>
        tpu.vector_store %arg5[%swap3A_1833], %swap3A_1836 {strides = array<i32>} : memref<1024xi32, #tpu.memory_space<vmem>>, vector<16xi32>,
        %get3A_1837 = arith.constant 832 : index
        %get3A_1838 = tpu.vector_load %arg5[%get3A_1837] {strides = array<i32>} : memref<1024xi32, #tpu.memory_space<vmem>>, vector<16xi32>,
        %get3A_1839 = vector.shape_cast %get3A_1838 : vector<16xi32> to vector<16xi32>
        %add3A_1840 = arith.addi %get3A_1839, %broadcast_in_dim3A_1804 : vector<16xi32>
        %swap3A_1841 = arith.constant 832 : index
        %swap3A_1842 = tpu.vector_load %arg5[%swap3A_1841] {strides = array<i32>} : memref<1024xi32, #tpu.memory_space<vmem>>, vector<16xi32>,
        %swap3A_1843 = vector.shape_cast %swap3A_1842 : vector<16xi32> to vector<16xi32>
        %swap3A_1844 = vector.shape_cast %add3A_1840 : vector<16xi32> to vector<16xi32>
        tpu.vector_store %arg5[%swap3A_1841], %swap3A_1844 {strides = array<i32>} : memref<1024xi32, #tpu.memory_space<vmem>>, vector<16xi32>,
        %get3A_1845 = arith.constant 848 : index
        %get3A_1846 = tpu.vector_load %arg5[%get3A_1845] {strides = array<i32>} : memref<1024xi32, #tpu.memory_space<vmem>>, vector<16xi32>,
        %get3A_1847 = vector.shape_cast %get3A_1846 : vector<16xi32> to vector<16xi32>
        %add3A_1848 = arith.addi %get3A_1847, %broadcast_in_dim3A_1804 : vector<16xi32>
        %swap3A_1849 = arith.constant 848 : index
        %swap3A_1850 = tpu.vector_load %arg5[%swap3A_1849] {strides = array<i32>} : memref<1024xi32, #tpu.memory_space<vmem>>, vector<16xi32>,
        %swap3A_1851 = vector.shape_cast %swap3A_1850 : vector<16xi32> to vector<16xi32>
        %swap3A_1852 = vector.shape_cast %add3A_1848 : vector<16xi32> to vector<16xi32>
        tpu.vector_store %arg5[%swap3A_1849], %swap3A_1852 {strides = array<i32>} : memref<1024xi32, #tpu.memory_space<vmem>>, vector<16xi32>,
        %get3A_1853 = arith.constant 864 : index
        %get3A_1854 = tpu.vector_load %arg5[%get3A_1853] {strides = array<i32>} : memref<1024xi32, #tpu.memory_space<vmem>>, vector<16xi32>,
        %get3A_1855 = vector.shape_cast %get3A_1854 : vector<16xi32> to vector<16xi32>
        %add3A_1856 = arith.addi %get3A_1855, %broadcast_in_dim3A_1804 : vector<16xi32>
        %swap3A_1857 = arith.constant 864 : index
        %swap3A_1858 = tpu.vector_load %arg5[%swap3A_1857] {strides = array<i32>} : memref<1024xi32, #tpu.memory_space<vmem>>, vector<16xi32>,
        %swap3A_1859 = vector.shape_cast %swap3A_1858 : vector<16xi32> to vector<16xi32>
        %swap3A_1860 = vector.shape_cast %add3A_1856 : vector<16xi32> to vector<16xi32>
        tpu.vector_store %arg5[%swap3A_1857], %swap3A_1860 {strides = array<i32>} : memref<1024xi32, #tpu.memory_space<vmem>>, vector<16xi32>,
        %get3A_1861 = arith.constant 880 : index
        %get3A_1862 = tpu.vector_load %arg5[%get3A_1861] {strides = array<i32>} : memref<1024xi32, #tpu.memory_space<vmem>>, vector<16xi32>,
        %get3A_1863 = vector.shape_cast %get3A_1862 : vector<16xi32> to vector<16xi32>
        %add3A_1864 = arith.addi %get3A_1863, %broadcast_in_dim3A_1804 : vector<16xi32>
        %swap3A_1865 = arith.constant 880 : index
        %swap3A_1866 = tpu.vector_load %arg5[%swap3A_1865] {strides = array<i32>} : memref<1024xi32, #tpu.memory_space<vmem>>, vector<16xi32>,
        %swap3A_1867 = vector.shape_cast %swap3A_1866 : vector<16xi32> to vector<16xi32>
        %swap3A_1868 = vector.shape_cast %add3A_1864 : vector<16xi32> to vector<16xi32>
        tpu.vector_store %arg5[%swap3A_1865], %swap3A_1868 {strides = array<i32>} : memref<1024xi32, #tpu.memory_space<vmem>>, vector<16xi32>,
        %broadcast_in_dim3A_1869 = arith.constant 700000 : i32
        %broadcast_in_dim3A_1870 = vector.broadcast %broadcast_in_dim3A_1869 : i32 to vector<16xi32>
        %get3A_1871 = arith.constant 896 : index
        %get3A_1872 = tpu.vector_load %arg5[%get3A_1871] {strides = array<i32>} : memref<1024xi32, #tpu.memory_space<vmem>>, vector<16xi32>,
        %get3A_1873 = vector.shape_cast %get3A_1872 : vector<16xi32> to vector<16xi32>
        %add3A_1874 = arith.addi %get3A_1873, %broadcast_in_dim3A_1870 : vector<16xi32>
        %swap3A_1875 = arith.constant 896 : index
        %swap3A_1876 = tpu.vector_load %arg5[%swap3A_1875] {strides = array<i32>} : memref<1024xi32, #tpu.memory_space<vmem>>, vector<16xi32>,
        %swap3A_1877 = vector.shape_cast %swap3A_1876 : vector<16xi32> to vector<16xi32>
        %swap3A_1878 = vector.shape_cast %add3A_1874 : vector<16xi32> to vector<16xi32>
        tpu.vector_store %arg5[%swap3A_1875], %swap3A_1878 {strides = array<i32>} : memref<1024xi32, #tpu.memory_space<vmem>>, vector<16xi32>,
        %get3A_1879 = arith.constant 912 : index
        %get3A_1880 = tpu.vector_load %arg5[%get3A_1879] {strides = array<i32>} : memref<1024xi32, #tpu.memory_space<vmem>>, vector<16xi32>,
        %get3A_1881 = vector.shape_cast %get3A_1880 : vector<16xi32> to vector<16xi32>
        %add3A_1882 = arith.addi %get3A_1881, %broadcast_in_dim3A_1870 : vector<16xi32>
        %swap3A_1883 = arith.constant 912 : index
        %swap3A_1884 = tpu.vector_load %arg5[%swap3A_1883] {strides = array<i32>} : memref<1024xi32, #tpu.memory_space<vmem>>, vector<16xi32>,
        %swap3A_1885 = vector.shape_cast %swap3A_1884 : vector<16xi32> to vector<16xi32>
        %swap3A_1886 = vector.shape_cast %add3A_1882 : vector<16xi32> to vector<16xi32>
        tpu.vector_store %arg5[%swap3A_1883], %swap3A_1886 {strides = array<i32>} : memref<1024xi32, #tpu.memory_space<vmem>>, vector<16xi32>,
        %get3A_1887 = arith.constant 928 : index
        %get3A_1888 = tpu.vector_load %arg5[%get3A_1887] {strides = array<i32>} : memref<1024xi32, #tpu.memory_space<vmem>>, vector<16xi32>,
        %get3A_1889 = vector.shape_cast %get3A_1888 : vector<16xi32> to vector<16xi32>
        %add3A_1890 = arith.addi %get3A_1889, %broadcast_in_dim3A_1870 : vector<16xi32>
        %swap3A_1891 = arith.constant 928 : index
        %swap3A_1892 = tpu.vector_load %arg5[%swap3A_1891] {strides = array<i32>} : memref<1024xi32, #tpu.memory_space<vmem>>, vector<16xi32>,
        %swap3A_1893 = vector.shape_cast %swap3A_1892 : vector<16xi32> to vector<16xi32>
        %swap3A_1894 = vector.shape_cast %add3A_1890 : vector<16xi32> to vector<16xi32>
        tpu.vector_store %arg5[%swap3A_1891], %swap3A_1894 {strides = array<i32>} : memref<1024xi32, #tpu.memory_space<vmem>>, vector<16xi32>,
        %get3A_1895 = arith.constant 944 : index
        %get3A_1896 = tpu.vector_load %arg5[%get3A_1895] {strides = array<i32>} : memref<1024xi32, #tpu.memory_space<vmem>>, vector<16xi32>,
        %get3A_1897 = vector.shape_cast %get3A_1896 : vector<16xi32> to vector<16xi32>
        %add3A_1898 = arith.addi %get3A_1897, %broadcast_in_dim3A_1870 : vector<16xi32>
        %swap3A_1899 = arith.constant 944 : index
        %swap3A_1900 = tpu.vector_load %arg5[%swap3A_1899] {strides = array<i32>} : memref<1024xi32, #tpu.memory_space<vmem>>, vector<16xi32>,
        %swap3A_1901 = vector.shape_cast %swap3A_1900 : vector<16xi32> to vector<16xi32>
        %swap3A_1902 = vector.shape_cast %add3A_1898 : vector<16xi32> to vector<16xi32>
        tpu.vector_store %arg5[%swap3A_1899], %swap3A_1902 {strides = array<i32>} : memref<1024xi32, #tpu.memory_space<vmem>>, vector<16xi32>,
        %get3A_1903 = arith.constant 960 : index
        %get3A_1904 = tpu.vector_load %arg5[%get3A_1903] {strides = array<i32>} : memref<1024xi32, #tpu.memory_space<vmem>>, vector<16xi32>,
        %get3A_1905 = vector.shape_cast %get3A_1904 : vector<16xi32> to vector<16xi32>
        %add3A_1906 = arith.addi %get3A_1905, %broadcast_in_dim3A_1870 : vector<16xi32>
        %swap3A_1907 = arith.constant 960 : index
        %swap3A_1908 = tpu.vector_load %arg5[%swap3A_1907] {strides = array<i32>} : memref<1024xi32, #tpu.memory_space<vmem>>, vector<16xi32>,
        %swap3A_1909 = vector.shape_cast %swap3A_1908 : vector<16xi32> to vector<16xi32>
        %swap3A_1910 = vector.shape_cast %add3A_1906 : vector<16xi32> to vector<16xi32>
        tpu.vector_store %arg5[%swap3A_1907], %swap3A_1910 {strides = array<i32>} : memref<1024xi32, #tpu.memory_space<vmem>>, vector<16xi32>,
        %get3A_1911 = arith.constant 976 : index
        %get3A_1912 = tpu.vector_load %arg5[%get3A_1911] {strides = array<i32>} : memref<1024xi32, #tpu.memory_space<vmem>>, vector<16xi32>,
        %get3A_1913 = vector.shape_cast %get3A_1912 : vector<16xi32> to vector<16xi32>
        %add3A_1914 = arith.addi %get3A_1913, %broadcast_in_dim3A_1870 : vector<16xi32>
        %swap3A_1915 = arith.constant 976 : index
        %swap3A_1916 = tpu.vector_load %arg5[%swap3A_1915] {strides = array<i32>} : memref<1024xi32, #tpu.memory_space<vmem>>, vector<16xi32>,
        %swap3A_1917 = vector.shape_cast %swap3A_1916 : vector<16xi32> to vector<16xi32>
        %swap3A_1918 = vector.shape_cast %add3A_1914 : vector<16xi32> to vector<16xi32>
        tpu.vector_store %arg5[%swap3A_1915], %swap3A_1918 {strides = array<i32>} : memref<1024xi32, #tpu.memory_space<vmem>>, vector<16xi32>,
        %get3A_1919 = arith.constant 992 : index
        %get3A_1920 = tpu.vector_load %arg5[%get3A_1919] {strides = array<i32>} : memref<1024xi32, #tpu.memory_space<vmem>>, vector<16xi32>,
        %get3A_1921 = vector.shape_cast %get3A_1920 : vector<16xi32> to vector<16xi32>
        %add3A_1922 = arith.addi %get3A_1921, %broadcast_in_dim3A_1870 : vector<16xi32>
        %swap3A_1923 = arith.constant 992 : index
        %swap3A_1924 = tpu.vector_load %arg5[%swap3A_1923] {strides = array<i32>} : memref<1024xi32, #tpu.memory_space<vmem>>, vector<16xi32>,
        %swap3A_1925 = vector.shape_cast %swap3A_1924 : vector<16xi32> to vector<16xi32>
        %swap3A_1926 = vector.shape_cast %add3A_1922 : vector<16xi32> to vector<16xi32>
        tpu.vector_store %arg5[%swap3A_1923], %swap3A_1926 {strides = array<i32>} : memref<1024xi32, #tpu.memory_space<vmem>>, vector<16xi32>,
        %get3A_1927 = arith.constant 1008 : index
        %get3A_1928 = tpu.vector_load %arg5[%get3A_1927] {strides = array<i32>} : memref<1024xi32, #tpu.memory_space<vmem>>, vector<16xi32>,
        %get3A_1929 = vector.shape_cast %get3A_1928 : vector<16xi32> to vector<16xi32>
        %add3A_1930 = arith.addi %get3A_1929, %broadcast_in_dim3A_1870 : vector<16xi32>
        %swap3A_1931 = arith.constant 1008 : index
        %swap3A_1932 = tpu.vector_load %arg5[%swap3A_1931] {strides = array<i32>} : memref<1024xi32, #tpu.memory_space<vmem>>, vector<16xi32>,
        %swap3A_1933 = vector.shape_cast %swap3A_1932 : vector<16xi32> to vector<16xi32>
        %swap3A_1934 = vector.shape_cast %add3A_1930 : vector<16xi32> to vector<16xi32>
        tpu.vector_store %arg5[%swap3A_1931], %swap3A_1934 {strides = array<i32>} : memref<1024xi32, #tpu.memory_space<vmem>>, vector<16xi32>,
      } else {
      }
      %dma_wait3A_1247 = arith.constant 0 : i32
      %dma_wait3A_1248 = arith.constant 0 : i32
      %dma_wait3A_1249 = arith.constant 0 : i32
      %dma_wait3A_1250 = arith.constant 0 : i32
      %dma_wait3A_1251 = tpu.memref_slice %arg4[%dma_wait3A_1247, %dma_wait3A_1248, %dma_wait3A_1249, %dma_wait3A_1250] : memref<50x8x4096x32xf32, #tpu.memory_space<hbm>> -> memref<1x1x1024x32xf32, #tpu.memory_space<hbm>>
      %dma_wait3A_1252 = tpu.memref_squeeze %dma_wait3A_1251 : memref<1x1x1024x32xf32, #tpu.memory_space<hbm>> -> memref<1024x32xf32, #tpu.memory_space<hbm>>
      %dma_wait3A_1253 = arith.constant 0 : i32
      %dma_wait3A_1254 = arith.constant 0 : i32
      %dma_wait3A_1255 = tpu.memref_slice %arg4[%dma_wait3A_1247, %dma_wait3A_1248, %dma_wait3A_1253, %dma_wait3A_1254] : memref<50x8x4096x32xf32, #tpu.memory_space<hbm>> -> memref<1x1x1024x32xf32, #tpu.memory_space<hbm>>
      %dma_wait3A_1256 = tpu.memref_squeeze %dma_wait3A_1255 : memref<1x1x1024x32xf32, #tpu.memory_space<hbm>> -> memref<1024x32xf32, #tpu.memory_space<hbm>>
      tpu.wait_dma2 semaphore(%arg13 : memref<!tpu.dma_semaphore, #tpu.memory_space<semaphore_mem>>) src(%arg7 : memref<1024x32xf32, #tpu.memory_space<vmem>>) dst(%dma_wait3A_1256 : memref<1024x32xf32, #tpu.memory_space<hbm>>)
      %dma_wait3A_1257 = arith.constant 0 : i32
      %dma_wait3A_1258 = arith.constant 0 : i32
      %dma_wait3A_1259 = tpu.memref_slice %arg3[%dma_wait3A_1257, %dma_wait3A_1258] : memref<800000x32xf32, #tpu.memory_space<hbm>> -> memref<1024x32xf32, #tpu.memory_space<hbm>>
      %dma_wait3A_1260 = arith.constant 0 : i32
      %dma_wait3A_1261 = arith.constant 0 : i32
      %dma_wait3A_1262 = tpu.memref_slice %arg3[%dma_wait3A_1260, %dma_wait3A_1261] : memref<800000x32xf32, #tpu.memory_space<hbm>> -> memref<1024x32xf32, #tpu.memory_space<hbm>>
      tpu.wait_dma2 semaphore(%arg12 : memref<!tpu.dma_semaphore, #tpu.memory_space<semaphore_mem>>) src(%dma_wait3A_1262 : memref<1024x32xf32, #tpu.memory_space<hbm>>) dst(%arg8 : memref<1024x32xf32, #tpu.memory_space<vmem>>)
      %add3A_1263 = arith.constant 1 : i32
      %add3A_1264 = arith.addi %mul3A_566, %add3A_1263 : i32
      %mul3A_1265 = arith.constant 128 : i32
      %mul3A_1266 = arith.muli %add3A, %mul3A_1265 : i32
      %dma_start3A_1267 = arith.constant 0 : i32
      %dma_start3A_1268 = arith.constant 0 : i32
      %dma_start3A_1269 = arith.constant 0 : i32
      %dma_start3A_1270 = tpu.memref_slice %arg8[%dma_start3A_1268, %dma_start3A_1269] : memref<1024x32xf32, #tpu.memory_space<vmem>> -> memref<128x32xf32, #tpu.memory_space<vmem>>
      %dma_start3A_1271 = arith.constant 0 : i32
      %dma_start3A_1272 = tpu.memref_slice %arg4[%add3A_1264, %dma_start3A_1267, %mul3A_1266, %dma_start3A_1271] : memref<50x8x4096x32xf32, #tpu.memory_space<hbm>> -> memref<1x1x128x32xf32, #tpu.memory_space<hbm>>
      %dma_start3A_1273 = tpu.memref_squeeze %dma_start3A_1272 : memref<1x1x128x32xf32, #tpu.memory_space<hbm>> -> memref<128x32xf32, #tpu.memory_space<hbm>>
      %dma_start3A_1274 = arith.constant 0 : i32
      %dma_start3A_1275 = tpu.memref_slice %arg4[%add3A_1264, %dma_start3A_1267, %mul3A_1266, %dma_start3A_1274] : memref<50x8x4096x32xf32, #tpu.memory_space<hbm>> -> memref<1x1x128x32xf32, #tpu.memory_space<hbm>>
      %dma_start3A_1276 = tpu.memref_squeeze %dma_start3A_1275 : memref<1x1x128x32xf32, #tpu.memory_space<hbm>> -> memref<128x32xf32, #tpu.memory_space<hbm>>
      %dma_start3A_1277 = arith.constant 0 : i32
      %dma_start3A_1278 = arith.constant 0 : i32
      %dma_start3A_1279 = tpu.memref_slice %arg8[%dma_start3A_1277, %dma_start3A_1278] : memref<1024x32xf32, #tpu.memory_space<vmem>> -> memref<128x32xf32, #tpu.memory_space<vmem>>
      tpu.enqueue_dma source(%dma_start3A_1279 : memref<128x32xf32, #tpu.memory_space<vmem>>) target(%dma_start3A_1276 : memref<128x32xf32, #tpu.memory_space<hbm>>) target_semaphore(%arg14 : memref<!tpu.dma_semaphore, #tpu.memory_space<semaphore_mem>>)
      %mul3A_1280 = arith.constant 128 : i32
      %mul3A_1281 = arith.muli %add3A, %mul3A_1280 : i32
      %dma_start3A_1282 = arith.constant 1 : i32
      %dma_start3A_1283 = arith.constant 128 : i32
      %dma_start3A_1284 = arith.constant 0 : i32
      %dma_start3A_1285 = tpu.memref_slice %arg8[%dma_start3A_1283, %dma_start3A_1284] : memref<1024x32xf32, #tpu.memory_space<vmem>> -> memref<128x32xf32, #tpu.memory_space<vmem>>
      %dma_start3A_1286 = arith.constant 0 : i32
      %dma_start3A_1287 = tpu.memref_slice %arg4[%add3A_1264, %dma_start3A_1282, %mul3A_1281, %dma_start3A_1286] : memref<50x8x4096x32xf32, #tpu.memory_space<hbm>> -> memref<1x1x128x32xf32, #tpu.memory_space<hbm>>
      %dma_start3A_1288 = tpu.memref_squeeze %dma_start3A_1287 : memref<1x1x128x32xf32, #tpu.memory_space<hbm>> -> memref<128x32xf32, #tpu.memory_space<hbm>>
      %dma_start3A_1289 = arith.constant 0 : i32
      %dma_start3A_1290 = tpu.memref_slice %arg4[%add3A_1264, %dma_start3A_1282, %mul3A_1281, %dma_start3A_1289] : memref<50x8x4096x32xf32, #tpu.memory_space<hbm>> -> memref<1x1x128x32xf32, #tpu.memory_space<hbm>>
      %dma_start3A_1291 = tpu.memref_squeeze %dma_start3A_1290 : memref<1x1x128x32xf32, #tpu.memory_space<hbm>> -> memref<128x32xf32, #tpu.memory_space<hbm>>
      %dma_start3A_1292 = arith.constant 128 : i32
      %dma_start3A_1293 = arith.constant 0 : i32
      %dma_start3A_1294 = tpu.memref_slice %arg8[%dma_start3A_1292, %dma_start3A_1293] : memref<1024x32xf32, #tpu.memory_space<vmem>> -> memref<128x32xf32, #tpu.memory_space<vmem>>
      tpu.enqueue_dma source(%dma_start3A_1294 : memref<128x32xf32, #tpu.memory_space<vmem>>) target(%dma_start3A_1291 : memref<128x32xf32, #tpu.memory_space<hbm>>) target_semaphore(%arg14 : memref<!tpu.dma_semaphore, #tpu.memory_space<semaphore_mem>>)
      %mul3A_1295 = arith.constant 128 : i32
      %mul3A_1296 = arith.muli %add3A, %mul3A_1295 : i32
      %dma_start3A_1297 = arith.constant 2 : i32
      %dma_start3A_1298 = arith.constant 256 : i32
      %dma_start3A_1299 = arith.constant 0 : i32
      %dma_start3A_1300 = tpu.memref_slice %arg8[%dma_start3A_1298, %dma_start3A_1299] : memref<1024x32xf32, #tpu.memory_space<vmem>> -> memref<128x32xf32, #tpu.memory_space<vmem>>
      %dma_start3A_1301 = arith.constant 0 : i32
      %dma_start3A_1302 = tpu.memref_slice %arg4[%add3A_1264, %dma_start3A_1297, %mul3A_1296, %dma_start3A_1301] : memref<50x8x4096x32xf32, #tpu.memory_space<hbm>> -> memref<1x1x128x32xf32, #tpu.memory_space<hbm>>
      %dma_start3A_1303 = tpu.memref_squeeze %dma_start3A_1302 : memref<1x1x128x32xf32, #tpu.memory_space<hbm>> -> memref<128x32xf32, #tpu.memory_space<hbm>>
      %dma_start3A_1304 = arith.constant 0 : i32
      %dma_start3A_1305 = tpu.memref_slice %arg4[%add3A_1264, %dma_start3A_1297, %mul3A_1296, %dma_start3A_1304] : memref<50x8x4096x32xf32, #tpu.memory_space<hbm>> -> memref<1x1x128x32xf32, #tpu.memory_space<hbm>>
      %dma_start3A_1306 = tpu.memref_squeeze %dma_start3A_1305 : memref<1x1x128x32xf32, #tpu.memory_space<hbm>> -> memref<128x32xf32, #tpu.memory_space<hbm>>
      %dma_start3A_1307 = arith.constant 256 : i32
      %dma_start3A_1308 = arith.constant 0 : i32
      %dma_start3A_1309 = tpu.memref_slice %arg8[%dma_start3A_1307, %dma_start3A_1308] : memref<1024x32xf32, #tpu.memory_space<vmem>> -> memref<128x32xf32, #tpu.memory_space<vmem>>
      tpu.enqueue_dma source(%dma_start3A_1309 : memref<128x32xf32, #tpu.memory_space<vmem>>) target(%dma_start3A_1306 : memref<128x32xf32, #tpu.memory_space<hbm>>) target_semaphore(%arg14 : memref<!tpu.dma_semaphore, #tpu.memory_space<semaphore_mem>>)
      %mul3A_1310 = arith.constant 128 : i32
      %mul3A_1311 = arith.muli %add3A, %mul3A_1310 : i32
      %dma_start3A_1312 = arith.constant 3 : i32
      %dma_start3A_1313 = arith.constant 384 : i32
      %dma_start3A_1314 = arith.constant 0 : i32
      %dma_start3A_1315 = tpu.memref_slice %arg8[%dma_start3A_1313, %dma_start3A_1314] : memref<1024x32xf32, #tpu.memory_space<vmem>> -> memref<128x32xf32, #tpu.memory_space<vmem>>
      %dma_start3A_1316 = arith.constant 0 : i32
      %dma_start3A_1317 = tpu.memref_slice %arg4[%add3A_1264, %dma_start3A_1312, %mul3A_1311, %dma_start3A_1316] : memref<50x8x4096x32xf32, #tpu.memory_space<hbm>> -> memref<1x1x128x32xf32, #tpu.memory_space<hbm>>
      %dma_start3A_1318 = tpu.memref_squeeze %dma_start3A_1317 : memref<1x1x128x32xf32, #tpu.memory_space<hbm>> -> memref<128x32xf32, #tpu.memory_space<hbm>>
      %dma_start3A_1319 = arith.constant 0 : i32
      %dma_start3A_1320 = tpu.memref_slice %arg4[%add3A_1264, %dma_start3A_1312, %mul3A_1311, %dma_start3A_1319] : memref<50x8x4096x32xf32, #tpu.memory_space<hbm>> -> memref<1x1x128x32xf32, #tpu.memory_space<hbm>>
      %dma_start3A_1321 = tpu.memref_squeeze %dma_start3A_1320 : memref<1x1x128x32xf32, #tpu.memory_space<hbm>> -> memref<128x32xf32, #tpu.memory_space<hbm>>
      %dma_start3A_1322 = arith.constant 384 : i32
      %dma_start3A_1323 = arith.constant 0 : i32
      %dma_start3A_1324 = tpu.memref_slice %arg8[%dma_start3A_1322, %dma_start3A_1323] : memref<1024x32xf32, #tpu.memory_space<vmem>> -> memref<128x32xf32, #tpu.memory_space<vmem>>
      tpu.enqueue_dma source(%dma_start3A_1324 : memref<128x32xf32, #tpu.memory_space<vmem>>) target(%dma_start3A_1321 : memref<128x32xf32, #tpu.memory_space<hbm>>) target_semaphore(%arg14 : memref<!tpu.dma_semaphore, #tpu.memory_space<semaphore_mem>>)
      %mul3A_1325 = arith.constant 128 : i32
      %mul3A_1326 = arith.muli %add3A, %mul3A_1325 : i32
      %dma_start3A_1327 = arith.constant 4 : i32
      %dma_start3A_1328 = arith.constant 512 : i32
      %dma_start3A_1329 = arith.constant 0 : i32
      %dma_start3A_1330 = tpu.memref_slice %arg8[%dma_start3A_1328, %dma_start3A_1329] : memref<1024x32xf32, #tpu.memory_space<vmem>> -> memref<128x32xf32, #tpu.memory_space<vmem>>
      %dma_start3A_1331 = arith.constant 0 : i32
      %dma_start3A_1332 = tpu.memref_slice %arg4[%add3A_1264, %dma_start3A_1327, %mul3A_1326, %dma_start3A_1331] : memref<50x8x4096x32xf32, #tpu.memory_space<hbm>> -> memref<1x1x128x32xf32, #tpu.memory_space<hbm>>
      %dma_start3A_1333 = tpu.memref_squeeze %dma_start3A_1332 : memref<1x1x128x32xf32, #tpu.memory_space<hbm>> -> memref<128x32xf32, #tpu.memory_space<hbm>>
      %dma_start3A_1334 = arith.constant 0 : i32
      %dma_start3A_1335 = tpu.memref_slice %arg4[%add3A_1264, %dma_start3A_1327, %mul3A_1326, %dma_start3A_1334] : memref<50x8x4096x32xf32, #tpu.memory_space<hbm>> -> memref<1x1x128x32xf32, #tpu.memory_space<hbm>>
      %dma_start3A_1336 = tpu.memref_squeeze %dma_start3A_1335 : memref<1x1x128x32xf32, #tpu.memory_space<hbm>> -> memref<128x32xf32, #tpu.memory_space<hbm>>
      %dma_start3A_1337 = arith.constant 512 : i32
      %dma_start3A_1338 = arith.constant 0 : i32
      %dma_start3A_1339 = tpu.memref_slice %arg8[%dma_start3A_1337, %dma_start3A_1338] : memref<1024x32xf32, #tpu.memory_space<vmem>> -> memref<128x32xf32, #tpu.memory_space<vmem>>
      tpu.enqueue_dma source(%dma_start3A_1339 : memref<128x32xf32, #tpu.memory_space<vmem>>) target(%dma_start3A_1336 : memref<128x32xf32, #tpu.memory_space<hbm>>) target_semaphore(%arg14 : memref<!tpu.dma_semaphore, #tpu.memory_space<semaphore_mem>>)
      %mul3A_1340 = arith.constant 128 : i32
      %mul3A_1341 = arith.muli %add3A, %mul3A_1340 : i32
      %dma_start3A_1342 = arith.constant 5 : i32
      %dma_start3A_1343 = arith.constant 640 : i32
      %dma_start3A_1344 = arith.constant 0 : i32
      %dma_start3A_1345 = tpu.memref_slice %arg8[%dma_start3A_1343, %dma_start3A_1344] : memref<1024x32xf32, #tpu.memory_space<vmem>> -> memref<128x32xf32, #tpu.memory_space<vmem>>
      %dma_start3A_1346 = arith.constant 0 : i32
      %dma_start3A_1347 = tpu.memref_slice %arg4[%add3A_1264, %dma_start3A_1342, %mul3A_1341, %dma_start3A_1346] : memref<50x8x4096x32xf32, #tpu.memory_space<hbm>> -> memref<1x1x128x32xf32, #tpu.memory_space<hbm>>
      %dma_start3A_1348 = tpu.memref_squeeze %dma_start3A_1347 : memref<1x1x128x32xf32, #tpu.memory_space<hbm>> -> memref<128x32xf32, #tpu.memory_space<hbm>>
      %dma_start3A_1349 = arith.constant 0 : i32
      %dma_start3A_1350 = tpu.memref_slice %arg4[%add3A_1264, %dma_start3A_1342, %mul3A_1341, %dma_start3A_1349] : memref<50x8x4096x32xf32, #tpu.memory_space<hbm>> -> memref<1x1x128x32xf32, #tpu.memory_space<hbm>>
      %dma_start3A_1351 = tpu.memref_squeeze %dma_start3A_1350 : memref<1x1x128x32xf32, #tpu.memory_space<hbm>> -> memref<128x32xf32, #tpu.memory_space<hbm>>
      %dma_start3A_1352 = arith.constant 640 : i32
      %dma_start3A_1353 = arith.constant 0 : i32
      %dma_start3A_1354 = tpu.memref_slice %arg8[%dma_start3A_1352, %dma_start3A_1353] : memref<1024x32xf32, #tpu.memory_space<vmem>> -> memref<128x32xf32, #tpu.memory_space<vmem>>
      tpu.enqueue_dma source(%dma_start3A_1354 : memref<128x32xf32, #tpu.memory_space<vmem>>) target(%dma_start3A_1351 : memref<128x32xf32, #tpu.memory_space<hbm>>) target_semaphore(%arg14 : memref<!tpu.dma_semaphore, #tpu.memory_space<semaphore_mem>>)
      %mul3A_1355 = arith.constant 128 : i32
      %mul3A_1356 = arith.muli %add3A, %mul3A_1355 : i32
      %dma_start3A_1357 = arith.constant 6 : i32
      %dma_start3A_1358 = arith.constant 768 : i32
      %dma_start3A_1359 = arith.constant 0 : i32
      %dma_start3A_1360 = tpu.memref_slice %arg8[%dma_start3A_1358, %dma_start3A_1359] : memref<1024x32xf32, #tpu.memory_space<vmem>> -> memref<128x32xf32, #tpu.memory_space<vmem>>
      %dma_start3A_1361 = arith.constant 0 : i32
      %dma_start3A_1362 = tpu.memref_slice %arg4[%add3A_1264, %dma_start3A_1357, %mul3A_1356, %dma_start3A_1361] : memref<50x8x4096x32xf32, #tpu.memory_space<hbm>> -> memref<1x1x128x32xf32, #tpu.memory_space<hbm>>
      %dma_start3A_1363 = tpu.memref_squeeze %dma_start3A_1362 : memref<1x1x128x32xf32, #tpu.memory_space<hbm>> -> memref<128x32xf32, #tpu.memory_space<hbm>>
      %dma_start3A_1364 = arith.constant 0 : i32
      %dma_start3A_1365 = tpu.memref_slice %arg4[%add3A_1264, %dma_start3A_1357, %mul3A_1356, %dma_start3A_1364] : memref<50x8x4096x32xf32, #tpu.memory_space<hbm>> -> memref<1x1x128x32xf32, #tpu.memory_space<hbm>>
      %dma_start3A_1366 = tpu.memref_squeeze %dma_start3A_1365 : memref<1x1x128x32xf32, #tpu.memory_space<hbm>> -> memref<128x32xf32, #tpu.memory_space<hbm>>
      %dma_start3A_1367 = arith.constant 768 : i32
      %dma_start3A_1368 = arith.constant 0 : i32
      %dma_start3A_1369 = tpu.memref_slice %arg8[%dma_start3A_1367, %dma_start3A_1368] : memref<1024x32xf32, #tpu.memory_space<vmem>> -> memref<128x32xf32, #tpu.memory_space<vmem>>
      tpu.enqueue_dma source(%dma_start3A_1369 : memref<128x32xf32, #tpu.memory_space<vmem>>) target(%dma_start3A_1366 : memref<128x32xf32, #tpu.memory_space<hbm>>) target_semaphore(%arg14 : memref<!tpu.dma_semaphore, #tpu.memory_space<semaphore_mem>>)
      %mul3A_1370 = arith.constant 128 : i32
      %mul3A_1371 = arith.muli %add3A, %mul3A_1370 : i32
      %dma_start3A_1372 = arith.constant 7 : i32
      %dma_start3A_1373 = arith.constant 896 : i32
      %dma_start3A_1374 = arith.constant 0 : i32
      %dma_start3A_1375 = tpu.memref_slice %arg8[%dma_start3A_1373, %dma_start3A_1374] : memref<1024x32xf32, #tpu.memory_space<vmem>> -> memref<128x32xf32, #tpu.memory_space<vmem>>
      %dma_start3A_1376 = arith.constant 0 : i32
      %dma_start3A_1377 = tpu.memref_slice %arg4[%add3A_1264, %dma_start3A_1372, %mul3A_1371, %dma_start3A_1376] : memref<50x8x4096x32xf32, #tpu.memory_space<hbm>> -> memref<1x1x128x32xf32, #tpu.memory_space<hbm>>
      %dma_start3A_1378 = tpu.memref_squeeze %dma_start3A_1377 : memref<1x1x128x32xf32, #tpu.memory_space<hbm>> -> memref<128x32xf32, #tpu.memory_space<hbm>>
      %dma_start3A_1379 = arith.constant 0 : i32
      %dma_start3A_1380 = tpu.memref_slice %arg4[%add3A_1264, %dma_start3A_1372, %mul3A_1371, %dma_start3A_1379] : memref<50x8x4096x32xf32, #tpu.memory_space<hbm>> -> memref<1x1x128x32xf32, #tpu.memory_space<hbm>>
      %dma_start3A_1381 = tpu.memref_squeeze %dma_start3A_1380 : memref<1x1x128x32xf32, #tpu.memory_space<hbm>> -> memref<128x32xf32, #tpu.memory_space<hbm>>
      %dma_start3A_1382 = arith.constant 896 : i32
      %dma_start3A_1383 = arith.constant 0 : i32
      %dma_start3A_1384 = tpu.memref_slice %arg8[%dma_start3A_1382, %dma_start3A_1383] : memref<1024x32xf32, #tpu.memory_space<vmem>> -> memref<128x32xf32, #tpu.memory_space<vmem>>
      tpu.enqueue_dma source(%dma_start3A_1384 : memref<128x32xf32, #tpu.memory_space<vmem>>) target(%dma_start3A_1381 : memref<128x32xf32, #tpu.memory_space<hbm>>) target_semaphore(%arg14 : memref<!tpu.dma_semaphore, #tpu.memory_space<semaphore_mem>>)
      %add3A_1385 = arith.constant 2 : i32
      %add3A_1386 = arith.addi %mul3A_566, %add3A_1385 : i32
      %lt3A_1387 = arith.constant 50 : i32
      %lt3A_1388 = arith.cmpi slt, %add3A_1386, %lt3A_1387 : i32
      %convert_element_type3A_1389 = arith.extui %lt3A_1388 : i1 to i32
      %cond3A_1390 = arith.constant 0 : i32
      %cond3A_1391 = arith.cmpi ne, %convert_element_type3A_1389, %cond3A_1390 : i32
      scf.if %cond3A_1391 {
        %dma_start3A_1399 = arith.constant 0 : i32
        %dma_start3A_1400 = arith.constant 0 : i32
        %dma_start3A_1401 = tpu.memref_slice %arg3[%dma_start3A_1399, %dma_start3A_1400] : memref<800000x32xf32, #tpu.memory_space<hbm>> -> memref<800000x32xf32, #tpu.memory_space<hbm>>
        tpu.enqueue_indirect_dma source(%dma_start3A_1401 : memref<800000x32xf32, #tpu.memory_space<hbm>>) target(%arg7 : memref<1024x32xf32, #tpu.memory_space<vmem>>) offsets(%arg5 : memref<1024xi32, #tpu.memory_space<vmem>>) semaphore(%arg11 : memref<!tpu.dma_semaphore, #tpu.memory_space<semaphore_mem>>)
      } else {
      }
      %add3A_1392 = arith.constant 3 : i32
      %add3A_1393 = arith.addi %mul3A_566, %add3A_1392 : i32
      %lt3A_1394 = arith.constant 50 : i32
      %lt3A_1395 = arith.cmpi slt, %add3A_1393, %lt3A_1394 : i32
      %convert_element_type3A_1396 = arith.extui %lt3A_1395 : i1 to i32
      %cond3A_1397 = arith.constant 0 : i32
      %cond3A_1398 = arith.cmpi ne, %convert_element_type3A_1396, %cond3A_1397 : i32
      scf.if %cond3A_1398 {
        %add3A_1399 = arith.constant 3 : i32
        %add3A_1400 = arith.addi %mul3A_566, %add3A_1399 : i32
        %dma_start3A_1401 = arith.constant 0 : i32
        %dma_start3A_1402 = tpu.memref_slice %arg2[%add3A_1400, %add3A, %dma_start3A_1401] : memref<50x32x1024xi32, #tpu.memory_space<hbm>> -> memref<1x1x1024xi32, #tpu.memory_space<hbm>>
        %dma_start3A_1403 = tpu.memref_squeeze %dma_start3A_1402 : memref<1x1x1024xi32, #tpu.memory_space<hbm>> -> memref<1024xi32, #tpu.memory_space<hbm>>
        %dma_start3A_1404 = arith.constant 0 : i32
        %dma_start3A_1405 = tpu.memref_slice %arg2[%add3A_1400, %add3A, %dma_start3A_1404] : memref<50x32x1024xi32, #tpu.memory_space<hbm>> -> memref<1x1x1024xi32, #tpu.memory_space<hbm>>
        %dma_start3A_1406 = tpu.memref_squeeze %dma_start3A_1405 : memref<1x1x1024xi32, #tpu.memory_space<hbm>> -> memref<1024xi32, #tpu.memory_space<hbm>>
        tpu.enqueue_dma source(%dma_start3A_1406 : memref<1024xi32, #tpu.memory_space<hbm>>) target(%arg6 : memref<1024xi32, #tpu.memory_space<vmem>>) target_semaphore(%arg10 : memref<!tpu.dma_semaphore, #tpu.memory_space<semaphore_mem>>)
      } else {
      }
    }
    %scan3A_553 = arith.constant 25 : i32
    %dma_wait3A_554 = arith.constant 0 : i32
    %dma_wait3A_555 = arith.constant 0 : i32
    %dma_wait3A_556 = arith.constant 0 : i32
    %dma_wait3A_557 = arith.constant 0 : i32
    %dma_wait3A_558 = tpu.memref_slice %arg4[%dma_wait3A_554, %dma_wait3A_555, %dma_wait3A_556, %dma_wait3A_557] : memref<50x8x4096x32xf32, #tpu.memory_space<hbm>> -> memref<1x1x1024x32xf32, #tpu.memory_space<hbm>>
    %dma_wait3A_559 = tpu.memref_squeeze %dma_wait3A_558 : memref<1x1x1024x32xf32, #tpu.memory_space<hbm>> -> memref<1024x32xf32, #tpu.memory_space<hbm>>
    %dma_wait3A_560 = arith.constant 0 : i32
    %dma_wait3A_561 = arith.constant 0 : i32
    %dma_wait3A_562 = tpu.memref_slice %arg4[%dma_wait3A_554, %dma_wait3A_555, %dma_wait3A_560, %dma_wait3A_561] : memref<50x8x4096x32xf32, #tpu.memory_space<hbm>> -> memref<1x1x1024x32xf32, #tpu.memory_space<hbm>>
    %dma_wait3A_563 = tpu.memref_squeeze %dma_wait3A_562 : memref<1x1x1024x32xf32, #tpu.memory_space<hbm>> -> memref<1024x32xf32, #tpu.memory_space<hbm>>
    tpu.wait_dma2 semaphore(%arg14 : memref<!tpu.dma_semaphore, #tpu.memory_space<semaphore_mem>>) src(%arg8 : memref<1024x32xf32, #tpu.memory_space<vmem>>) dst(%dma_wait3A_563 : memref<1024x32xf32, #tpu.memory_space<hbm>>)
    return
  }
}

module attributes {stable_mosaic.version = 14 : i64} {
  func.func @body(%arg0: i32, %arg1: memref<32x3200xf32, #tpu.memory_space<vmem>>, %arg2: memref<800x128xf32, #tpu.memory_space<vmem>>) attributes {dimension_semantics = [#tpu.dimension_semantics<arbitrary>], iteration_bounds = array<i64: 250>, scalar_prefetch = 0 : i64, scratch_operands = 0 : i64, tpu.core_type = #tpu.core_type<tc>, window_params = [{transform_indices = @transform_0, window_bounds = array<i64: 32, 3200>}, {transform_indices = @transform_1, window_bounds = array<i64: 800, 128>}]} {
    %get3A = arith.constant 0 : index
    %get3A_0 = arith.constant 0 : index
    %get3A_1 = vector.load %arg1[%get3A, %get3A_0] : memref<32x3200xf32, #tpu.memory_space<vmem>>, vector<32x3200xf32>
    %transpose3A = tpu.transpose %get3A_1, [1, 0] : vector<32x3200xf32> -> vector<3200x32xf32>
    %reshape3A = vector.shape_cast %transpose3A : vector<3200x32xf32> to vector<800x4x32xf32>
    %slice3A = vector.extract_strided_slice %reshape3A {offsets = [0, 0, 0], sizes = [800, 1, 32], strides = [1, 1, 1]} : vector<800x4x32xf32> to vector<800x1x32xf32>
    %squeeze3A = vector.shape_cast %slice3A : vector<800x1x32xf32> to vector<800x32xf32>
    %swap3A = arith.constant 0 : index
    %swap3A_2 = arith.constant 0 : index
    %swap3A_3 = vector.load %arg2[%swap3A, %swap3A_2] : memref<800x128xf32, #tpu.memory_space<vmem>>, vector<800x32xf32>
    tpu.vector_store %arg2[%swap3A, %swap3A_2], %squeeze3A {strides = array<i32>} : memref<800x128xf32, #tpu.memory_space<vmem>>, vector<800x32xf32>,
    %slice3A_4 = vector.extract_strided_slice %reshape3A {offsets = [0, 1, 0], sizes = [800, 1, 32], strides = [1, 1, 1]} : vector<800x4x32xf32> to vector<800x1x32xf32>
    %squeeze3A_5 = vector.shape_cast %slice3A_4 : vector<800x1x32xf32> to vector<800x32xf32>
    %swap3A_6 = arith.constant 0 : index
    %swap3A_7 = arith.constant 32 : index
    %swap3A_8 = vector.load %arg2[%swap3A_6, %swap3A_7] : memref<800x128xf32, #tpu.memory_space<vmem>>, vector<800x32xf32>
    tpu.vector_store %arg2[%swap3A_6, %swap3A_7], %squeeze3A_5 {strides = array<i32>} : memref<800x128xf32, #tpu.memory_space<vmem>>, vector<800x32xf32>,
    %slice3A_9 = vector.extract_strided_slice %reshape3A {offsets = [0, 2, 0], sizes = [800, 1, 32], strides = [1, 1, 1]} : vector<800x4x32xf32> to vector<800x1x32xf32>
    %squeeze3A_10 = vector.shape_cast %slice3A_9 : vector<800x1x32xf32> to vector<800x32xf32>
    %swap3A_11 = arith.constant 0 : index
    %swap3A_12 = arith.constant 64 : index
    %swap3A_13 = vector.load %arg2[%swap3A_11, %swap3A_12] : memref<800x128xf32, #tpu.memory_space<vmem>>, vector<800x32xf32>
    tpu.vector_store %arg2[%swap3A_11, %swap3A_12], %squeeze3A_10 {strides = array<i32>} : memref<800x128xf32, #tpu.memory_space<vmem>>, vector<800x32xf32>,
    %slice3A_14 = vector.extract_strided_slice %reshape3A {offsets = [0, 3, 0], sizes = [800, 1, 32], strides = [1, 1, 1]} : vector<800x4x32xf32> to vector<800x1x32xf32>
    %squeeze3A_15 = vector.shape_cast %slice3A_14 : vector<800x1x32xf32> to vector<800x32xf32>
    %swap3A_16 = arith.constant 0 : index
    %swap3A_17 = arith.constant 96 : index
    %swap3A_18 = vector.load %arg2[%swap3A_16, %swap3A_17] : memref<800x128xf32, #tpu.memory_space<vmem>>, vector<800x32xf32>
    tpu.vector_store %arg2[%swap3A_16, %swap3A_17], %squeeze3A_15 {strides = array<i32>} : memref<800x128xf32, #tpu.memory_space<vmem>>, vector<800x32xf32>,
    return
  }
  func.func @transform_0(%arg0: i32) -> (i32, i32) {
    %c0_i32 = arith.constant 0 : i32
    %c0_i32_0 = arith.constant 0 : i32
    return %c0_i32, %arg0 : i32, i32
  }
  func.func @transform_1(%arg0: i32) -> (i32, i32) {
    %c0_i32 = arith.constant 0 : i32
    %c0_i32_0 = arith.constant 0 : i32
    return %arg0, %c0_i32 : i32, i32
  }
}

</mosaic_0001>

<sc_bundles>
// kernel: kernel.4.cloned.1.call-start
scs
__scs_entry_jumppad:
0x0: {  	(pc) =	sbr.rel $0x88, $3  }
0x1: {  	(tag) =	ssettag $0x0;
	lr =	simm.s32 $0x1  }
0x2: {  	[smem:$0x3F9F] =	sst lr;
	_ =	strace $0xD0000000  }
0x3: {  	_ = 	snop  }
0x4: {  	_ = 	snop  }
0x5: {  	_ = 	snop  }
0x6: {  	_ = 	snop  }
0x7: {  	_ = 	snop  }
__scs_overlays_trampoline_lowered:
0x8: {  	[smem:$0x3FAE] =	sst s0  }
0x9: {  	[smem:$0x3FAF] =	sst s1  }
0xa: {  	[smem:$0x3FB0] =	sst s2  }
0xb: {  	[smem:$0x3FB1] =	sst s3  }
0xc: {  	[smem:$0x3FB2] =	sst s4  }
0xd: {  	[smem:$0x3FB3] =	sst s5  }
0xe: {  	[smem:$0x3FB4] =	sst s6  }
0xf: {  	[smem:$0x3FB5] =	sst s7  }
0x10: {  	[smem:$0x3FB6] =	sst s8  }
0x11: {  	[smem:$0x3FB7] =	sst s9;
	s0 =	simm.s32 @!p0 $0x0  }
0x12: {  	s1 =	sld [smem:$0x3F9D];
	s0 =	simm.s32 @p0 $0x1  }
0x13: {  	[smem:$0x3FB8] =	sst s0;
	s0 =	simm.s32 @!p1 $0x0  }
0x14: {  	s2 =	sld [smem:$0x3F9C];
	s0 =	simm.s32 @p1 $0x1  }
0x15: {  	[smem:$0x3FB9] =	sst s0;
	s0 =	simm.s32 @!p2 $0x0  }
0x16: {  	s3 =	sld [smem:$0x3FDB];
	s0 =	simm.s32 @p2 $0x1  }
0x17: {  	s4 =	simm.s32 $0x1BF5;
	[smem:$0x3FBB] =	sst s0  }
0x18: {  	s0 =	sld [smem:$0x3F9E];
	_ =	swait.ge [sflag:s4], $0x0  }
0x19: {  	s7 =	sld [smem:$0x3F9F]  }
0x1a: {  	s8 =	sadd.s32 $0xFFFFE003, lr  }
0x1b: {  	s9 =	sadd.s32 $0xFFFFFEF7, lr;
	s5 =	simm.s32 $0xFFFFFFFF;
	p2 =	slt.u32 s8, $0xFFFFF086  }
0x1c: {  	p1 =	slt.u32 s9, $0xF7A;
	s5 =	simm.s32 @!p2 $0x0  }
0x1d: {  	s5 =	simm.s32 @p1 $0x1;
	p0 =	seq.s32 s7, s2  }
0x1e: {  	s7 =	smul.u32 @!p0 $0xF7A, s2;
	p2 =	seq.s32 @!p0 s5, $0x0  }
0x1f: {  	s9 =	smul.u32 $0xF7A, s1;
	s8 =	simm.s32 @!p0 $0x1BF5;
	p2 =	por !p2, p0  }
0x20: {  	[sflag:s8] =	ssyncset.s32 @!p0 $0xFFFFF086;
	s6 =	sadd.s32 @!p0 s3, s7;
	s7 =	simm.s32 @!p0 $0x108  }
0x21: {  	s3 =	sadd.s32 s3, s9;
	s6 =	sadd.s32 @!p0 $0x88, s6;
	s7 =	simm.s32 @p2 $0x1082  }
0x22: {  	[simem:s7], [sflag:s8] =	dma.local @!p0 [hbm:s6], $0xF7A  }
0x23: {  	s9 =	sor.u32 $0xD0000000, s2;
	s6 =	simm.s32 $0x108;
	_ =	swait.ge @!p0 [sflag:s8], $0x0  }
0x24: {  	s3 =	sadd.s32 $0x88, s3;
	s6 =	simm.s32 @!p1 $0x1082;
	[sflag:s4] =	ssyncset.s32 $0xFFFFF086  }
0x25: {  	[simem:s6], [sflag:s4] =	dma.local [hbm:s3], $0xF7A  }
0x26: {  	[smem:$0x3F9F] =	sst s1;
	(tag) =	ssettag s2;
	_ =	strace s9  }
0x27: {  	s1 =	sld [smem:$0x3FAF]  }
0x28: {  	s2 =	sld [smem:$0x3FB0]  }
0x29: {  	s4 =	sld [smem:$0x3FB2]  }
0x2a: {  	p0 =	seq.s32 s5, $0x0;
	s5 =	sld [smem:$0x3FB3]  }
0x2b: {  	s6 =	sld [smem:$0x3FB4]  }
0x2c: {  	s7 =	sld [smem:$0x3FB5]  }
0x2d: {  	s3 =	simm.s32 $0x108;
	s8 =	sld [smem:$0x3FB6]  }
0x2e: {  	s3 =	simm.s32 @!p0 $0x1082;
	s9 =	sld [smem:$0x3FB7]  }
0x2f: {  	lr =	sadd.s32 s0, s3;
	s0 =	sld [smem:$0x3FAE]  }
0x30: {  	s3 =	sld [smem:$0x3FB1]  }
0x31: {  	[smem:$0x3FBA] =	sst s10  }
0x32: {  	s10 =	sld [smem:$0x3FB8];
	_ =	sdelay $0x3  }
0x33: {  	p0 =	seq.s32 s10, $0x1;
	s10 =	sld [smem:$0x3FBA];
	_ =	sdelay $0x3  }
0x34: {  	[smem:$0x3FBA] =	sst s10  }
0x35: {  	s10 =	sld [smem:$0x3FB9];
	_ =	sdelay $0x3  }
0x36: {  	p1 =	seq.s32 s10, $0x1;
	s10 =	sld [smem:$0x3FBA];
	_ =	sdelay $0x3  }
0x37: {  	[smem:$0x3FBA] =	sst s10  }
0x38: {  	s10 =	sld [smem:$0x3FBB]  }
0x39: {  	_ = 	snop;
	(pc) =	sbr.ind lr, $3  }
0x3a: {  	_ = 	snop  }
0x3b: {  	_ = 	snop  }
0x3c: {  	p2 =	seq.s32 s10, $0x1;
	s10 =	sld [smem:$0x3FBA]  }
0x3d: {  	_ =	shalt  }
0x3e: {  	_ =	shalt  }
0x3f: {  	_ =	shalt  }
0x40: {  	_ =	shalt  }
0x41: {  	_ =	shalt  }
0x42: {  	_ =	shalt  }
0x43: {  	_ =	shalt  }
0x44: {  	_ =	shalt  }
0x45: {  	_ =	shalt  }
0x46: {  	_ =	shalt  }
0x47: {  	_ =	shalt  }
0x48: {  	_ =	shalt  }
0x49: {  	_ =	shalt  }
0x4a: {  	_ =	shalt  }
0x4b: {  	_ =	shalt  }
0x4c: {  	_ =	shalt  }
0x4d: {  	_ =	shalt  }
0x4e: {  	_ =	shalt  }
0x4f: {  	_ =	shalt  }
0x50: {  	_ =	shalt  }
0x51: {  	_ =	shalt  }
0x52: {  	_ =	shalt  }
0x53: {  	_ =	shalt  }
0x54: {  	_ =	shalt  }
0x55: {  	_ =	shalt  }
0x56: {  	_ =	shalt  }
0x57: {  	_ =	shalt  }
0x58: {  	_ =	shalt  }
0x59: {  	_ =	shalt  }
0x5a: {  	_ =	shalt  }
0x5b: {  	_ =	shalt  }
0x5c: {  	_ =	shalt  }
0x5d: {  	_ =	shalt  }
0x5e: {  	_ =	shalt  }
0x5f: {  	_ =	shalt  }
0x60: {  	_ =	shalt  }
0x61: {  	_ =	shalt  }
0x62: {  	_ =	shalt  }
0x63: {  	_ =	shalt  }
0x64: {  	_ =	shalt  }
0x65: {  	_ =	shalt  }
0x66: {  	_ =	shalt  }
0x67: {  	_ =	shalt  }
0x68: {  	_ =	shalt  }
0x69: {  	_ =	shalt  }
0x6a: {  	_ =	shalt  }
0x6b: {  	_ =	shalt  }
0x6c: {  	_ =	shalt  }
0x6d: {  	_ =	shalt  }
0x6e: {  	_ =	shalt  }
0x6f: {  	_ =	shalt  }
0x70: {  	_ =	shalt  }
0x71: {  	_ =	shalt  }
0x72: {  	_ =	shalt  }
0x73: {  	_ =	shalt  }
0x74: {  	_ =	shalt  }
0x75: {  	_ =	shalt  }
0x76: {  	_ =	shalt  }
0x77: {  	_ =	shalt  }
0x78: {  	_ =	shalt  }
0x79: {  	_ =	shalt  }
0x7a: {  	_ =	shalt  }
0x7b: {  	_ =	shalt  }
0x7c: {  	_ =	shalt  }
0x7d: {  	_ =	shalt  }
0x7e: {  	_ =	shalt  }
0x7f: {  	_ =	shalt  }
0x80: {  	_ =	shalt  }
0x81: {  	_ =	shalt  }
0x82: {  	_ =	shalt  }
0x83: {  	_ =	shalt  }
0x84: {  	_ =	shalt  }
0x85: {  	_ =	shalt  }
0x86: {  	_ =	shalt  }
0x87: {  	_ =	shalt  }
.Lfunc_end0:
.L_simem_size_0:
called_computation_lowered:
.L_overlay_start_0:
0x88: {  	s2 =	sld [smem:$0x3FD9]  }
0x89: {  	s3 =	sld [smem:$0x3FFE];
	_ =	sdelay $0x1  }
0x8a: {  	s1 =	srdreg.scid  }
0x8b: {  	s0 =	sand.u32 $0x1, s1  }
0x8c: {  	s17 =	sshll.u32 s0, $0xA;
	s2 =	sadd.s32 s3, s2  }
0x8d: {  	s2 =	sadd.s32 s2, s17  }
0x8e: {  	[smem:$0x3FC6] =	sst s2  }
0x8f: {  	_ = 	snop  }
0x90: {  	s2 =	sld [smem:$0x3FC9]  }
0x91: {  	s18 =	sld [smem:$0x3FD0];
	(tm) =	ssettm $0x1  }
0x92: {  	s4 =	sld [smem:$0x3FFB];
	_ =	sdelay $0x3  }
0x93: {  	_ =	strace s4  }
0x94: {  	s4 =	sld [smem:$0x3FFC];
	_ =	sdelay $0x3  }
0x95: {  	_ =	strace s4  }
0x96: {  	s4 =	sld [smem:$0x3FFD];
	_ =	sdelay $0x3  }
0x97: {  	_ =	strace s4  }
0x98: {  	_ =	strace $0x8FFFFFFF  }
0x99: {  	s19 =	sld [smem:$0x3FDB];
	_ =	sdelay $0x1  }
0x9a: {  	s5 =	simm.s32 $_scs_section_size  }
0x9b: {  	s6 =	simm.s32 $_size__tile_overlayer_lowered;
	s7 =	simm.s32 $_tile_overlayer_lowered  }
0x9c: {  	s22 =	simm.s32 $0x1BFF;
	s21 =	sshll.u32 s7, $0x1;
	s4 =	sadd.s32 s5, s19  }
0x9d: {  	s8 =	simm.s32 $0x0;
	s20 =	sshll.u32 s6, $0x1;
	s6 =	sadd.s32 s21, s4  }
0x9e: {  	[timem:s8], [sflag:s22] =	dma.local [hbm:s6], s20  }
0x9f: {  	_ =	swait.ge [sflag:s22], s20  }
0xa0: {  	s5 =	ssub.s32 $0x0, s20;
	[sflag:s22] =	ssyncset.done $0x0  }
0xa1: {  	[sflag:s22] =	ssyncadd.s32 s5;
	_ =	sdelay $0x1  }
0xa2: {  	s23 =	simm.s32 $0x1B8B  }
0xa3: {  	_ =	swait.ge [sflag:s23], $0x1  }
0xa4: {  	[sflag:s23] =	ssyncset.done $0x0  }
0xa5: {  	s25 =	simm.s32 $0x1B8E;
	s24 =	sld [smem:$0x3FFE];
	[sflag:s23] =	ssyncadd.s32 $0xFFFFFFFF  }
0xa6: {  	s26 =	simm.s32 $execute0_lowered;
	[smem:$0x3FD2] =	sst s25  }
0xa7: {  	s6 =	sshll.u32 s26, $0x1;
	_ =	strace $0x80000046;
	[dreg:$0x1] =	wrdreg $0xFFFFFFFF  }
0xa8: {  	s28 =	simm.s32 $_size_execute0_lowered;
	s4 =	sadd.s32 s4, s6;
	[dreg:$0x0] =	wrdreg $0x0  }
0xa9: {  	s6 =	sshll.u32 s28, $0x1;
	[dreg:$0x2] =	wrdreg s4  }
0xaa: {  	[dreg:$0x3] =	wrdreg s6  }
0xab: {  	[dreg:$0x4] =	wrdreg $0xC0  }
0xac: {  	_ =	task [dreg:s8], $0x5FFFF  }
0xad: {  	[dreg:$0x1] =	wrdreg $0xFFFFFFFF  }
0xae: {  	[dreg:$0x0] =	wrdreg $0x60  }
0xaf: {  	[dreg:$0x2] =	wrdreg s2  }
0xb0: {  	[dreg:$0x3] =	wrdreg s18  }
0xb1: {  	[dreg:$0x4] =	wrdreg s24  }
0xb2: {  	[dreg:$0x5] =	wrdreg $0x9  }
0xb3: {  	_ =	task.clear_ibuf [dreg:s8], $0x6FFFF;
	_ =	strace $0x90000046  }
0xb4: {  	s29 =	simm.s32 $0x9;
	_ =	strace $0x80000048  }
0xb5: {  	_ =	swait.ge [sflag:s29], $0x1  }
0xb6: {  	[sflag:s29] =	ssyncadd.s32 $0xFFFFFFFF  }
0xb7: {  	_ =	strace $0x90000048  }
0xb8: {  	_ =	sfence  }
0xb9: {  	s30 =	sld [smem:$0x0];
	_ =	sdelay $0x2  }
0xba: {  	s31 =	sshll.u32 s1, $0xD;
	s1 =	sshrl.u32 s1, $0x2  }
0xbb: {  	s3 =	sand.u32 $0x4000, s31;
	s1 =	sadd.s32 s1, s30  }
0xbc: {  	s0 =	sor.u32 s3, s0;
	s1 =	sshll.u32 s1, $0x11  }
0xbd: {  	s0 =	sor.u32 s1, s0  }
0xbe: {  	s0 =	sadd.s32 $0x8F2B, s0  }
0xbf: {  	[sflag:s0] =	ssyncadd.remote.s32 $0x1  }
0xc0: {  	_ =	sfence.sel $0xFFFF  }
0xc1: {  	[dreg:$0x0] =	wrdreg $0xFFFFFFFF;
	(pc) =	sbr.abs _section_cstart, $3  }
0xc2: {  	[dreg:$0x1] =	wrdreg $0xFFFFFFFF  }
0xc3: {  	_ =	task.clear_ibuf [dreg:s8], $0x2FFFF;
	_ =	strace $0x9FFFFFFF  }
0xc4: {  	(tm) =	ssettm $0x7FFFFFFF  }
0xc5: {  	_ =	shalt  }
tec
execute0_lowered:
.L_overlay_start_1:
0x0: {  	(tag) =	ssettag $0x1  }
0x1: {  	s1 =	rddreg [dreg:$0x0]  }
0x2: {  	s3 =	rddreg [dreg:$0x1]  }
0x3: {  	s0 =	rddreg [dreg:$0x2];
	s4 =	simm.s32 $0x0;
	s9 =	stileid.u32  }
0x4: {  	s2 =	srdreg.scid;
	s11 =	simm.s32 $0x1;
	s12 =	simm.s32 $0x400  }
0x5: {  	s13 =	simm.s32 $0x800;
	s14 =	simm.s32 $0x2;
	s15 =	simm.s32 $0x3  }
0x6: {  	s16 =	simm.s32 $0x1800;
	s17 =	simm.s32 $0x2800;
	s18 =	simm.s32 $0x3800  }
0x7: {  	s28 =	simm.s32 $0xA800;
	s29 =	simm.s32 $0xB800;
	s30 =	simm.s32 $0xC800  }
0x8: {  	s31 =	simm.s32 $0xD800;
	[smem:$0x7FF] =	sst s4;
	s5 =	sshll.u32 s9, $0xA  }
0x9: {  	s2 =	sand.u32 $0x1, s2;
	s7 =	sshll.u32 s9, $0x8;
	s20 =	sshll.u32 s9, $0xB  }
0xa: {  	_ =	strace $0x80000047;
	s0 =	sadd.s32 s5, s0;
	s19 =	ssub.s32 $0x2, s2  }
0xb: {  	s8 =	sshll.u32 s2, $0x7;
	s21 =	sshll.u32 s2, $0xA;
	s2 =	sshll.u32 s2, $0x9  }
0xc: {  	s6 =	sshrl.u32 s19, $0x1;
	s7 =	sor.u32 s8, s7;
	s22 =	sor.u32 s21, s20  }
0xd: {  	s0 =	sadd.s32 s2, s0;
	s20 =	simm.s32 $0x5800;
	s21 =	simm.s32 $0x6800  }
0xe: {  	s2 =	simm.s32 $0xF800;
	s5 =	ssub.s32 s19, s6;
	s7 =	sadd.s32 s1, s7  }
0xf: {  	s23 =	sor.u32 $0x18000, s22;
	s8 =	sadd.s32 $0x400, s0;
	s26 =	sor.u32 $0x10000, s22  }
0x10: {  	s19 =	simm.s32 $0x4800;
	s22 =	simm.s32 $0x7800;
	s0 =	simm.s32 $0xE800  }
.Ltmp0:
0x11: {  	[dreg:$0x4] =	wrdreg s7;
	s7 =	sadd.s32 $0x1000, s7;
	(pc) =	sbr.rel .LBB2_1-.Ltmp0, $4  }
0x12: {  	s5 =	smax.u32 s5, $0x1;
	s24 =	sshrl.u32 s23, $0x3;
	[dreg:$0x8] =	wrdreg s26  }
0x13: {  	s23 =	simm.s32 $0x8800;
	s26 =	simm.s32 $0x9800;
	[dreg:$0x5] =	wrdreg s7  }
0x14: {  	[dreg:$0x6] =	wrdreg s5;
	s25 =	sadd.s32 s24, s1;
	s24 =	simm.s32 $0x5  }
0x15: {  	s7 =	simm.s32 $0x0;
	[dreg:$0x7] =	wrdreg s25;
	s25 =	simm.s32 $0x4  }
.LBB2_6:
0x16: {  	s6 =	simm.s32 $0x6  }
0x17: {  	_ =	swait.ge [sflag:s6], $0x8000  }
0x18: {  	s7 =	rddreg [dreg:$0x9]  }
0x19: {  	s5 =	rddreg [dreg:$0x6];
	s7 =	sadd.s32 $0x1, s7  }
0x1a: {  	p0 =	sne.s32 s7, s5  }
.Ltmp1:
0x1b: {  	_ = 	snop;
	(pc) =	sbr.rel @!p0 .LBB2_7-.Ltmp1, $3  }
0x1c: {  	_ =	sdelay $0x1  }
0x1d: {  	[sflag:s6] =	ssyncset.done $0x0  }
0x1e: {  	[sflag:s6] =	ssyncadd.s32 $0xFFFF8000  }
.LBB2_1:
0x1f: {  	[dreg:$0x9] =	wrdreg s7  }
0x20: {  	s5 =	rddreg [dreg:$0x4]  }
0x21: {  	[tilespmem:s4], [sflag:$0x1] =	stream.linear.gather [hbm4b:s5+s4], $0x400, $0x38;
	[tilespmem:$0x10800] =	vst v63  }
0x22: {  	_ =	swait.ge [sflag:s11], $0x400  }
0x23: {  	[sflag:s11] =	ssyncset.done $0x0  }
0x24: {  	[sflag:s11] =	ssyncadd.s32 $0xFFFFFC00  }
0x25: {  	v0 =	vld [tilespmem:$0x80]  }
0x26: {  	v1 =	vld [tilespmem:$0x90]  }
0x27: {  	v2 =	vld [tilespmem:$0xA0]  }
0x28: {  	v3 =	vld [tilespmem:$0xB0]  }
0x29: {  	v4 =	vld [tilespmem:$0xC0]  }
0x2a: {  	v5 =	vld [tilespmem:$0xD0];
	v0 =	vadd.s32 $0x186A0, v0  }
0x2b: {  	v16 =	vld [tilespmem:$0xE0];
	v15 =	vadd.s32 $0x186A0, v1;
	[tilespmem:$0x80] =	vst v0  }
0x2c: {  	v18 =	vld [tilespmem:$0xF0];
	v17 =	vadd.s32 $0x186A0, v2;
	[tilespmem:$0x90] =	vst v15  }
0x2d: {  	v20 =	vld [tilespmem:$0x100];
	v19 =	vadd.s32 $0x186A0, v3;
	[tilespmem:$0xA0] =	vst v17  }
0x2e: {  	v22 =	vld [tilespmem:$0x110];
	v21 =	vadd.s32 $0x186A0, v4;
	[tilespmem:$0xB0] =	vst v19  }
0x2f: {  	v24 =	vld [tilespmem:$0x120];
	v23 =	vadd.s32 $0x186A0, v5;
	[tilespmem:$0xC0] =	vst v21  }
0x30: {  	v26 =	vld [tilespmem:$0x130];
	v25 =	vadd.s32 $0x186A0, v16;
	[tilespmem:$0xD0] =	vst v23  }
0x31: {  	v28 =	vld [tilespmem:$0x140];
	v27 =	vadd.s32 $0x186A0, v18;
	[tilespmem:$0xE0] =	vst v25  }
0x32: {  	v30 =	vld [tilespmem:$0x150];
	v29 =	vadd.s32 $0x30D40, v20;
	[tilespmem:$0xF0] =	vst v27  }
0x33: {  	v32 =	vld [tilespmem:$0x160];
	v31 =	vadd.s32 $0x30D40, v22;
	[tilespmem:$0x100] =	vst v29  }
0x34: {  	v34 =	vld [tilespmem:$0x170];
	v33 =	vadd.s32 $0x30D40, v24;
	[tilespmem:$0x110] =	vst v31  }
0x35: {  	v36 =	vld [tilespmem:$0x180];
	v35 =	vadd.s32 $0x30D40, v26;
	[tilespmem:$0x120] =	vst v33  }
0x36: {  	v38 =	vld [tilespmem:$0x190];
	v37 =	vadd.s32 $0x30D40, v28;
	[tilespmem:$0x130] =	vst v35  }
0x37: {  	v40 =	vld [tilespmem:$0x1A0];
	v39 =	vadd.s32 $0x30D40, v30;
	[tilespmem:$0x140] =	vst v37  }
0x38: {  	v42 =	vld [tilespmem:$0x1B0];
	v41 =	vadd.s32 $0x30D40, v32;
	[tilespmem:$0x150] =	vst v39  }
0x39: {  	v44 =	vld [tilespmem:$0x1C0];
	v43 =	vadd.s32 $0x30D40, v34;
	[tilespmem:$0x160] =	vst v41  }
0x3a: {  	v46 =	vld [tilespmem:$0x1D0];
	v45 =	vadd.s32 $0x493E0, v36;
	[tilespmem:$0x170] =	vst v43  }
0x3b: {  	v48 =	vld [tilespmem:$0x1E0];
	v47 =	vadd.s32 $0x493E0, v38;
	[tilespmem:$0x180] =	vst v45  }
0x3c: {  	v50 =	vld [tilespmem:$0x1F0];
	v49 =	vadd.s32 $0x493E0, v40;
	[tilespmem:$0x190] =	vst v47  }
0x3d: {  	v52 =	vld [tilespmem:$0x200];
	v51 =	vadd.s32 $0x493E0, v42;
	[tilespmem:$0x1A0] =	vst v49  }
0x3e: {  	v54 =	vld [tilespmem:$0x210];
	v53 =	vadd.s32 $0x493E0, v44;
	[tilespmem:$0x1B0] =	vst v51  }
0x3f: {  	v56 =	vld [tilespmem:$0x220];
	v55 =	vadd.s32 $0x493E0, v46;
	[tilespmem:$0x1C0] =	vst v53  }
0x40: {  	v58 =	vld [tilespmem:$0x230];
	v57 =	vadd.s32 $0x493E0, v48;
	[tilespmem:$0x1D0] =	vst v55  }
0x41: {  	v60 =	vld [tilespmem:$0x240];
	v59 =	vadd.s32 $0x493E0, v50;
	[tilespmem:$0x1E0] =	vst v57  }
0x42: {  	v62 =	vld [tilespmem:$0x250];
	v61 =	vadd.s32 $0x61A80, v52;
	[tilespmem:$0x1F0] =	vst v59  }
0x43: {  	v8 =	vld [tilespmem:$0x260];
	v63 =	vadd.s32 $0x61A80, v54;
	[tilespmem:$0x200] =	vst v61  }
0x44: {  	v10 =	vld [tilespmem:$0x270];
	v9 =	vadd.s32 $0x61A80, v56;
	[tilespmem:$0x210] =	vst v63  }
0x45: {  	v12 =	vld [tilespmem:$0x280];
	v11 =	vadd.s32 $0x61A80, v58;
	[tilespmem:$0x220] =	vst v9  }
0x46: {  	v14 =	vld [tilespmem:$0x290];
	v13 =	vadd.s32 $0x61A80, v60;
	[tilespmem:$0x230] =	vst v11  }
0x47: {  	v16 =	vld [tilespmem:$0x2A0];
	[tilespmem:$0x240] =	vst v13;
	v15 =	vadd.s32 $0x61A80, v62  }
0x48: {  	v18 =	vld [tilespmem:$0x2B0];
	v17 =	vadd.s32 $0x61A80, v8;
	[tilespmem:$0x250] =	vst v15  }
0x49: {  	v20 =	vld [tilespmem:$0x2C0];
	v19 =	vadd.s32 $0x61A80, v10;
	[tilespmem:$0x260] =	vst v17  }
0x4a: {  	v22 =	vld [tilespmem:$0x2D0];
	v21 =	vadd.s32 $0x7A120, v12;
	[tilespmem:$0x270] =	vst v19  }
0x4b: {  	v24 =	vld [tilespmem:$0x2E0];
	v23 =	vadd.s32 $0x7A120, v14;
	[tilespmem:$0x280] =	vst v21  }
0x4c: {  	v26 =	vld [tilespmem:$0x2F0];
	[tilespmem:$0x290] =	vst v23;
	v25 =	vadd.s32 $0x7A120, v16  }
0x4d: {  	v28 =	vld [tilespmem:$0x300];
	v27 =	vadd.s32 $0x7A120, v18;
	[tilespmem:$0x2A0] =	vst v25  }
0x4e: {  	v30 =	vld [tilespmem:$0x310];
	v29 =	vadd.s32 $0x7A120, v20;
	[tilespmem:$0x2B0] =	vst v27  }
0x4f: {  	v32 =	vld [tilespmem:$0x320];
	v31 =	vadd.s32 $0x7A120, v22;
	[tilespmem:$0x2C0] =	vst v29  }
0x50: {  	v34 =	vld [tilespmem:$0x330];
	v33 =	vadd.s32 $0x7A120, v24;
	[tilespmem:$0x2D0] =	vst v31  }
0x51: {  	v36 =	vld [tilespmem:$0x340];
	v35 =	vadd.s32 $0x7A120, v26;
	[tilespmem:$0x2E0] =	vst v33  }
0x52: {  	v38 =	vld [tilespmem:$0x350];
	v37 =	vadd.s32 $0x927C0, v28;
	[tilespmem:$0x2F0] =	vst v35  }
0x53: {  	v40 =	vld [tilespmem:$0x360];
	v39 =	vadd.s32 $0x927C0, v30;
	[tilespmem:$0x300] =	vst v37  }
0x54: {  	v42 =	vld [tilespmem:$0x370];
	v41 =	vadd.s32 $0x927C0, v32;
	[tilespmem:$0x310] =	vst v39  }
0x55: {  	v44 =	vld [tilespmem:$0x380];
	v43 =	vadd.s32 $0x927C0, v34;
	[tilespmem:$0x320] =	vst v41  }
0x56: {  	v46 =	vld [tilespmem:$0x390];
	v45 =	vadd.s32 $0x927C0, v36;
	[tilespmem:$0x330] =	vst v43  }
0x57: {  	v48 =	vld [tilespmem:$0x3A0];
	v47 =	vadd.s32 $0x927C0, v38;
	[tilespmem:$0x340] =	vst v45  }
0x58: {  	v50 =	vld [tilespmem:$0x3B0];
	v49 =	vadd.s32 $0x927C0, v40;
	[tilespmem:$0x350] =	vst v47  }
0x59: {  	v52 =	vld [tilespmem:$0x3C0];
	v51 =	vadd.s32 $0x927C0, v42;
	[tilespmem:$0x360] =	vst v49  }
0x5a: {  	v54 =	vld [tilespmem:$0x3D0];
	v53 =	vadd.s32 $0xAAE60, v44;
	[tilespmem:$0x370] =	vst v51  }
0x5b: {  	v56 =	vld [tilespmem:$0x3E0];
	v55 =	vadd.s32 $0xAAE60, v46;
	[tilespmem:$0x380] =	vst v53  }
0x5c: {  	v58 =	vld [tilespmem:$0x3F0];
	v57 =	vadd.s32 $0xAAE60, v48;
	[tilespmem:$0x390] =	vst v55  }
0x5d: {  	v59 =	vadd.s32 $0xAAE60, v50;
	[tilespmem:$0x3A0] =	vst v57  }
0x5e: {  	v60 =	vadd.s32 $0xAAE60, v52;
	[tilespmem:$0x3B0] =	vst v59  }
0x5f: {  	v61 =	vadd.s32 $0xAAE60, v54;
	[tilespmem:$0x3C0] =	vst v60  }
0x60: {  	v62 =	vadd.s32 $0xAAE60, v56;
	[tilespmem:$0x3D0] =	vst v61  }
0x61: {  	v63 =	vadd.s32 $0xAAE60, v58;
	[tilespmem:$0x3E0] =	vst v62  }
0x62: {  	s10 =	rddreg [dreg:$0x5];
	[tilespmem:$0x3F0] =	vst v63  }
0x63: {  	[tilespmem:s13], [sflag:$0x3] =	stream.indirect.gather [hbm4b:s3+s12], $0x20, s4, s12, $0xb8;
	[tilespmem:$0x10800] =	vst v63  }
0x64: {  	s9 =	rddreg [dreg:$0x7]  }
0x65: {  	[tilespmem:s12], [sflag:$0x2] =	stream.linear.gather [hbm4b:s10+s4], $0x400, $0x38;
	[tilespmem:$0x10800] =	vst v63  }
0x66: {  	s5 =	simm.s32 $0x0;
	s10 =	rddreg [dreg:$0x8]  }
.LBB2_2:
0x67: {  	_ =	swait.ge [sflag:s14], $0x400  }
0x68: {  	[sflag:s14] =	ssyncset.done $0x0  }
0x69: {  	[sflag:s14] =	ssyncadd.s32 $0xFFFFFC00  }
0x6a: {  	v0 =	vld [tilespmem:$0x480]  }
0x6b: {  	v1 =	vld [tilespmem:$0x490]  }
0x6c: {  	v2 =	vld [tilespmem:$0x4A0]  }
0x6d: {  	v3 =	vld [tilespmem:$0x4B0]  }
0x6e: {  	v4 =	vld [tilespmem:$0x4C0]  }
0x6f: {  	v5 =	vld [tilespmem:$0x4D0];
	v0 =	vadd.s32 $0x186A0, v0  }
0x70: {  	v16 =	vld [tilespmem:$0x4E0];
	v15 =	vadd.s32 $0x186A0, v1;
	[tilespmem:$0x480] =	vst v0  }
0x71: {  	v18 =	vld [tilespmem:$0x4F0];
	v17 =	vadd.s32 $0x186A0, v2;
	[tilespmem:$0x490] =	vst v15  }
0x72: {  	v20 =	vld [tilespmem:$0x500];
	v19 =	vadd.s32 $0x186A0, v3;
	[tilespmem:$0x4A0] =	vst v17  }
0x73: {  	v22 =	vld [tilespmem:$0x510];
	v21 =	vadd.s32 $0x186A0, v4;
	[tilespmem:$0x4B0] =	vst v19  }
0x74: {  	v24 =	vld [tilespmem:$0x520];
	v23 =	vadd.s32 $0x186A0, v5;
	[tilespmem:$0x4C0] =	vst v21  }
0x75: {  	v26 =	vld [tilespmem:$0x530];
	v25 =	vadd.s32 $0x186A0, v16;
	[tilespmem:$0x4D0] =	vst v23  }
0x76: {  	v28 =	vld [tilespmem:$0x540];
	v27 =	vadd.s32 $0x186A0, v18;
	[tilespmem:$0x4E0] =	vst v25  }
0x77: {  	v30 =	vld [tilespmem:$0x550];
	v29 =	vadd.s32 $0x30D40, v20;
	[tilespmem:$0x4F0] =	vst v27  }
0x78: {  	v32 =	vld [tilespmem:$0x560];
	v31 =	vadd.s32 $0x30D40, v22;
	[tilespmem:$0x500] =	vst v29  }
0x79: {  	v34 =	vld [tilespmem:$0x570];
	v33 =	vadd.s32 $0x30D40, v24;
	[tilespmem:$0x510] =	vst v31  }
0x7a: {  	v36 =	vld [tilespmem:$0x580];
	v35 =	vadd.s32 $0x30D40, v26;
	[tilespmem:$0x520] =	vst v33  }
0x7b: {  	v38 =	vld [tilespmem:$0x590];
	v37 =	vadd.s32 $0x30D40, v28;
	[tilespmem:$0x530] =	vst v35  }
0x7c: {  	v40 =	vld [tilespmem:$0x5A0];
	v39 =	vadd.s32 $0x30D40, v30;
	[tilespmem:$0x540] =	vst v37  }
0x7d: {  	v42 =	vld [tilespmem:$0x5B0];
	v41 =	vadd.s32 $0x30D40, v32;
	[tilespmem:$0x550] =	vst v39  }
0x7e: {  	v44 =	vld [tilespmem:$0x5C0];
	v43 =	vadd.s32 $0x30D40, v34;
	[tilespmem:$0x560] =	vst v41  }
0x7f: {  	v46 =	vld [tilespmem:$0x5D0];
	v45 =	vadd.s32 $0x493E0, v36;
	[tilespmem:$0x570] =	vst v43  }
0x80: {  	v48 =	vld [tilespmem:$0x5E0];
	v47 =	vadd.s32 $0x493E0, v38;
	[tilespmem:$0x580] =	vst v45  }
0x81: {  	v50 =	vld [tilespmem:$0x5F0];
	v49 =	vadd.s32 $0x493E0, v40;
	[tilespmem:$0x590] =	vst v47  }
0x82: {  	v52 =	vld [tilespmem:$0x600];
	v51 =	vadd.s32 $0x493E0, v42;
	[tilespmem:$0x5A0] =	vst v49  }
0x83: {  	v54 =	vld [tilespmem:$0x610];
	v53 =	vadd.s32 $0x493E0, v44;
	[tilespmem:$0x5B0] =	vst v51  }
0x84: {  	v56 =	vld [tilespmem:$0x620];
	v55 =	vadd.s32 $0x493E0, v46;
	[tilespmem:$0x5C0] =	vst v53  }
0x85: {  	v58 =	vld [tilespmem:$0x630];
	v57 =	vadd.s32 $0x493E0, v48;
	[tilespmem:$0x5D0] =	vst v55  }
0x86: {  	v60 =	vld [tilespmem:$0x640];
	v59 =	vadd.s32 $0x493E0, v50;
	[tilespmem:$0x5E0] =	vst v57  }
0x87: {  	v62 =	vld [tilespmem:$0x650];
	v61 =	vadd.s32 $0x61A80, v52;
	[tilespmem:$0x5F0] =	vst v59  }
0x88: {  	v8 =	vld [tilespmem:$0x660];
	v63 =	vadd.s32 $0x61A80, v54;
	[tilespmem:$0x600] =	vst v61  }
0x89: {  	v10 =	vld [tilespmem:$0x670];
	v9 =	vadd.s32 $0x61A80, v56;
	[tilespmem:$0x610] =	vst v63  }
0x8a: {  	v12 =	vld [tilespmem:$0x680];
	v11 =	vadd.s32 $0x61A80, v58;
	[tilespmem:$0x620] =	vst v9  }
0x8b: {  	v14 =	vld [tilespmem:$0x690];
	v13 =	vadd.s32 $0x61A80, v60;
	[tilespmem:$0x630] =	vst v11  }
0x8c: {  	v16 =	vld [tilespmem:$0x6A0];
	[tilespmem:$0x640] =	vst v13;
	v15 =	vadd.s32 $0x61A80, v62  }
0x8d: {  	v18 =	vld [tilespmem:$0x6B0];
	v17 =	vadd.s32 $0x61A80, v8;
	[tilespmem:$0x650] =	vst v15  }
0x8e: {  	v20 =	vld [tilespmem:$0x6C0];
	v19 =	vadd.s32 $0x61A80, v10;
	[tilespmem:$0x660] =	vst v17  }
0x8f: {  	v22 =	vld [tilespmem:$0x6D0];
	v21 =	vadd.s32 $0x7A120, v12;
	[tilespmem:$0x670] =	vst v19  }
0x90: {  	v24 =	vld [tilespmem:$0x6E0];
	v23 =	vadd.s32 $0x7A120, v14;
	[tilespmem:$0x680] =	vst v21  }
0x91: {  	v26 =	vld [tilespmem:$0x6F0];
	[tilespmem:$0x690] =	vst v23;
	v25 =	vadd.s32 $0x7A120, v16  }
0x92: {  	v28 =	vld [tilespmem:$0x700];
	v27 =	vadd.s32 $0x7A120, v18;
	[tilespmem:$0x6A0] =	vst v25  }
0x93: {  	v30 =	vld [tilespmem:$0x710];
	v29 =	vadd.s32 $0x7A120, v20;
	[tilespmem:$0x6B0] =	vst v27  }
0x94: {  	v32 =	vld [tilespmem:$0x720];
	v31 =	vadd.s32 $0x7A120, v22;
	[tilespmem:$0x6C0] =	vst v29  }
0x95: {  	v34 =	vld [tilespmem:$0x730];
	v33 =	vadd.s32 $0x7A120, v24;
	[tilespmem:$0x6D0] =	vst v31  }
0x96: {  	v36 =	vld [tilespmem:$0x740];
	v35 =	vadd.s32 $0x7A120, v26;
	[tilespmem:$0x6E0] =	vst v33  }
0x97: {  	v38 =	vld [tilespmem:$0x750];
	v37 =	vadd.s32 $0x927C0, v28;
	[tilespmem:$0x6F0] =	vst v35  }
0x98: {  	v40 =	vld [tilespmem:$0x760];
	v39 =	vadd.s32 $0x927C0, v30;
	[tilespmem:$0x700] =	vst v37  }
0x99: {  	v42 =	vld [tilespmem:$0x770];
	v41 =	vadd.s32 $0x927C0, v32;
	[tilespmem:$0x710] =	vst v39  }
0x9a: {  	v44 =	vld [tilespmem:$0x780];
	v43 =	vadd.s32 $0x927C0, v34;
	[tilespmem:$0x720] =	vst v41  }
0x9b: {  	v46 =	vld [tilespmem:$0x790];
	v45 =	vadd.s32 $0x927C0, v36;
	[tilespmem:$0x730] =	vst v43  }
0x9c: {  	v48 =	vld [tilespmem:$0x7A0];
	v47 =	vadd.s32 $0x927C0, v38;
	[tilespmem:$0x740] =	vst v45  }
0x9d: {  	v50 =	vld [tilespmem:$0x7B0];
	v49 =	vadd.s32 $0x927C0, v40;
	[tilespmem:$0x750] =	vst v47  }
0x9e: {  	v52 =	vld [tilespmem:$0x7C0];
	v51 =	vadd.s32 $0x927C0, v42;
	[tilespmem:$0x760] =	vst v49  }
0x9f: {  	v54 =	vld [tilespmem:$0x7D0];
	v53 =	vadd.s32 $0xAAE60, v44;
	[tilespmem:$0x770] =	vst v51  }
0xa0: {  	v56 =	vld [tilespmem:$0x7E0];
	v55 =	vadd.s32 $0xAAE60, v46;
	[tilespmem:$0x780] =	vst v53  }
0xa1: {  	v58 =	vld [tilespmem:$0x7F0];
	v57 =	vadd.s32 $0xAAE60, v48;
	[tilespmem:$0x790] =	vst v55  }
0xa2: {  	v59 =	vadd.s32 $0xAAE60, v50;
	[tilespmem:$0x7A0] =	vst v57  }
0xa3: {  	v60 =	vadd.s32 $0xAAE60, v52;
	[tilespmem:$0x7B0] =	vst v59  }
0xa4: {  	v61 =	vadd.s32 $0xAAE60, v54;
	[tilespmem:$0x7C0] =	vst v60  }
0xa5: {  	v62 =	vadd.s32 $0xAAE60, v56;
	[tilespmem:$0x7D0] =	vst v61  }
0xa6: {  	p0 =	seq.s32 s5, $0x0;
	v63 =	vadd.s32 $0xAAE60, v58;
	[tilespmem:$0x7E0] =	vst v62  }
0xa7: {  	s6 =	simm.s32 @!p0 $0x6;
	[tilespmem:$0x7F0] =	vst v63  }
0xa8: {  	_ =	swait.ge @!p0 [sflag:s6], $0x8000  }
0xa9: {  	[sflag:s6] =	ssyncset.done @!p0 $0x0  }
0xaa: {  	[sflag:s6] =	ssyncadd.s32 @!p0 $0xFFFF8000  }
0xab: {  	_ =	swait.ge [sflag:s15], $0x8000  }
0xac: {  	[sflag:s15] =	ssyncset.done $0x0  }
0xad: {  	s6 =	sadd.s32 s5, s8;
	[sflag:s15] =	ssyncadd.s32 $0xFFFF8000  }
0xae: {  	[hbm4b:s6+s4] =	stream.linear.scatter [tilespmem:s13], [sflag:$0x5], $0x1000, $0x38;
	[tilespmem:$0x10800] =	vst v63  }
0xaf: {  	s7 =	sadd.s32 $0x4000, s6  }
0xb0: {  	[hbm4b:s7+s4] =	stream.linear.scatter [tilespmem:s16], [sflag:$0x5], $0x1000, $0x38;
	[tilespmem:$0x10800] =	vst v63  }
0xb1: {  	s7 =	sadd.s32 $0x8000, s6  }
0xb2: {  	[hbm4b:s7+s4] =	stream.linear.scatter [tilespmem:s17], [sflag:$0x5], $0x1000, $0x38;
	[tilespmem:$0x10800] =	vst v63  }
0xb3: {  	s7 =	sadd.s32 $0xC000, s6  }
0xb4: {  	[hbm4b:s7+s4] =	stream.linear.scatter [tilespmem:s18], [sflag:$0x5], $0x1000, $0x38;
	[tilespmem:$0x10800] =	vst v63  }
0xb5: {  	s7 =	sadd.s32 $0x10000, s6  }
0xb6: {  	[hbm4b:s7+s4] =	stream.linear.scatter [tilespmem:s19], [sflag:$0x5], $0x1000, $0x38;
	[tilespmem:$0x10800] =	vst v63  }
0xb7: {  	s7 =	sadd.s32 $0x14000, s6  }
0xb8: {  	[hbm4b:s7+s4] =	stream.linear.scatter [tilespmem:s20], [sflag:$0x5], $0x1000, $0x38;
	[tilespmem:$0x10800] =	vst v63  }
0xb9: {  	p0 =	seq.s32 s5, $0x600000;
	s7 =	sadd.s32 $0x18000, s6  }
0xba: {  	[hbm4b:s7+s4] =	stream.linear.scatter [tilespmem:s21], [sflag:$0x5], $0x1000, $0x38;
	[tilespmem:$0x10800] =	vst v63  }
.Ltmp2:
0xbb: {  	_ = 	snop;
	(pc) =	sbr.rel @p0 .LBB2_4-.Ltmp2, $4  }
0xbc: {  	s7 =	sadd.s32 $0x1C000, s6  }
0xbd: {  	[hbm4b:s7+s4] =	stream.linear.scatter [tilespmem:s22], [sflag:$0x5], $0x1000, $0x38;
	[tilespmem:$0x10800] =	vst v63  }
0xbe: {  	_ = 	snop  }
0xbf: {  	[tilespmem:s23], [sflag:$0x4] =	stream.indirect.gather [hbm4b:s3+s12], $0x20, s12, s12, $0xb8;
	[tilespmem:$0x10800] =	vst v63  }
0xc0: {  	s7 =	sshrl.u32 s10, $0x3  }
0xc1: {  	s7 =	sadd.s32 s1, s7  }
0xc2: {  	[tilespmem:s4], [sflag:$0x1] =	stream.linear.gather [hbm4b:s7+s4], $0x400, $0x38;
	[tilespmem:$0x10800] =	vst v63  }
0xc3: {  	_ =	swait.ge [sflag:s11], $0x400  }
0xc4: {  	[sflag:s11] =	ssyncset.done $0x0  }
0xc5: {  	[sflag:s11] =	ssyncadd.s32 $0xFFFFFC00  }
0xc6: {  	v0 =	vld [tilespmem:$0x80]  }
0xc7: {  	v1 =	vld [tilespmem:$0x90]  }
0xc8: {  	v2 =	vld [tilespmem:$0xA0]  }
0xc9: {  	v3 =	vld [tilespmem:$0xB0]  }
0xca: {  	v4 =	vld [tilespmem:$0xC0]  }
0xcb: {  	v5 =	vld [tilespmem:$0xD0];
	v0 =	vadd.s32 $0x186A0, v0  }
0xcc: {  	v16 =	vld [tilespmem:$0xE0];
	v15 =	vadd.s32 $0x186A0, v1;
	[tilespmem:$0x80] =	vst v0  }
0xcd: {  	v18 =	vld [tilespmem:$0xF0];
	v17 =	vadd.s32 $0x186A0, v2;
	[tilespmem:$0x90] =	vst v15  }
0xce: {  	v20 =	vld [tilespmem:$0x100];
	v19 =	vadd.s32 $0x186A0, v3;
	[tilespmem:$0xA0] =	vst v17  }
0xcf: {  	v22 =	vld [tilespmem:$0x110];
	v21 =	vadd.s32 $0x186A0, v4;
	[tilespmem:$0xB0] =	vst v19  }
0xd0: {  	v24 =	vld [tilespmem:$0x120];
	v23 =	vadd.s32 $0x186A0, v5;
	[tilespmem:$0xC0] =	vst v21  }
0xd1: {  	v26 =	vld [tilespmem:$0x130];
	v25 =	vadd.s32 $0x186A0, v16;
	[tilespmem:$0xD0] =	vst v23  }
0xd2: {  	v28 =	vld [tilespmem:$0x140];
	v27 =	vadd.s32 $0x186A0, v18;
	[tilespmem:$0xE0] =	vst v25  }
0xd3: {  	v30 =	vld [tilespmem:$0x150];
	v29 =	vadd.s32 $0x30D40, v20;
	[tilespmem:$0xF0] =	vst v27  }
0xd4: {  	v32 =	vld [tilespmem:$0x160];
	v31 =	vadd.s32 $0x30D40, v22;
	[tilespmem:$0x100] =	vst v29  }
0xd5: {  	v34 =	vld [tilespmem:$0x170];
	v33 =	vadd.s32 $0x30D40, v24;
	[tilespmem:$0x110] =	vst v31  }
0xd6: {  	v36 =	vld [tilespmem:$0x180];
	v35 =	vadd.s32 $0x30D40, v26;
	[tilespmem:$0x120] =	vst v33  }
0xd7: {  	v38 =	vld [tilespmem:$0x190];
	v37 =	vadd.s32 $0x30D40, v28;
	[tilespmem:$0x130] =	vst v35  }
0xd8: {  	v40 =	vld [tilespmem:$0x1A0];
	v39 =	vadd.s32 $0x30D40, v30;
	[tilespmem:$0x140] =	vst v37  }
0xd9: {  	v42 =	vld [tilespmem:$0x1B0];
	v41 =	vadd.s32 $0x30D40, v32;
	[tilespmem:$0x150] =	vst v39  }
0xda: {  	v44 =	vld [tilespmem:$0x1C0];
	v43 =	vadd.s32 $0x30D40, v34;
	[tilespmem:$0x160] =	vst v41  }
0xdb: {  	v46 =	vld [tilespmem:$0x1D0];
	v45 =	vadd.s32 $0x493E0, v36;
	[tilespmem:$0x170] =	vst v43  }
0xdc: {  	v48 =	vld [tilespmem:$0x1E0];
	v47 =	vadd.s32 $0x493E0, v38;
	[tilespmem:$0x180] =	vst v45  }
0xdd: {  	v50 =	vld [tilespmem:$0x1F0];
	v49 =	vadd.s32 $0x493E0, v40;
	[tilespmem:$0x190] =	vst v47  }
0xde: {  	v52 =	vld [tilespmem:$0x200];
	v51 =	vadd.s32 $0x493E0, v42;
	[tilespmem:$0x1A0] =	vst v49  }
0xdf: {  	v54 =	vld [tilespmem:$0x210];
	v53 =	vadd.s32 $0x493E0, v44;
	[tilespmem:$0x1B0] =	vst v51  }
0xe0: {  	v56 =	vld [tilespmem:$0x220];
	v55 =	vadd.s32 $0x493E0, v46;
	[tilespmem:$0x1C0] =	vst v53  }
0xe1: {  	v58 =	vld [tilespmem:$0x230];
	v57 =	vadd.s32 $0x493E0, v48;
	[tilespmem:$0x1D0] =	vst v55  }
0xe2: {  	v60 =	vld [tilespmem:$0x240];
	v59 =	vadd.s32 $0x493E0, v50;
	[tilespmem:$0x1E0] =	vst v57  }
0xe3: {  	v62 =	vld [tilespmem:$0x250];
	v61 =	vadd.s32 $0x61A80, v52;
	[tilespmem:$0x1F0] =	vst v59  }
0xe4: {  	v8 =	vld [tilespmem:$0x260];
	v63 =	vadd.s32 $0x61A80, v54;
	[tilespmem:$0x200] =	vst v61  }
0xe5: {  	v10 =	vld [tilespmem:$0x270];
	v9 =	vadd.s32 $0x61A80, v56;
	[tilespmem:$0x210] =	vst v63  }
0xe6: {  	v12 =	vld [tilespmem:$0x280];
	v11 =	vadd.s32 $0x61A80, v58;
	[tilespmem:$0x220] =	vst v9  }
0xe7: {  	v14 =	vld [tilespmem:$0x290];
	v13 =	vadd.s32 $0x61A80, v60;
	[tilespmem:$0x230] =	vst v11  }
0xe8: {  	v16 =	vld [tilespmem:$0x2A0];
	[tilespmem:$0x240] =	vst v13;
	v15 =	vadd.s32 $0x61A80, v62  }
0xe9: {  	v18 =	vld [tilespmem:$0x2B0];
	v17 =	vadd.s32 $0x61A80, v8;
	[tilespmem:$0x250] =	vst v15  }
0xea: {  	v20 =	vld [tilespmem:$0x2C0];
	v19 =	vadd.s32 $0x61A80, v10;
	[tilespmem:$0x260] =	vst v17  }
0xeb: {  	v22 =	vld [tilespmem:$0x2D0];
	v21 =	vadd.s32 $0x7A120, v12;
	[tilespmem:$0x270] =	vst v19  }
0xec: {  	v24 =	vld [tilespmem:$0x2E0];
	v23 =	vadd.s32 $0x7A120, v14;
	[tilespmem:$0x280] =	vst v21  }
0xed: {  	v26 =	vld [tilespmem:$0x2F0];
	[tilespmem:$0x290] =	vst v23;
	v25 =	vadd.s32 $0x7A120, v16  }
0xee: {  	v28 =	vld [tilespmem:$0x300];
	v27 =	vadd.s32 $0x7A120, v18;
	[tilespmem:$0x2A0] =	vst v25  }
0xef: {  	v30 =	vld [tilespmem:$0x310];
	v29 =	vadd.s32 $0x7A120, v20;
	[tilespmem:$0x2B0] =	vst v27  }
0xf0: {  	v32 =	vld [tilespmem:$0x320];
	v31 =	vadd.s32 $0x7A120, v22;
	[tilespmem:$0x2C0] =	vst v29  }
0xf1: {  	v34 =	vld [tilespmem:$0x330];
	v33 =	vadd.s32 $0x7A120, v24;
	[tilespmem:$0x2D0] =	vst v31  }
0xf2: {  	v36 =	vld [tilespmem:$0x340];
	v35 =	vadd.s32 $0x7A120, v26;
	[tilespmem:$0x2E0] =	vst v33  }
0xf3: {  	v38 =	vld [tilespmem:$0x350];
	v37 =	vadd.s32 $0x927C0, v28;
	[tilespmem:$0x2F0] =	vst v35  }
0xf4: {  	v40 =	vld [tilespmem:$0x360];
	v39 =	vadd.s32 $0x927C0, v30;
	[tilespmem:$0x300] =	vst v37  }
0xf5: {  	v42 =	vld [tilespmem:$0x370];
	v41 =	vadd.s32 $0x927C0, v32;
	[tilespmem:$0x310] =	vst v39  }
0xf6: {  	v44 =	vld [tilespmem:$0x380];
	v43 =	vadd.s32 $0x927C0, v34;
	[tilespmem:$0x320] =	vst v41  }
0xf7: {  	v46 =	vld [tilespmem:$0x390];
	v45 =	vadd.s32 $0x927C0, v36;
	[tilespmem:$0x330] =	vst v43  }
0xf8: {  	v48 =	vld [tilespmem:$0x3A0];
	v47 =	vadd.s32 $0x927C0, v38;
	[tilespmem:$0x340] =	vst v45  }
0xf9: {  	v50 =	vld [tilespmem:$0x3B0];
	v49 =	vadd.s32 $0x927C0, v40;
	[tilespmem:$0x350] =	vst v47  }
0xfa: {  	v52 =	vld [tilespmem:$0x3C0];
	v51 =	vadd.s32 $0x927C0, v42;
	[tilespmem:$0x360] =	vst v49  }
0xfb: {  	v54 =	vld [tilespmem:$0x3D0];
	v53 =	vadd.s32 $0xAAE60, v44;
	[tilespmem:$0x370] =	vst v51  }
0xfc: {  	v56 =	vld [tilespmem:$0x3E0];
	v55 =	vadd.s32 $0xAAE60, v46;
	[tilespmem:$0x380] =	vst v53  }
0xfd: {  	v58 =	vld [tilespmem:$0x3F0];
	v57 =	vadd.s32 $0xAAE60, v48;
	[tilespmem:$0x390] =	vst v55  }
0xfe: {  	v59 =	vadd.s32 $0xAAE60, v50;
	[tilespmem:$0x3A0] =	vst v57  }
0xff: {  	v60 =	vadd.s32 $0xAAE60, v52;
	[tilespmem:$0x3B0] =	vst v59  }
0x100: {  	v61 =	vadd.s32 $0xAAE60, v54;
	[tilespmem:$0x3C0] =	vst v60  }
0x101: {  	v62 =	vadd.s32 $0xAAE60, v56;
	[tilespmem:$0x3D0] =	vst v61  }
0x102: {  	v63 =	vadd.s32 $0xAAE60, v58;
	[tilespmem:$0x3E0] =	vst v62  }
0x103: {  	[tilespmem:$0x3F0] =	vst v63  }
.LBB2_4:
0x104: {  	_ =	swait.ge [sflag:s24], $0x8000  }
0x105: {  	[sflag:s24] =	ssyncset.done $0x0  }
0x106: {  	[sflag:s24] =	ssyncadd.s32 $0xFFFF8000  }
0x107: {  	_ =	swait.ge [sflag:s25], $0x8000  }
0x108: {  	[sflag:s25] =	ssyncset.done $0x0  }
0x109: {  	s7 =	sadd.s32 $0x20000, s6;
	[sflag:s25] =	ssyncadd.s32 $0xFFFF8000  }
0x10a: {  	[hbm4b:s7+s4] =	stream.linear.scatter [tilespmem:s23], [sflag:$0x6], $0x1000, $0x38;
	[tilespmem:$0x10800] =	vst v63  }
0x10b: {  	s7 =	sadd.s32 $0x24000, s6  }
0x10c: {  	[hbm4b:s7+s4] =	stream.linear.scatter [tilespmem:s26], [sflag:$0x6], $0x1000, $0x38;
	[tilespmem:$0x10800] =	vst v63  }
0x10d: {  	s7 =	sadd.s32 $0x28000, s6  }
0x10e: {  	[hbm4b:s7+s4] =	stream.linear.scatter [tilespmem:s28], [sflag:$0x6], $0x1000, $0x38;
	[tilespmem:$0x10800] =	vst v63  }
0x10f: {  	s7 =	sadd.s32 $0x2C000, s6  }
0x110: {  	[hbm4b:s7+s4] =	stream.linear.scatter [tilespmem:s29], [sflag:$0x6], $0x1000, $0x38;
	[tilespmem:$0x10800] =	vst v63  }
0x111: {  	s7 =	sadd.s32 $0x30000, s6  }
0x112: {  	[hbm4b:s7+s4] =	stream.linear.scatter [tilespmem:s30], [sflag:$0x6], $0x1000, $0x38;
	[tilespmem:$0x10800] =	vst v63  }
0x113: {  	s7 =	sadd.s32 $0x34000, s6  }
0x114: {  	[hbm4b:s7+s4] =	stream.linear.scatter [tilespmem:s31], [sflag:$0x6], $0x1000, $0x38;
	[tilespmem:$0x10800] =	vst v63  }
.Ltmp3:
0x115: {  	_ = 	snop;
	(pc) =	sbr.rel @p0 .LBB2_6-.Ltmp3, $4  }
0x116: {  	s7 =	sadd.s32 $0x38000, s6  }
0x117: {  	[hbm4b:s7+s4] =	stream.linear.scatter [tilespmem:s0], [sflag:$0x6], $0x1000, $0x38;
	[tilespmem:$0x10800] =	vst v63  }
0x118: {  	s7 =	sadd.s32 $0x3C000, s6  }
0x119: {  	[hbm4b:s7+s4] =	stream.linear.scatter [tilespmem:s2], [sflag:$0x6], $0x1000, $0x38;
	[tilespmem:$0x10800] =	vst v63  }
.Ltmp4:
0x11a: {  	(pc) =	sbr.rel .LBB2_2-.Ltmp4, $4  }
0x11b: {  	[tilespmem:s13], [sflag:$0x3] =	stream.indirect.gather [hbm4b:s3+s12], $0x20, s4, s12, $0xb8;
	[tilespmem:$0x10800] =	vst v63  }
0x11c: {  	_ = 	snop  }
0x11d: {  	[tilespmem:s12], [sflag:$0x2] =	stream.linear.gather [hbm4b:s9+s4], $0x400, $0x38;
	[tilespmem:$0x10800] =	vst v63  }
0x11e: {  	s5 =	sadd.s32 $0x40000, s5;
	s10 =	sadd.s32 $0x10000, s10;
	s9 =	sadd.s32 $0x2000, s9  }
.LBB2_7:
0x11f: {  	_ =	sfence.sel $0x180000  }
0x120: {  	[bflag:$0x0] =	sbarrier.arrive $0xFFFF  }
0x121: {  	_ =	strace $0x90000047  }
0x122: {  	s0 =	stileid.u32;
	[bflag:$0x2] =	sbarrier.arrive $0xFFFF  }
0x123: {  	p0 =	sne.s32 s0, $0x0;
	s0 =	rddreg [dreg:$0x3]  }
0x124: {  	s0 =	sadd.s32 @!p0 $0x100000, s0  }
0x125: {  	[sflag:s0] =	ssyncadd.tile.s32 @!p0 $0x1;
	_ =	shalt  }
.Lfunc_end2:
_tile_overlayer_lowered:
.L_overlay_start_2:
0x126: {  	(tag) =	ssettag $0x2  }
0x127: {  	s0 =	rddreg [dreg:$0x0];
	s2 =	stileid.u32  }
0x128: {  	s1 =	rddreg [dreg:$0x1];
	p0 =	sne.s32 s2, $0x0  }
0x129: {  	s3 =	rddreg [dreg:$0x2];
	[bflag:$0x3] =	sbarrier.arrive $0xFFFF;
	s2 =	simm.s32 @!p0 $0x1C07  }
0x12a: {  	[timem:s3], [sflag:s2] =	dma.local @!p0 [hbm:s0], s1  }
0x12b: {  	s0 =	simm.s32 @!p0 $0x7  }
0x12c: {  	_ =	swait.ge @!p0 [sflag:s0], s1  }
0x12d: {  	s1 =	ssub.s32 @!p0 $0x0, s1;
	[sflag:s0] =	ssyncset.done @!p0 $0x0  }
0x12e: {  	[sflag:s0] =	ssyncadd.s32 @!p0 s1  }
0x12f: {  	[bflag:$0x3] =	sbarrier.arrive $0xFFFF  }
0x130: {  	_ =	shalt  }

</sc_bundles>
